<compile_context>
chip_gen: v7x
topology: tpu7x:2x2x1
jax: 0.10.2.dev20260603
libtpu: 0.0.44.dev20260713+nightly
codegen_flags: <defaults>
</compile_context>

<pallas_src>
import jax
import jax.numpy as jnp
from jax import lax
from jax.experimental import pallas as pl
from jax.experimental.pallas import tpu as pltpu
from jax.experimental.pallas import tpu_sc as plsc

N = 10000
D = 128
E = 320000

NC = 2
NS = 16
NW = NC * NS
EW = E // NW
CH = 80
NCHUNK = EW // CH
NBLK = 5
BCH = NCHUNK // NBLK
RW = 624
RTAIL = N - RW * NS

_mesh = plsc.VectorSubcoreMesh(
    core_axis_name="c", subcore_axis_name="s", num_cores=NC, num_subcores=NS
)


def _deg_body(dst_hbm, zeros_hbm, deg_out, dst_v, ones_v, dsem, dsem2, deg_sp):
    c = lax.axis_index("c")
    s = lax.axis_index("s")
    wid = c * NS + s
    pltpu.sync_copy(dst_hbm.at[wid], dst_v)
    for i in range(CH // 16):
        ones_v[pl.ds(i * 16, 16)] = jnp.ones((16,), jnp.float32)

    @pl.when(s == 0)
    def _():
        pltpu.sync_copy(zeros_hbm, deg_sp)

    plsc.subcore_barrier()

    def step(j, carry):
        par2 = lax.rem(j, 2)

        @pl.when((j > 1) & (par2 == 0))
        def _():
            pltpu.make_async_copy(ones_v, deg_sp.at[dst_v.at[j]], dsem).wait()

        @pl.when((j > 1) & (par2 == 1))
        def _():
            pltpu.make_async_copy(ones_v, deg_sp.at[dst_v.at[j]], dsem2).wait()

        @pl.when(par2 == 0)
        def _():
            pltpu.async_copy(ones_v, deg_sp.at[dst_v.at[j]], dsem, add=True)

        @pl.when(par2 == 1)
        def _():
            pltpu.async_copy(ones_v, deg_sp.at[dst_v.at[j]], dsem2, add=True)

        return carry

    lax.fori_loop(0, NCHUNK, step, 0)
    pltpu.make_async_copy(ones_v, deg_sp.at[dst_v.at[0]], dsem).wait()
    pltpu.make_async_copy(ones_v, deg_sp.at[dst_v.at[0]], dsem2).wait()
    plsc.subcore_barrier()

    @pl.when(s == 0)
    def _():
        pltpu.sync_copy(deg_sp, deg_out.at[c])


_deg_call = pl.kernel(
    _deg_body,
    out_type=jax.ShapeDtypeStruct((NC, N), jnp.float32),
    mesh=_mesh,
    scratch_types=[
        pltpu.VMEM((NCHUNK, CH), jnp.int32),
        pltpu.VMEM((CH,), jnp.float32),
        pltpu.SemaphoreType.DMA,
        pltpu.SemaphoreType.DMA,
        pltpu.VMEM_SHARED((N,), jnp.float32),
    ],
)


def _agg_body(tp_hbm, edges_hbm, zeros_hbm, acc_out,
              idx_v, rows_v, isem, gsem, gsem2, ssem, zsem, acc_sp):
    c = lax.axis_index("c")
    s = lax.axis_index("s")
    wid = c * NS + s

    base = s * RW
    zdesc = pltpu.async_copy(zeros_hbm.at[pl.ds(base, RW)],
                             acc_sp.at[pl.ds(base, RW)], zsem)

    @pl.when(s == NS - 1)
    def _():
        pltpu.async_copy(zeros_hbm.at[pl.ds(RW * NS, RTAIL)],
                         acc_sp.at[pl.ds(RW * NS, RTAIL)], zsem)

    pltpu.sync_copy(edges_hbm.at[wid].at[pl.ds(0, BCH)], idx_v.at[0])
    pltpu.async_copy(tp_hbm.at[idx_v.at[0].at[0].at[0]], rows_v.at[0], gsem)
    pltpu.async_copy(tp_hbm.at[idx_v.at[0].at[1].at[0]], rows_v.at[1], gsem2)

    zdesc.wait()

    @pl.when(s == NS - 1)
    def _():
        pltpu.make_async_copy(zeros_hbm.at[pl.ds(RW * NS, RTAIL)],
                              acc_sp.at[pl.ds(RW * NS, RTAIL)], zsem).wait()

    plsc.subcore_barrier()

    def blk_loop(b, carry):
        bpar = lax.rem(b, 2)

        def step(pos, carry2):
            j = b * BCH + pos
            par2 = lax.rem(j, 2)
            slot = lax.rem(j, 3)
            s2 = lax.rem(j + 2, 3)

            @pl.when(j > 0)
            def _():
                pltpu.make_async_copy(
                    rows_v.at[slot],
                    acc_sp.at[idx_v.at[bpar].at[pos].at[1]], ssem).wait()

            @pl.when((pos == 0) & (b < NBLK - 1))
            def _():
                pltpu.async_copy(edges_hbm.at[wid].at[pl.ds((b + 1) * BCH, BCH)],
                                 idx_v.at[1 - bpar], isem)

            @pl.when(par2 == 0)
            def _():
                pltpu.make_async_copy(tp_hbm.at[idx_v.at[bpar].at[pos].at[0]],
                                      rows_v.at[slot], gsem).wait()

            @pl.when(par2 == 1)
            def _():
                pltpu.make_async_copy(tp_hbm.at[idx_v.at[bpar].at[pos].at[0]],
                                      rows_v.at[slot], gsem2).wait()

            @pl.when((pos == BCH - 2) & (b < NBLK - 1))
            def _():
                pltpu.make_async_copy(
                    edges_hbm.at[wid].at[pl.ds((b + 1) * BCH, BCH)],
                    idx_v.at[1 - bpar], isem).wait()

            nb = jnp.where(pos >= BCH - 2, 1 - bpar, bpar)
            npos = jnp.where(pos >= BCH - 2, pos + 2 - BCH, pos + 2)

            @pl.when((j < NCHUNK - 2) & (par2 == 0))
            def _():
                pltpu.async_copy(tp_hbm.at[idx_v.at[nb].at[npos].at[0]],
                                 rows_v.at[s2], gsem)

            @pl.when((j < NCHUNK - 2) & (par2 == 1))
            def _():
                pltpu.async_copy(tp_hbm.at[idx_v.at[nb].at[npos].at[0]],
                                 rows_v.at[s2], gsem2)

            pltpu.async_copy(rows_v.at[slot],
                             acc_sp.at[idx_v.at[bpar].at[pos].at[1]],
                             ssem, add=True)
            return carry2

        lax.fori_loop(0, BCH, step, carry)
        return carry

    lax.fori_loop(0, NBLK, blk_loop, 0)
    pltpu.make_async_copy(rows_v.at[0],
                          acc_sp.at[idx_v.at[0].at[0].at[1]], ssem).wait()
    plsc.subcore_barrier()

    pltpu.sync_copy(acc_sp.at[pl.ds(base, RW)], acc_out.at[c].at[pl.ds(base, RW)])

    @pl.when(s == NS - 1)
    def _():
        pltpu.sync_copy(acc_sp.at[pl.ds(RW * NS, RTAIL)],
                        acc_out.at[c].at[pl.ds(RW * NS, RTAIL)])


_agg_call = pl.kernel(
    _agg_body,
    out_type=jax.ShapeDtypeStruct((NC, N, D), jnp.float32),
    mesh=_mesh,
    scratch_types=[
        pltpu.VMEM((2, BCH, 2, CH), jnp.int32),
        pltpu.VMEM((3, CH, D), jnp.float32),
        pltpu.SemaphoreType.DMA,
        pltpu.SemaphoreType.DMA,
        pltpu.SemaphoreType.DMA,
        pltpu.SemaphoreType.DMA,
        pltpu.SemaphoreType.DMA,
        pltpu.VMEM_SHARED((N, D), jnp.float32),
    ],
)


BM = 1000
GRID = N // BM


def _dinv_of(deg_ref):
    deg = deg_ref[0, 0, :] + deg_ref[0, 1, :] + 1.0
    return lax.rsqrt(jnp.maximum(deg, 1.0))[:, None]


def _mm_first_body(deg_ref, x_ref, w_ref, out_ref):
    t = jnp.dot(x_ref[...], w_ref[...], precision=lax.Precision.HIGHEST,
                preferred_element_type=jnp.float32)
    out_ref[...] = t * _dinv_of(deg_ref)


def _mm_mid_body(deg_ref, acc_ref, tp_ref, b_ref, w_ref, out_ref):
    dinv = _dinv_of(deg_ref)
    agg = acc_ref[0] + acc_ref[1] + tp_ref[...]
    h = jnp.maximum(agg * dinv + b_ref[...], 0.0)
    t = jnp.dot(h, w_ref[...], precision=lax.Precision.HIGHEST,
                preferred_element_type=jnp.float32)
    out_ref[...] = t * dinv


def _final_body(deg_ref, acc_ref, tp_ref, b_ref, scale_ref, out_ref):
    agg = acc_ref[0] + acc_ref[1] + tp_ref[...]
    out_ref[...] = (agg * _dinv_of(deg_ref) + b_ref[...]) * scale_ref[0, 0]


_deg_spec = pl.BlockSpec((1, NC, BM), lambda i: (i, 0, 0))
_row_spec = pl.BlockSpec((BM, D), lambda i: (i, 0))
_acc_spec = pl.BlockSpec((NC, BM, D), lambda i: (0, i, 0))
_w_spec = pl.BlockSpec((D, D), lambda i: (0, 0))
_b_spec = pl.BlockSpec((1, D), lambda i: (0, 0))
_out_sds = jax.ShapeDtypeStruct((N, D), jnp.float32)

_mm_first = pl.pallas_call(
    _mm_first_body, grid=(GRID,),
    in_specs=[_deg_spec, _row_spec, _w_spec],
    out_specs=_row_spec, out_shape=_out_sds,
)

_mm_mid = pl.pallas_call(
    _mm_mid_body, grid=(GRID,),
    in_specs=[_deg_spec, _acc_spec, _row_spec, _b_spec, _w_spec],
    out_specs=_row_spec, out_shape=_out_sds,
)

_final = pl.pallas_call(
    _final_body, grid=(GRID,),
    in_specs=[_deg_spec, _acc_spec, _row_spec, _b_spec,
              pl.BlockSpec((1, 1), lambda i: (0, 0))],
    out_specs=_row_spec, out_shape=_out_sds,
)


def kernel(x, edge_index, W1, b1, W2, b2, W3, b3, num_graphs):
    dst = edge_index[1].reshape(NW, NCHUNK, CH)
    edges = edge_index.reshape(2, NW, NCHUNK, CH).transpose(1, 2, 0, 3)
    zeros2d = jnp.zeros((N, D), jnp.float32)
    zeros1d = jnp.zeros((N,), jnp.float32)

    deg_p = _deg_call(dst, zeros1d)
    degr = deg_p.reshape(NC, GRID, BM).transpose(1, 0, 2)

    t1 = _mm_first(degr, x, W1)
    a1 = _agg_call(t1, edges, zeros2d)
    t2 = _mm_mid(degr, a1, t1, b1.reshape(1, D), W2)
    a2 = _agg_call(t2, edges, zeros2d)
    t3 = _mm_mid(degr, a2, t2, b2.reshape(1, D), W3)
    a3 = _agg_call(t3, edges, zeros2d)
    ng = jnp.asarray(num_graphs)
    scale = (ng // ng).astype(jnp.float32).reshape(1, 1)
    out = _final(degr, a3, t3, b3.reshape(1, D), scale)
    return out.reshape(1, N, -1)

# --- scband reference (transcript-rebuilt; emitter-appended) ---
"""Pipeline reference for scband-gcnnet-867583394113 (READ-ONLY COPY).

The authoritative reference and input builder live on the scoring server;
editing this copy changes nothing except your own understanding.
"""

import jax, jax.numpy as jnp
import numpy as np

N = 10000
E = 320000
D_IN = 128
D_HID = 128
D_OUT = 128


def gcn_conv(x, src, dst, norm, W, b, n_nodes):
    # GCNConv: D^{-1/2} (A + I) D^{-1/2} X W + b (self-loops already appended to src/dst)
    h = x @ W
    msg = h[src] * norm[:, None]
    out = jnp.zeros((n_nodes, W.shape[1]), dtype=h.dtype).at[dst].add(msg)
    return out + b


def setup_inputs(seed: int = 0):
    key = jax.random.key(seed)
    ks = jax.random.split(key, 10)
    x = jax.random.normal(ks[0], (N, D_IN), dtype=jnp.float32)
    edge_index = jax.random.randint(ks[1], (2, E), 0, N, dtype=jnp.int32)
    W1 = jax.random.normal(ks[2], (D_IN, D_HID), dtype=jnp.float32) * 0.05
    b1 = jnp.zeros((D_HID,), dtype=jnp.float32)
    W2 = jax.random.normal(ks[3], (D_HID, D_HID), dtype=jnp.float32) * 0.05
    b2 = jnp.zeros((D_HID,), dtype=jnp.float32)
    W3 = jax.random.normal(ks[4], (D_HID, D_OUT), dtype=jnp.float32) * 0.05
    b3 = jnp.zeros((D_OUT,), dtype=jnp.float32)
    return {
        "x": x,
        "edge_index": edge_index,
        "W1": W1, "b1": b1,
        "W2": W2, "b2": b2,
        "W3": W3, "b3": b3,
        "num_graphs": 1,
    }


def reference(x, edge_index, W1, b1, W2, b2, W3, b3, num_graphs):
    n_nodes = x.shape[0]
    loop = jnp.arange(n_nodes, dtype=edge_index.dtype)
    src = jnp.concatenate([edge_index[0], loop])
    dst = jnp.concatenate([edge_index[1], loop])
    deg = jnp.zeros((n_nodes,), dtype=jnp.float32).at[dst].add(1.0)
    dinv = jax.lax.rsqrt(jnp.maximum(deg, 1.0))
    norm = dinv[src] * dinv[dst]
    h = jax.nn.relu(gcn_conv(x, src, dst, norm, W1, b1, n_nodes))
    # dropout is identity in eval mode
    h = jax.nn.relu(gcn_conv(h, src, dst, norm, W2, b2, n_nodes))
    h = gcn_conv(h, src, dst, norm, W3, b3, n_nodes)
    ng = jnp.asarray(num_graphs)
    h = h * (ng // ng).astype(h.dtype)
    return h.reshape(1, n_nodes // 1, -1)


if False:  # reference __main__ guard neutralized (emitter)
    inp = setup_inputs()
    out = reference(**inp)
    print(out.shape, out.dtype)

if __name__ == "__main__":
    import jax
    _d = setup_inputs()
    print(jax.jit(kernel)(*tuple(_d.values())))

</pallas_src>

<mosaic_0001>
#map = affine_map<(d0, d1) -> (0, 0)>
#map1 = affine_map<(d0, d1) -> (0, 0, 0, 0)>
#map2 = affine_map<(d0, d1) -> (0, 0, 0)>
module attributes {stable_mosaic.version = 14 : i64} {
  func.func @_agg_body(%arg0: i32, %arg1: i32, %arg2: memref<10000x128xf32, #tpu.memory_space<hbm>>, %arg3: memref<32x125x2x80xi32, #tpu.memory_space<hbm>>, %arg4: memref<10000x128xf32, #tpu.memory_space<hbm>>, %arg5: memref<2x10000x128xf32, #tpu.memory_space<hbm>>, %arg6: memref<2x25x2x80xi32, #tpu.memory_space<vmem>>, %arg7: memref<3x80x128xf32, #tpu.memory_space<vmem>>, %arg8: memref<!tpu.dma_semaphore, #tpu.memory_space<semaphore_mem>>, %arg9: memref<!tpu.dma_semaphore, #tpu.memory_space<semaphore_mem>>, %arg10: memref<!tpu.dma_semaphore, #tpu.memory_space<semaphore_mem>>, %arg11: memref<!tpu.dma_semaphore, #tpu.memory_space<semaphore_mem>>, %arg12: memref<!tpu.dma_semaphore, #tpu.memory_space<semaphore_mem>>, %arg13: memref<10000x128xf32, #tpu.memory_space<vmem_shared>>) attributes {dimension_semantics = [#tpu.dimension_semantics<core_parallel>, #tpu.dimension_semantics<subcore_parallel>], iteration_bounds = array<i64: 2, 16>, scalar_prefetch = 0 : i64, scratch_operands = 8 : i64, tpu.core_type = #tpu.core_type<sc_vector_subcore>, window_params = [{transform_indices = #map}, {transform_indices = #map1}, {transform_indices = #map}, {transform_indices = #map2}]} {
    %mul3A = arith.constant 16 : i32
    %mul3A_0 = arith.muli %arg0, %mul3A : i32
    %add3A = arith.addi %mul3A_0, %arg1 : i32
    %mul3A_1 = arith.constant 624 : i32
    %mul3A_2 = arith.muli %arg1, %mul3A_1 : i32
    %dma_start3A = arith.constant 0 : i32
    %dma_start3A_3 = tpu.memref_slice %arg13[%mul3A_2, %dma_start3A] : memref<10000x128xf32, #tpu.memory_space<vmem_shared>> -> memref<624x128xf32, #tpu.memory_space<vmem_shared>>
    %dma_start3A_4 = arith.constant 0 : i32
    %dma_start3A_5 = tpu.memref_slice %arg4[%mul3A_2, %dma_start3A_4] : memref<10000x128xf32, #tpu.memory_space<hbm>> -> memref<624x128xf32, #tpu.memory_space<hbm>>
    tpu.enqueue_dma source(%dma_start3A_5 : memref<624x128xf32, #tpu.memory_space<hbm>>) target(%dma_start3A_3 : memref<624x128xf32, #tpu.memory_space<vmem_shared>>) target_semaphore(%arg12 : memref<!tpu.dma_semaphore, #tpu.memory_space<semaphore_mem>>)
    %eq3A = arith.constant 15 : i32
    %eq3A_6 = arith.cmpi eq, %arg1, %eq3A : i32
    %convert_element_type3A = arith.extui %eq3A_6 : i1 to i32
    %cond3A = arith.constant 0 : i32
    %cond3A_7 = arith.cmpi ne, %convert_element_type3A, %cond3A : i32
    scf.if %cond3A_7 {
      %dma_start3A_96 = arith.constant 9984 : i32
      %dma_start3A_97 = arith.constant 0 : i32
      %dma_start3A_98 = tpu.memref_slice %arg13[%dma_start3A_96, %dma_start3A_97] : memref<10000x128xf32, #tpu.memory_space<vmem_shared>> -> memref<16x128xf32, #tpu.memory_space<vmem_shared>>
      %dma_start3A_99 = arith.constant 9984 : i32
      %dma_start3A_100 = arith.constant 0 : i32
      %dma_start3A_101 = tpu.memref_slice %arg4[%dma_start3A_99, %dma_start3A_100] : memref<10000x128xf32, #tpu.memory_space<hbm>> -> memref<16x128xf32, #tpu.memory_space<hbm>>
      tpu.enqueue_dma source(%dma_start3A_101 : memref<16x128xf32, #tpu.memory_space<hbm>>) target(%dma_start3A_98 : memref<16x128xf32, #tpu.memory_space<vmem_shared>>) target_semaphore(%arg12 : memref<!tpu.dma_semaphore, #tpu.memory_space<semaphore_mem>>)
    } else {
    }
    %run_scoped3A = arith.constant 0 : i32
    "tpu.region"() ({
      %run_scoped3A_96 = tpu.sem_alloc : memref<!tpu.dma_semaphore, #tpu.memory_space<semaphore_mem>>
      %dma_start3A_97 = arith.constant 0 : i32
      %dma_start3A_98 = arith.constant 0 : i32
      %dma_start3A_99 = arith.constant 0 : i32
      %dma_start3A_100 = tpu.memref_slice %arg6[%run_scoped3A, %dma_start3A_97, %dma_start3A_98, %dma_start3A_99] : memref<2x25x2x80xi32, #tpu.memory_space<vmem>> -> memref<1x25x2x80xi32, #tpu.memory_space<vmem>>
      %dma_start3A_101 = tpu.memref_squeeze %dma_start3A_100 : memref<1x25x2x80xi32, #tpu.memory_space<vmem>> -> memref<25x2x80xi32, #tpu.memory_space<vmem>>
      %dma_start3A_102 = arith.constant 0 : i32
      %dma_start3A_103 = arith.constant 0 : i32
      %dma_start3A_104 = arith.constant 0 : i32
      %dma_start3A_105 = tpu.memref_slice %arg3[%add3A, %dma_start3A_102, %dma_start3A_103, %dma_start3A_104] : memref<32x125x2x80xi32, #tpu.memory_space<hbm>> -> memref<1x125x2x80xi32, #tpu.memory_space<hbm>>
      %dma_start3A_106 = tpu.memref_squeeze %dma_start3A_105 : memref<1x125x2x80xi32, #tpu.memory_space<hbm>> -> memref<125x2x80xi32, #tpu.memory_space<hbm>>
      %dma_start3A_107 = arith.constant 0 : i32
      %dma_start3A_108 = arith.constant 0 : i32
      %dma_start3A_109 = arith.constant 0 : i32
      %dma_start3A_110 = tpu.memref_slice %dma_start3A_106[%dma_start3A_107, %dma_start3A_108, %dma_start3A_109] : memref<125x2x80xi32, #tpu.memory_space<hbm>> -> memref<25x2x80xi32, #tpu.memory_space<hbm>>
      %dma_start3A_111 = arith.constant 0 : i32
      %dma_start3A_112 = arith.constant 0 : i32
      %dma_start3A_113 = arith.constant 0 : i32
      %dma_start3A_114 = tpu.memref_slice %arg6[%run_scoped3A, %dma_start3A_111, %dma_start3A_112, %dma_start3A_113] : memref<2x25x2x80xi32, #tpu.memory_space<vmem>> -> memref<1x25x2x80xi32, #tpu.memory_space<vmem>>
      %dma_start3A_115 = tpu.memref_squeeze %dma_start3A_114 : memref<1x25x2x80xi32, #tpu.memory_space<vmem>> -> memref<25x2x80xi32, #tpu.memory_space<vmem>>
      %dma_start3A_116 = arith.constant 0 : i32
      %dma_start3A_117 = arith.constant 0 : i32
      %dma_start3A_118 = arith.constant 0 : i32
      %dma_start3A_119 = tpu.memref_slice %arg3[%add3A, %dma_start3A_116, %dma_start3A_117, %dma_start3A_118] : memref<32x125x2x80xi32, #tpu.memory_space<hbm>> -> memref<1x125x2x80xi32, #tpu.memory_space<hbm>>
      %dma_start3A_120 = tpu.memref_squeeze %dma_start3A_119 : memref<1x125x2x80xi32, #tpu.memory_space<hbm>> -> memref<125x2x80xi32, #tpu.memory_space<hbm>>
      %dma_start3A_121 = arith.constant 0 : i32
      %dma_start3A_122 = arith.constant 0 : i32
      %dma_start3A_123 = arith.constant 0 : i32
      %dma_start3A_124 = tpu.memref_slice %dma_start3A_120[%dma_start3A_121, %dma_start3A_122, %dma_start3A_123] : memref<125x2x80xi32, #tpu.memory_space<hbm>> -> memref<25x2x80xi32, #tpu.memory_space<hbm>>
      tpu.enqueue_dma source(%dma_start3A_124 : memref<25x2x80xi32, #tpu.memory_space<hbm>>) target(%dma_start3A_115 : memref<25x2x80xi32, #tpu.memory_space<vmem>>) target_semaphore(%run_scoped3A_96 : memref<!tpu.dma_semaphore, #tpu.memory_space<semaphore_mem>>)
      %dma_wait3A_125 = arith.constant 0 : i32
      %dma_wait3A_126 = arith.constant 0 : i32
      %dma_wait3A_127 = arith.constant 0 : i32
      %dma_wait3A_128 = tpu.memref_slice %arg6[%run_scoped3A, %dma_wait3A_125, %dma_wait3A_126, %dma_wait3A_127] : memref<2x25x2x80xi32, #tpu.memory_space<vmem>> -> memref<1x25x2x80xi32, #tpu.memory_space<vmem>>
      %dma_wait3A_129 = tpu.memref_squeeze %dma_wait3A_128 : memref<1x25x2x80xi32, #tpu.memory_space<vmem>> -> memref<25x2x80xi32, #tpu.memory_space<vmem>>
      %dma_wait3A_130 = arith.constant 0 : i32
      %dma_wait3A_131 = arith.constant 0 : i32
      %dma_wait3A_132 = arith.constant 0 : i32
      %dma_wait3A_133 = tpu.memref_slice %arg3[%add3A, %dma_wait3A_130, %dma_wait3A_131, %dma_wait3A_132] : memref<32x125x2x80xi32, #tpu.memory_space<hbm>> -> memref<1x125x2x80xi32, #tpu.memory_space<hbm>>
      %dma_wait3A_134 = tpu.memref_squeeze %dma_wait3A_133 : memref<1x125x2x80xi32, #tpu.memory_space<hbm>> -> memref<125x2x80xi32, #tpu.memory_space<hbm>>
      %dma_wait3A_135 = arith.constant 0 : i32
      %dma_wait3A_136 = arith.constant 0 : i32
      %dma_wait3A_137 = arith.constant 0 : i32
      %dma_wait3A_138 = tpu.memref_slice %dma_wait3A_134[%dma_wait3A_135, %dma_wait3A_136, %dma_wait3A_137] : memref<125x2x80xi32, #tpu.memory_space<hbm>> -> memref<25x2x80xi32, #tpu.memory_space<hbm>>
      %dma_wait3A_139 = arith.constant 0 : i32
      %dma_wait3A_140 = arith.constant 0 : i32
      %dma_wait3A_141 = arith.constant 0 : i32
      %dma_wait3A_142 = tpu.memref_slice %arg6[%run_scoped3A, %dma_wait3A_139, %dma_wait3A_140, %dma_wait3A_141] : memref<2x25x2x80xi32, #tpu.memory_space<vmem>> -> memref<1x25x2x80xi32, #tpu.memory_space<vmem>>
      %dma_wait3A_143 = tpu.memref_squeeze %dma_wait3A_142 : memref<1x25x2x80xi32, #tpu.memory_space<vmem>> -> memref<25x2x80xi32, #tpu.memory_space<vmem>>
      %dma_wait3A_144 = arith.constant 0 : i32
      %dma_wait3A_145 = arith.constant 0 : i32
      %dma_wait3A_146 = arith.constant 0 : i32
      %dma_wait3A_147 = tpu.memref_slice %arg3[%add3A, %dma_wait3A_144, %dma_wait3A_145, %dma_wait3A_146] : memref<32x125x2x80xi32, #tpu.memory_space<hbm>> -> memref<1x125x2x80xi32, #tpu.memory_space<hbm>>
      %dma_wait3A_148 = tpu.memref_squeeze %dma_wait3A_147 : memref<1x125x2x80xi32, #tpu.memory_space<hbm>> -> memref<125x2x80xi32, #tpu.memory_space<hbm>>
      %dma_wait3A_149 = arith.constant 0 : i32
      %dma_wait3A_150 = arith.constant 0 : i32
      %dma_wait3A_151 = arith.constant 0 : i32
      %dma_wait3A_152 = tpu.memref_slice %dma_wait3A_148[%dma_wait3A_149, %dma_wait3A_150, %dma_wait3A_151] : memref<125x2x80xi32, #tpu.memory_space<hbm>> -> memref<25x2x80xi32, #tpu.memory_space<hbm>>
      tpu.wait_dma2 semaphore(%run_scoped3A_96 : memref<!tpu.dma_semaphore, #tpu.memory_space<semaphore_mem>>) src(%dma_wait3A_152 : memref<25x2x80xi32, #tpu.memory_space<hbm>>) dst(%dma_wait3A_143 : memref<25x2x80xi32, #tpu.memory_space<vmem>>)
      tpu.yield
    }) : () -> ()
    %dma_start3A_8 = arith.constant 0 : i32
    %dma_start3A_9 = arith.constant 0 : i32
    %dma_start3A_10 = arith.constant 0 : i32
    %dma_start3A_11 = arith.constant 0 : i32
    %dma_start3A_12 = arith.constant 0 : i32
    %dma_start3A_13 = arith.constant 0 : i32
    %dma_start3A_14 = tpu.memref_slice %arg7[%dma_start3A_11, %dma_start3A_12, %dma_start3A_13] : memref<3x80x128xf32, #tpu.memory_space<vmem>> -> memref<1x80x128xf32, #tpu.memory_space<vmem>>
    %dma_start3A_15 = tpu.memref_squeeze %dma_start3A_14 : memref<1x80x128xf32, #tpu.memory_space<vmem>> -> memref<80x128xf32, #tpu.memory_space<vmem>>
    %dma_start3A_16 = arith.constant 0 : i32
    %dma_start3A_17 = arith.constant 0 : i32
    %dma_start3A_18 = arith.constant 0 : i32
    %dma_start3A_19 = tpu.memref_slice %arg6[%dma_start3A_8, %dma_start3A_16, %dma_start3A_17, %dma_start3A_18] : memref<2x25x2x80xi32, #tpu.memory_space<vmem>> -> memref<1x25x2x80xi32, #tpu.memory_space<vmem>>
    %dma_start3A_20 = tpu.memref_squeeze %dma_start3A_19 : memref<1x25x2x80xi32, #tpu.memory_space<vmem>> -> memref<25x2x80xi32, #tpu.memory_space<vmem>>
    %dma_start3A_21 = arith.constant 0 : i32
    %dma_start3A_22 = arith.constant 0 : i32
    %dma_start3A_23 = tpu.memref_slice %dma_start3A_20[%dma_start3A_9, %dma_start3A_21, %dma_start3A_22] : memref<25x2x80xi32, #tpu.memory_space<vmem>> -> memref<1x2x80xi32, #tpu.memory_space<vmem>>
    %dma_start3A_24 = tpu.memref_squeeze %dma_start3A_23 : memref<1x2x80xi32, #tpu.memory_space<vmem>> -> memref<2x80xi32, #tpu.memory_space<vmem>>
    %dma_start3A_25 = arith.constant 0 : i32
    %dma_start3A_26 = tpu.memref_slice %dma_start3A_24[%dma_start3A_10, %dma_start3A_25] : memref<2x80xi32, #tpu.memory_space<vmem>> -> memref<1x80xi32, #tpu.memory_space<vmem>>
    %dma_start3A_27 = tpu.memref_squeeze %dma_start3A_26 : memref<1x80xi32, #tpu.memory_space<vmem>> -> memref<80xi32, #tpu.memory_space<vmem>>
    %dma_start3A_28 = arith.constant 0 : i32
    %dma_start3A_29 = arith.constant 0 : i32
    %dma_start3A_30 = tpu.memref_slice %arg2[%dma_start3A_28, %dma_start3A_29] : memref<10000x128xf32, #tpu.memory_space<hbm>> -> memref<10000x128xf32, #tpu.memory_space<hbm>>
    tpu.enqueue_indirect_dma source(%dma_start3A_30 : memref<10000x128xf32, #tpu.memory_space<hbm>>) target(%dma_start3A_15 : memref<80x128xf32, #tpu.memory_space<vmem>>) offsets(%dma_start3A_27 : memref<80xi32, #tpu.memory_space<vmem>>) semaphore(%arg9 : memref<!tpu.dma_semaphore, #tpu.memory_space<semaphore_mem>>)
    %dma_start3A_31 = arith.constant 0 : i32
    %dma_start3A_32 = arith.constant 1 : i32
    %dma_start3A_33 = arith.constant 0 : i32
    %dma_start3A_34 = arith.constant 1 : i32
    %dma_start3A_35 = arith.constant 0 : i32
    %dma_start3A_36 = arith.constant 0 : i32
    %dma_start3A_37 = tpu.memref_slice %arg7[%dma_start3A_34, %dma_start3A_35, %dma_start3A_36] : memref<3x80x128xf32, #tpu.memory_space<vmem>> -> memref<1x80x128xf32, #tpu.memory_space<vmem>>
    %dma_start3A_38 = tpu.memref_squeeze %dma_start3A_37 : memref<1x80x128xf32, #tpu.memory_space<vmem>> -> memref<80x128xf32, #tpu.memory_space<vmem>>
    %dma_start3A_39 = arith.constant 0 : i32
    %dma_start3A_40 = arith.constant 0 : i32
    %dma_start3A_41 = arith.constant 0 : i32
    %dma_start3A_42 = tpu.memref_slice %arg6[%dma_start3A_31, %dma_start3A_39, %dma_start3A_40, %dma_start3A_41] : memref<2x25x2x80xi32, #tpu.memory_space<vmem>> -> memref<1x25x2x80xi32, #tpu.memory_space<vmem>>
    %dma_start3A_43 = tpu.memref_squeeze %dma_start3A_42 : memref<1x25x2x80xi32, #tpu.memory_space<vmem>> -> memref<25x2x80xi32, #tpu.memory_space<vmem>>
    %dma_start3A_44 = arith.constant 0 : i32
    %dma_start3A_45 = arith.constant 0 : i32
    %dma_start3A_46 = tpu.memref_slice %dma_start3A_43[%dma_start3A_32, %dma_start3A_44, %dma_start3A_45] : memref<25x2x80xi32, #tpu.memory_space<vmem>> -> memref<1x2x80xi32, #tpu.memory_space<vmem>>
    %dma_start3A_47 = tpu.memref_squeeze %dma_start3A_46 : memref<1x2x80xi32, #tpu.memory_space<vmem>> -> memref<2x80xi32, #tpu.memory_space<vmem>>
    %dma_start3A_48 = arith.constant 0 : i32
    %dma_start3A_49 = tpu.memref_slice %dma_start3A_47[%dma_start3A_33, %dma_start3A_48] : memref<2x80xi32, #tpu.memory_space<vmem>> -> memref<1x80xi32, #tpu.memory_space<vmem>>
    %dma_start3A_50 = tpu.memref_squeeze %dma_start3A_49 : memref<1x80xi32, #tpu.memory_space<vmem>> -> memref<80xi32, #tpu.memory_space<vmem>>
    %dma_start3A_51 = arith.constant 0 : i32
    %dma_start3A_52 = arith.constant 0 : i32
    %dma_start3A_53 = tpu.memref_slice %arg2[%dma_start3A_51, %dma_start3A_52] : memref<10000x128xf32, #tpu.memory_space<hbm>> -> memref<10000x128xf32, #tpu.memory_space<hbm>>
    tpu.enqueue_indirect_dma source(%dma_start3A_53 : memref<10000x128xf32, #tpu.memory_space<hbm>>) target(%dma_start3A_38 : memref<80x128xf32, #tpu.memory_space<vmem>>) offsets(%dma_start3A_50 : memref<80xi32, #tpu.memory_space<vmem>>) semaphore(%arg10 : memref<!tpu.dma_semaphore, #tpu.memory_space<semaphore_mem>>)
    %dma_wait3A = arith.constant 0 : i32
    %dma_wait3A_54 = tpu.memref_slice %arg13[%mul3A_2, %dma_wait3A] : memref<10000x128xf32, #tpu.memory_space<vmem_shared>> -> memref<624x128xf32, #tpu.memory_space<vmem_shared>>
    %dma_wait3A_55 = arith.constant 0 : i32
    %dma_wait3A_56 = tpu.memref_slice %arg4[%mul3A_2, %dma_wait3A_55] : memref<10000x128xf32, #tpu.memory_space<hbm>> -> memref<624x128xf32, #tpu.memory_space<hbm>>
    tpu.wait_dma2 semaphore(%arg12 : memref<!tpu.dma_semaphore, #tpu.memory_space<semaphore_mem>>) src(%dma_wait3A_56 : memref<624x128xf32, #tpu.memory_space<hbm>>) dst(%dma_wait3A_54 : memref<624x128xf32, #tpu.memory_space<vmem_shared>>)
    %eq3A_57 = arith.constant 15 : i32
    %eq3A_58 = arith.cmpi eq, %arg1, %eq3A_57 : i32
    %convert_element_type3A_59 = arith.extui %eq3A_58 : i1 to i32
    %cond3A_60 = arith.constant 0 : i32
    %cond3A_61 = arith.cmpi ne, %convert_element_type3A_59, %cond3A_60 : i32
    scf.if %cond3A_61 {
      %dma_wait3A_96 = arith.constant 9984 : i32
      %dma_wait3A_97 = arith.constant 0 : i32
      %dma_wait3A_98 = tpu.memref_slice %arg13[%dma_wait3A_96, %dma_wait3A_97] : memref<10000x128xf32, #tpu.memory_space<vmem_shared>> -> memref<16x128xf32, #tpu.memory_space<vmem_shared>>
      %dma_wait3A_99 = arith.constant 9984 : i32
      %dma_wait3A_100 = arith.constant 0 : i32
      %dma_wait3A_101 = tpu.memref_slice %arg4[%dma_wait3A_99, %dma_wait3A_100] : memref<10000x128xf32, #tpu.memory_space<hbm>> -> memref<16x128xf32, #tpu.memory_space<hbm>>
      tpu.wait_dma2 semaphore(%arg12 : memref<!tpu.dma_semaphore, #tpu.memory_space<semaphore_mem>>) src(%dma_wait3A_101 : memref<16x128xf32, #tpu.memory_space<hbm>>) dst(%dma_wait3A_98 : memref<16x128xf32, #tpu.memory_space<vmem_shared>>)
    } else {
    }
    %barrier3A = arith.constant 0 : index
    tpu.barrier barrier_id(%barrier3A)
    %scan3A = arith.constant 0 : i32
    %scan3A_62 = arith.constant 0 : i32
    %scan3A_63 = arith.constant 5 : i32
    %scan3A_64 = arith.addi %scan3A_62, %scan3A_63 : i32
    %scan3A_65 = arith.constant 1 : i32
    scf.for %scan3A_96 = %scan3A_62 to %scan3A_64 step %scan3A_65  : i32 {
      %rem3A = arith.constant 2 : i32
      %rem3A_97 = arith.remsi %scan3A_96, %rem3A : i32
      %scan3A_98 = arith.constant 0 : i32
      %scan3A_99 = arith.constant 25 : i32
      %scan3A_100 = arith.addi %scan3A_98, %scan3A_99 : i32
      %scan3A_101 = arith.constant 1 : i32
      scf.for %scan3A_103 = %scan3A_98 to %scan3A_100 step %scan3A_101  : i32 {
        %mul3A_104 = arith.constant 25 : i32
        %mul3A_105 = arith.muli %scan3A_96, %mul3A_104 : i32
        %add3A_106 = arith.addi %mul3A_105, %scan3A_103 : i32
        %rem3A_107 = arith.constant 2 : i32
        %rem3A_108 = arith.remsi %add3A_106, %rem3A_107 : i32
        %rem3A_109 = arith.constant 3 : i32
        %rem3A_110 = arith.remsi %add3A_106, %rem3A_109 : i32
        %add3A_111 = arith.constant 2 : i32
        %add3A_112 = arith.addi %add3A_106, %add3A_111 : i32
        %rem3A_113 = arith.constant 3 : i32
        %rem3A_114 = arith.remsi %add3A_112, %rem3A_113 : i32
        %gt3A = arith.constant 0 : i32
        %gt3A_115 = arith.cmpi sgt, %add3A_106, %gt3A : i32
        %convert_element_type3A_116 = arith.extui %gt3A_115 : i1 to i32
        %cond3A_117 = arith.constant 0 : i32
        %cond3A_118 = arith.cmpi ne, %convert_element_type3A_116, %cond3A_117 : i32
        scf.if %cond3A_118 {
          %dma_wait3A_190 = arith.constant 1 : i32
          %dma_wait3A_191 = arith.constant 0 : i32
          %dma_wait3A_192 = arith.constant 0 : i32
          %dma_wait3A_193 = tpu.memref_slice %arg7[%rem3A_110, %dma_wait3A_191, %dma_wait3A_192] : memref<3x80x128xf32, #tpu.memory_space<vmem>> -> memref<1x80x128xf32, #tpu.memory_space<vmem>>
          %dma_wait3A_194 = tpu.memref_squeeze %dma_wait3A_193 : memref<1x80x128xf32, #tpu.memory_space<vmem>> -> memref<80x128xf32, #tpu.memory_space<vmem>>
          %dma_wait3A_195 = arith.constant 0 : i32
          %dma_wait3A_196 = arith.constant 0 : i32
          %dma_wait3A_197 = arith.constant 0 : i32
          %dma_wait3A_198 = tpu.memref_slice %arg6[%rem3A_97, %dma_wait3A_195, %dma_wait3A_196, %dma_wait3A_197] : memref<2x25x2x80xi32, #tpu.memory_space<vmem>> -> memref<1x25x2x80xi32, #tpu.memory_space<vmem>>
          %dma_wait3A_199 = tpu.memref_squeeze %dma_wait3A_198 : memref<1x25x2x80xi32, #tpu.memory_space<vmem>> -> memref<25x2x80xi32, #tpu.memory_space<vmem>>
          %dma_wait3A_200 = arith.constant 0 : i32
          %dma_wait3A_201 = arith.constant 0 : i32
          %dma_wait3A_202 = tpu.memref_slice %dma_wait3A_199[%scan3A_103, %dma_wait3A_200, %dma_wait3A_201] : memref<25x2x80xi32, #tpu.memory_space<vmem>> -> memref<1x2x80xi32, #tpu.memory_space<vmem>>
          %dma_wait3A_203 = tpu.memref_squeeze %dma_wait3A_202 : memref<1x2x80xi32, #tpu.memory_space<vmem>> -> memref<2x80xi32, #tpu.memory_space<vmem>>
          %dma_wait3A_204 = arith.constant 0 : i32
          %dma_wait3A_205 = tpu.memref_slice %dma_wait3A_203[%dma_wait3A_190, %dma_wait3A_204] : memref<2x80xi32, #tpu.memory_space<vmem>> -> memref<1x80xi32, #tpu.memory_space<vmem>>
          %dma_wait3A_206 = tpu.memref_squeeze %dma_wait3A_205 : memref<1x80xi32, #tpu.memory_space<vmem>> -> memref<80xi32, #tpu.memory_space<vmem>>
          %dma_wait3A_207 = arith.constant 0 : i32
          %dma_wait3A_208 = arith.constant 0 : i32
          %dma_wait3A_209 = tpu.memref_slice %arg13[%dma_wait3A_207, %dma_wait3A_208] : memref<10000x128xf32, #tpu.memory_space<vmem_shared>> -> memref<10000x128xf32, #tpu.memory_space<vmem_shared>>
          tpu.wait_indirect_dma semaphore(%arg11 : memref<!tpu.dma_semaphore, #tpu.memory_space<semaphore_mem>>) src(%dma_wait3A_194 : memref<80x128xf32, #tpu.memory_space<vmem>>) dst(%dma_wait3A_209 : memref<10000x128xf32, #tpu.memory_space<vmem_shared>>)
        } else {
        }
        %eq3A_119 = arith.constant 0 : i32
        %eq3A_120 = arith.cmpi eq, %scan3A_103, %eq3A_119 : i32
        %lt3A = arith.constant 4 : i32
        %lt3A_121 = arith.cmpi slt, %scan3A_96, %lt3A : i32
        %and3A = arith.andi %eq3A_120, %lt3A_121 : i1
        %convert_element_type3A_122 = arith.extui %and3A : i1 to i32
        %cond3A_123 = arith.constant 0 : i32
        %cond3A_124 = arith.cmpi ne, %convert_element_type3A_122, %cond3A_123 : i32
        scf.if %cond3A_124 {
          %add3A_190 = arith.constant 1 : i32
          %add3A_191 = arith.addi %scan3A_96, %add3A_190 : i32
          %mul3A_192 = arith.constant 25 : i32
          %mul3A_193 = arith.muli %add3A_191, %mul3A_192 : i32
          %sub3A_194 = arith.constant 1 : i32
          %sub3A_195 = arith.subi %sub3A_194, %rem3A_97 : i32
          %dma_start3A_196 = arith.constant 0 : i32
          %dma_start3A_197 = arith.constant 0 : i32
          %dma_start3A_198 = arith.constant 0 : i32
          %dma_start3A_199 = tpu.memref_slice %arg6[%sub3A_195, %dma_start3A_196, %dma_start3A_197, %dma_start3A_198] : memref<2x25x2x80xi32, #tpu.memory_space<vmem>> -> memref<1x25x2x80xi32, #tpu.memory_space<vmem>>
          %dma_start3A_200 = tpu.memref_squeeze %dma_start3A_199 : memref<1x25x2x80xi32, #tpu.memory_space<vmem>> -> memref<25x2x80xi32, #tpu.memory_space<vmem>>
          %dma_start3A_201 = arith.constant 0 : i32
          %dma_start3A_202 = arith.constant 0 : i32
          %dma_start3A_203 = arith.constant 0 : i32
          %dma_start3A_204 = tpu.memref_slice %arg3[%add3A, %dma_start3A_201, %dma_start3A_202, %dma_start3A_203] : memref<32x125x2x80xi32, #tpu.memory_space<hbm>> -> memref<1x125x2x80xi32, #tpu.memory_space<hbm>>
          %dma_start3A_205 = tpu.memref_squeeze %dma_start3A_204 : memref<1x125x2x80xi32, #tpu.memory_space<hbm>> -> memref<125x2x80xi32, #tpu.memory_space<hbm>>
          %dma_start3A_206 = arith.constant 0 : i32
          %dma_start3A_207 = arith.constant 0 : i32
          %dma_start3A_208 = tpu.memref_slice %dma_start3A_205[%mul3A_193, %dma_start3A_206, %dma_start3A_207] : memref<125x2x80xi32, #tpu.memory_space<hbm>> -> memref<25x2x80xi32, #tpu.memory_space<hbm>>
          %dma_start3A_209 = arith.constant 0 : i32
          %dma_start3A_210 = arith.constant 0 : i32
          %dma_start3A_211 = arith.constant 0 : i32
          %dma_start3A_212 = tpu.memref_slice %arg6[%sub3A_195, %dma_start3A_209, %dma_start3A_210, %dma_start3A_211] : memref<2x25x2x80xi32, #tpu.memory_space<vmem>> -> memref<1x25x2x80xi32, #tpu.memory_space<vmem>>
          %dma_start3A_213 = tpu.memref_squeeze %dma_start3A_212 : memref<1x25x2x80xi32, #tpu.memory_space<vmem>> -> memref<25x2x80xi32, #tpu.memory_space<vmem>>
          %dma_start3A_214 = arith.constant 0 : i32
          %dma_start3A_215 = arith.constant 0 : i32
          %dma_start3A_216 = arith.constant 0 : i32
          %dma_start3A_217 = tpu.memref_slice %arg3[%add3A, %dma_start3A_214, %dma_start3A_215, %dma_start3A_216] : memref<32x125x2x80xi32, #tpu.memory_space<hbm>> -> memref<1x125x2x80xi32, #tpu.memory_space<hbm>>
          %dma_start3A_218 = tpu.memref_squeeze %dma_start3A_217 : memref<1x125x2x80xi32, #tpu.memory_space<hbm>> -> memref<125x2x80xi32, #tpu.memory_space<hbm>>
          %dma_start3A_219 = arith.constant 0 : i32
          %dma_start3A_220 = arith.constant 0 : i32
          %dma_start3A_221 = tpu.memref_slice %dma_start3A_218[%mul3A_193, %dma_start3A_219, %dma_start3A_220] : memref<125x2x80xi32, #tpu.memory_space<hbm>> -> memref<25x2x80xi32, #tpu.memory_space<hbm>>
          tpu.enqueue_dma source(%dma_start3A_221 : memref<25x2x80xi32, #tpu.memory_space<hbm>>) target(%dma_start3A_213 : memref<25x2x80xi32, #tpu.memory_space<vmem>>) target_semaphore(%arg8 : memref<!tpu.dma_semaphore, #tpu.memory_space<semaphore_mem>>)
        } else {
        }
        %eq3A_125 = arith.constant 0 : i32
        %eq3A_126 = arith.cmpi eq, %rem3A_108, %eq3A_125 : i32
        %convert_element_type3A_127 = arith.extui %eq3A_126 : i1 to i32
        %cond3A_128 = arith.constant 0 : i32
        %cond3A_129 = arith.cmpi ne, %convert_element_type3A_127, %cond3A_128 : i32
        scf.if %cond3A_129 {
          %dma_wait3A_190 = arith.constant 0 : i32
          %dma_wait3A_191 = arith.constant 0 : i32
          %dma_wait3A_192 = arith.constant 0 : i32
          %dma_wait3A_193 = tpu.memref_slice %arg7[%rem3A_110, %dma_wait3A_191, %dma_wait3A_192] : memref<3x80x128xf32, #tpu.memory_space<vmem>> -> memref<1x80x128xf32, #tpu.memory_space<vmem>>
          %dma_wait3A_194 = tpu.memref_squeeze %dma_wait3A_193 : memref<1x80x128xf32, #tpu.memory_space<vmem>> -> memref<80x128xf32, #tpu.memory_space<vmem>>
          %dma_wait3A_195 = arith.constant 0 : i32
          %dma_wait3A_196 = arith.constant 0 : i32
          %dma_wait3A_197 = arith.constant 0 : i32
          %dma_wait3A_198 = tpu.memref_slice %arg6[%rem3A_97, %dma_wait3A_195, %dma_wait3A_196, %dma_wait3A_197] : memref<2x25x2x80xi32, #tpu.memory_space<vmem>> -> memref<1x25x2x80xi32, #tpu.memory_space<vmem>>
          %dma_wait3A_199 = tpu.memref_squeeze %dma_wait3A_198 : memref<1x25x2x80xi32, #tpu.memory_space<vmem>> -> memref<25x2x80xi32, #tpu.memory_space<vmem>>
          %dma_wait3A_200 = arith.constant 0 : i32
          %dma_wait3A_201 = arith.constant 0 : i32
          %dma_wait3A_202 = tpu.memref_slice %dma_wait3A_199[%scan3A_103, %dma_wait3A_200, %dma_wait3A_201] : memref<25x2x80xi32, #tpu.memory_space<vmem>> -> memref<1x2x80xi32, #tpu.memory_space<vmem>>
          %dma_wait3A_203 = tpu.memref_squeeze %dma_wait3A_202 : memref<1x2x80xi32, #tpu.memory_space<vmem>> -> memref<2x80xi32, #tpu.memory_space<vmem>>
          %dma_wait3A_204 = arith.constant 0 : i32
          %dma_wait3A_205 = tpu.memref_slice %dma_wait3A_203[%dma_wait3A_190, %dma_wait3A_204] : memref<2x80xi32, #tpu.memory_space<vmem>> -> memref<1x80xi32, #tpu.memory_space<vmem>>
          %dma_wait3A_206 = tpu.memref_squeeze %dma_wait3A_205 : memref<1x80xi32, #tpu.memory_space<vmem>> -> memref<80xi32, #tpu.memory_space<vmem>>
          %dma_wait3A_207 = arith.constant 0 : i32
          %dma_wait3A_208 = arith.constant 0 : i32
          %dma_wait3A_209 = tpu.memref_slice %arg2[%dma_wait3A_207, %dma_wait3A_208] : memref<10000x128xf32, #tpu.memory_space<hbm>> -> memref<10000x128xf32, #tpu.memory_space<hbm>>
          tpu.wait_indirect_dma semaphore(%arg9 : memref<!tpu.dma_semaphore, #tpu.memory_space<semaphore_mem>>) src(%dma_wait3A_209 : memref<10000x128xf32, #tpu.memory_space<hbm>>) dst(%dma_wait3A_194 : memref<80x128xf32, #tpu.memory_space<vmem>>)
        } else {
        }
        %eq3A_130 = arith.constant 1 : i32
        %eq3A_131 = arith.cmpi eq, %rem3A_108, %eq3A_130 : i32
        %convert_element_type3A_132 = arith.extui %eq3A_131 : i1 to i32
        %cond3A_133 = arith.constant 0 : i32
        %cond3A_134 = arith.cmpi ne, %convert_element_type3A_132, %cond3A_133 : i32
        scf.if %cond3A_134 {
          %dma_wait3A_190 = arith.constant 0 : i32
          %dma_wait3A_191 = arith.constant 0 : i32
          %dma_wait3A_192 = arith.constant 0 : i32
          %dma_wait3A_193 = tpu.memref_slice %arg7[%rem3A_110, %dma_wait3A_191, %dma_wait3A_192] : memref<3x80x128xf32, #tpu.memory_space<vmem>> -> memref<1x80x128xf32, #tpu.memory_space<vmem>>
          %dma_wait3A_194 = tpu.memref_squeeze %dma_wait3A_193 : memref<1x80x128xf32, #tpu.memory_space<vmem>> -> memref<80x128xf32, #tpu.memory_space<vmem>>
          %dma_wait3A_195 = arith.constant 0 : i32
          %dma_wait3A_196 = arith.constant 0 : i32
          %dma_wait3A_197 = arith.constant 0 : i32
          %dma_wait3A_198 = tpu.memref_slice %arg6[%rem3A_97, %dma_wait3A_195, %dma_wait3A_196, %dma_wait3A_197] : memref<2x25x2x80xi32, #tpu.memory_space<vmem>> -> memref<1x25x2x80xi32, #tpu.memory_space<vmem>>
          %dma_wait3A_199 = tpu.memref_squeeze %dma_wait3A_198 : memref<1x25x2x80xi32, #tpu.memory_space<vmem>> -> memref<25x2x80xi32, #tpu.memory_space<vmem>>
          %dma_wait3A_200 = arith.constant 0 : i32
          %dma_wait3A_201 = arith.constant 0 : i32
          %dma_wait3A_202 = tpu.memref_slice %dma_wait3A_199[%scan3A_103, %dma_wait3A_200, %dma_wait3A_201] : memref<25x2x80xi32, #tpu.memory_space<vmem>> -> memref<1x2x80xi32, #tpu.memory_space<vmem>>
          %dma_wait3A_203 = tpu.memref_squeeze %dma_wait3A_202 : memref<1x2x80xi32, #tpu.memory_space<vmem>> -> memref<2x80xi32, #tpu.memory_space<vmem>>
          %dma_wait3A_204 = arith.constant 0 : i32
          %dma_wait3A_205 = tpu.memref_slice %dma_wait3A_203[%dma_wait3A_190, %dma_wait3A_204] : memref<2x80xi32, #tpu.memory_space<vmem>> -> memref<1x80xi32, #tpu.memory_space<vmem>>
          %dma_wait3A_206 = tpu.memref_squeeze %dma_wait3A_205 : memref<1x80xi32, #tpu.memory_space<vmem>> -> memref<80xi32, #tpu.memory_space<vmem>>
          %dma_wait3A_207 = arith.constant 0 : i32
          %dma_wait3A_208 = arith.constant 0 : i32
          %dma_wait3A_209 = tpu.memref_slice %arg2[%dma_wait3A_207, %dma_wait3A_208] : memref<10000x128xf32, #tpu.memory_space<hbm>> -> memref<10000x128xf32, #tpu.memory_space<hbm>>
          tpu.wait_indirect_dma semaphore(%arg10 : memref<!tpu.dma_semaphore, #tpu.memory_space<semaphore_mem>>) src(%dma_wait3A_209 : memref<10000x128xf32, #tpu.memory_space<hbm>>) dst(%dma_wait3A_194 : memref<80x128xf32, #tpu.memory_space<vmem>>)
        } else {
        }
        %eq3A_135 = arith.constant 23 : i32
        %eq3A_136 = arith.cmpi eq, %scan3A_103, %eq3A_135 : i32
        %lt3A_137 = arith.constant 4 : i32
        %lt3A_138 = arith.cmpi slt, %scan3A_96, %lt3A_137 : i32
        %and3A_139 = arith.andi %eq3A_136, %lt3A_138 : i1
        %convert_element_type3A_140 = arith.extui %and3A_139 : i1 to i32
        %cond3A_141 = arith.constant 0 : i32
        %cond3A_142 = arith.cmpi ne, %convert_element_type3A_140, %cond3A_141 : i32
        scf.if %cond3A_142 {
          %add3A_190 = arith.constant 1 : i32
          %add3A_191 = arith.addi %scan3A_96, %add3A_190 : i32
          %mul3A_192 = arith.constant 25 : i32
          %mul3A_193 = arith.muli %add3A_191, %mul3A_192 : i32
          %sub3A_194 = arith.constant 1 : i32
          %sub3A_195 = arith.subi %sub3A_194, %rem3A_97 : i32
          %dma_wait3A_196 = arith.constant 0 : i32
          %dma_wait3A_197 = arith.constant 0 : i32
          %dma_wait3A_198 = arith.constant 0 : i32
          %dma_wait3A_199 = tpu.memref_slice %arg6[%sub3A_195, %dma_wait3A_196, %dma_wait3A_197, %dma_wait3A_198] : memref<2x25x2x80xi32, #tpu.memory_space<vmem>> -> memref<1x25x2x80xi32, #tpu.memory_space<vmem>>
          %dma_wait3A_200 = tpu.memref_squeeze %dma_wait3A_199 : memref<1x25x2x80xi32, #tpu.memory_space<vmem>> -> memref<25x2x80xi32, #tpu.memory_space<vmem>>
          %dma_wait3A_201 = arith.constant 0 : i32
          %dma_wait3A_202 = arith.constant 0 : i32
          %dma_wait3A_203 = arith.constant 0 : i32
          %dma_wait3A_204 = tpu.memref_slice %arg3[%add3A, %dma_wait3A_201, %dma_wait3A_202, %dma_wait3A_203] : memref<32x125x2x80xi32, #tpu.memory_space<hbm>> -> memref<1x125x2x80xi32, #tpu.memory_space<hbm>>
          %dma_wait3A_205 = tpu.memref_squeeze %dma_wait3A_204 : memref<1x125x2x80xi32, #tpu.memory_space<hbm>> -> memref<125x2x80xi32, #tpu.memory_space<hbm>>
          %dma_wait3A_206 = arith.constant 0 : i32
          %dma_wait3A_207 = arith.constant 0 : i32
          %dma_wait3A_208 = tpu.memref_slice %dma_wait3A_205[%mul3A_193, %dma_wait3A_206, %dma_wait3A_207] : memref<125x2x80xi32, #tpu.memory_space<hbm>> -> memref<25x2x80xi32, #tpu.memory_space<hbm>>
          %dma_wait3A_209 = arith.constant 0 : i32
          %dma_wait3A_210 = arith.constant 0 : i32
          %dma_wait3A_211 = arith.constant 0 : i32
          %dma_wait3A_212 = tpu.memref_slice %arg6[%sub3A_195, %dma_wait3A_209, %dma_wait3A_210, %dma_wait3A_211] : memref<2x25x2x80xi32, #tpu.memory_space<vmem>> -> memref<1x25x2x80xi32, #tpu.memory_space<vmem>>
          %dma_wait3A_213 = tpu.memref_squeeze %dma_wait3A_212 : memref<1x25x2x80xi32, #tpu.memory_space<vmem>> -> memref<25x2x80xi32, #tpu.memory_space<vmem>>
          %dma_wait3A_214 = arith.constant 0 : i32
          %dma_wait3A_215 = arith.constant 0 : i32
          %dma_wait3A_216 = arith.constant 0 : i32
          %dma_wait3A_217 = tpu.memref_slice %arg3[%add3A, %dma_wait3A_214, %dma_wait3A_215, %dma_wait3A_216] : memref<32x125x2x80xi32, #tpu.memory_space<hbm>> -> memref<1x125x2x80xi32, #tpu.memory_space<hbm>>
          %dma_wait3A_218 = tpu.memref_squeeze %dma_wait3A_217 : memref<1x125x2x80xi32, #tpu.memory_space<hbm>> -> memref<125x2x80xi32, #tpu.memory_space<hbm>>
          %dma_wait3A_219 = arith.constant 0 : i32
          %dma_wait3A_220 = arith.constant 0 : i32
          %dma_wait3A_221 = tpu.memref_slice %dma_wait3A_218[%mul3A_193, %dma_wait3A_219, %dma_wait3A_220] : memref<125x2x80xi32, #tpu.memory_space<hbm>> -> memref<25x2x80xi32, #tpu.memory_space<hbm>>
          tpu.wait_dma2 semaphore(%arg8 : memref<!tpu.dma_semaphore, #tpu.memory_space<semaphore_mem>>) src(%dma_wait3A_221 : memref<25x2x80xi32, #tpu.memory_space<hbm>>) dst(%dma_wait3A_213 : memref<25x2x80xi32, #tpu.memory_space<vmem>>)
        } else {
        }
        %ge3A = arith.constant 23 : i32
        %ge3A_143 = arith.cmpi sge, %scan3A_103, %ge3A : i32
        %sub3A = arith.constant 1 : i32
        %sub3A_144 = arith.subi %sub3A, %rem3A_97 : i32
        %select_n3A = arith.select %ge3A_143, %sub3A_144, %rem3A_97 : i32
        %ge3A_145 = arith.constant 23 : i32
        %ge3A_146 = arith.cmpi sge, %scan3A_103, %ge3A_145 : i32
        %add3A_147 = arith.constant 2 : i32
        %add3A_148 = arith.addi %scan3A_103, %add3A_147 : i32
        %sub3A_149 = arith.constant 25 : i32
        %sub3A_150 = arith.subi %add3A_148, %sub3A_149 : i32
        %add3A_151 = arith.constant 2 : i32
        %add3A_152 = arith.addi %scan3A_103, %add3A_151 : i32
        %select_n3A_153 = arith.select %ge3A_146, %sub3A_150, %add3A_152 : i32
        %lt3A_154 = arith.constant 123 : i32
        %lt3A_155 = arith.cmpi slt, %add3A_106, %lt3A_154 : i32
        %eq3A_156 = arith.constant 0 : i32
        %eq3A_157 = arith.cmpi eq, %rem3A_108, %eq3A_156 : i32
        %and3A_158 = arith.andi %lt3A_155, %eq3A_157 : i1
        %convert_element_type3A_159 = arith.extui %and3A_158 : i1 to i32
        %cond3A_160 = arith.constant 0 : i32
        %cond3A_161 = arith.cmpi ne, %convert_element_type3A_159, %cond3A_160 : i32
        scf.if %cond3A_161 {
          %dma_start3A_190 = arith.constant 0 : i32
          %dma_start3A_191 = arith.constant 0 : i32
          %dma_start3A_192 = arith.constant 0 : i32
          %dma_start3A_193 = tpu.memref_slice %arg7[%rem3A_114, %dma_start3A_191, %dma_start3A_192] : memref<3x80x128xf32, #tpu.memory_space<vmem>> -> memref<1x80x128xf32, #tpu.memory_space<vmem>>
          %dma_start3A_194 = tpu.memref_squeeze %dma_start3A_193 : memref<1x80x128xf32, #tpu.memory_space<vmem>> -> memref<80x128xf32, #tpu.memory_space<vmem>>
          %dma_start3A_195 = arith.constant 0 : i32
          %dma_start3A_196 = arith.constant 0 : i32
          %dma_start3A_197 = arith.constant 0 : i32
          %dma_start3A_198 = tpu.memref_slice %arg6[%select_n3A, %dma_start3A_195, %dma_start3A_196, %dma_start3A_197] : memref<2x25x2x80xi32, #tpu.memory_space<vmem>> -> memref<1x25x2x80xi32, #tpu.memory_space<vmem>>
          %dma_start3A_199 = tpu.memref_squeeze %dma_start3A_198 : memref<1x25x2x80xi32, #tpu.memory_space<vmem>> -> memref<25x2x80xi32, #tpu.memory_space<vmem>>
          %dma_start3A_200 = arith.constant 0 : i32
          %dma_start3A_201 = arith.constant 0 : i32
          %dma_start3A_202 = tpu.memref_slice %dma_start3A_199[%select_n3A_153, %dma_start3A_200, %dma_start3A_201] : memref<25x2x80xi32, #tpu.memory_space<vmem>> -> memref<1x2x80xi32, #tpu.memory_space<vmem>>
          %dma_start3A_203 = tpu.memref_squeeze %dma_start3A_202 : memref<1x2x80xi32, #tpu.memory_space<vmem>> -> memref<2x80xi32, #tpu.memory_space<vmem>>
          %dma_start3A_204 = arith.constant 0 : i32
          %dma_start3A_205 = tpu.memref_slice %dma_start3A_203[%dma_start3A_190, %dma_start3A_204] : memref<2x80xi32, #tpu.memory_space<vmem>> -> memref<1x80xi32, #tpu.memory_space<vmem>>
          %dma_start3A_206 = tpu.memref_squeeze %dma_start3A_205 : memref<1x80xi32, #tpu.memory_space<vmem>> -> memref<80xi32, #tpu.memory_space<vmem>>
          %dma_start3A_207 = arith.constant 0 : i32
          %dma_start3A_208 = arith.constant 0 : i32
          %dma_start3A_209 = tpu.memref_slice %arg2[%dma_start3A_207, %dma_start3A_208] : memref<10000x128xf32, #tpu.memory_space<hbm>> -> memref<10000x128xf32, #tpu.memory_space<hbm>>
          tpu.enqueue_indirect_dma source(%dma_start3A_209 : memref<10000x128xf32, #tpu.memory_space<hbm>>) target(%dma_start3A_194 : memref<80x128xf32, #tpu.memory_space<vmem>>) offsets(%dma_start3A_206 : memref<80xi32, #tpu.memory_space<vmem>>) semaphore(%arg9 : memref<!tpu.dma_semaphore, #tpu.memory_space<semaphore_mem>>)
        } else {
        }
        %lt3A_162 = arith.constant 123 : i32
        %lt3A_163 = arith.cmpi slt, %add3A_106, %lt3A_162 : i32
        %eq3A_164 = arith.constant 1 : i32
        %eq3A_165 = arith.cmpi eq, %rem3A_108, %eq3A_164 : i32
        %and3A_166 = arith.andi %lt3A_163, %eq3A_165 : i1
        %convert_element_type3A_167 = arith.extui %and3A_166 : i1 to i32
        %cond3A_168 = arith.constant 0 : i32
        %cond3A_169 = arith.cmpi ne, %convert_element_type3A_167, %cond3A_168 : i32
        scf.if %cond3A_169 {
          %dma_start3A_190 = arith.constant 0 : i32
          %dma_start3A_191 = arith.constant 0 : i32
          %dma_start3A_192 = arith.constant 0 : i32
          %dma_start3A_193 = tpu.memref_slice %arg7[%rem3A_114, %dma_start3A_191, %dma_start3A_192] : memref<3x80x128xf32, #tpu.memory_space<vmem>> -> memref<1x80x128xf32, #tpu.memory_space<vmem>>
          %dma_start3A_194 = tpu.memref_squeeze %dma_start3A_193 : memref<1x80x128xf32, #tpu.memory_space<vmem>> -> memref<80x128xf32, #tpu.memory_space<vmem>>
          %dma_start3A_195 = arith.constant 0 : i32
          %dma_start3A_196 = arith.constant 0 : i32
          %dma_start3A_197 = arith.constant 0 : i32
          %dma_start3A_198 = tpu.memref_slice %arg6[%select_n3A, %dma_start3A_195, %dma_start3A_196, %dma_start3A_197] : memref<2x25x2x80xi32, #tpu.memory_space<vmem>> -> memref<1x25x2x80xi32, #tpu.memory_space<vmem>>
          %dma_start3A_199 = tpu.memref_squeeze %dma_start3A_198 : memref<1x25x2x80xi32, #tpu.memory_space<vmem>> -> memref<25x2x80xi32, #tpu.memory_space<vmem>>
          %dma_start3A_200 = arith.constant 0 : i32
          %dma_start3A_201 = arith.constant 0 : i32
          %dma_start3A_202 = tpu.memref_slice %dma_start3A_199[%select_n3A_153, %dma_start3A_200, %dma_start3A_201] : memref<25x2x80xi32, #tpu.memory_space<vmem>> -> memref<1x2x80xi32, #tpu.memory_space<vmem>>
          %dma_start3A_203 = tpu.memref_squeeze %dma_start3A_202 : memref<1x2x80xi32, #tpu.memory_space<vmem>> -> memref<2x80xi32, #tpu.memory_space<vmem>>
          %dma_start3A_204 = arith.constant 0 : i32
          %dma_start3A_205 = tpu.memref_slice %dma_start3A_203[%dma_start3A_190, %dma_start3A_204] : memref<2x80xi32, #tpu.memory_space<vmem>> -> memref<1x80xi32, #tpu.memory_space<vmem>>
          %dma_start3A_206 = tpu.memref_squeeze %dma_start3A_205 : memref<1x80xi32, #tpu.memory_space<vmem>> -> memref<80xi32, #tpu.memory_space<vmem>>
          %dma_start3A_207 = arith.constant 0 : i32
          %dma_start3A_208 = arith.constant 0 : i32
          %dma_start3A_209 = tpu.memref_slice %arg2[%dma_start3A_207, %dma_start3A_208] : memref<10000x128xf32, #tpu.memory_space<hbm>> -> memref<10000x128xf32, #tpu.memory_space<hbm>>
          tpu.enqueue_indirect_dma source(%dma_start3A_209 : memref<10000x128xf32, #tpu.memory_space<hbm>>) target(%dma_start3A_194 : memref<80x128xf32, #tpu.memory_space<vmem>>) offsets(%dma_start3A_206 : memref<80xi32, #tpu.memory_space<vmem>>) semaphore(%arg10 : memref<!tpu.dma_semaphore, #tpu.memory_space<semaphore_mem>>)
        } else {
        }
        %dma_start3A_170 = arith.constant 1 : i32
        %dma_start3A_171 = arith.constant 0 : i32
        %dma_start3A_172 = arith.constant 0 : i32
        %dma_start3A_173 = tpu.memref_slice %arg7[%rem3A_110, %dma_start3A_171, %dma_start3A_172] : memref<3x80x128xf32, #tpu.memory_space<vmem>> -> memref<1x80x128xf32, #tpu.memory_space<vmem>>
        %dma_start3A_174 = tpu.memref_squeeze %dma_start3A_173 : memref<1x80x128xf32, #tpu.memory_space<vmem>> -> memref<80x128xf32, #tpu.memory_space<vmem>>
        %dma_start3A_175 = arith.constant 0 : i32
        %dma_start3A_176 = arith.constant 0 : i32
        %dma_start3A_177 = arith.constant 0 : i32
        %dma_start3A_178 = tpu.memref_slice %arg6[%rem3A_97, %dma_start3A_175, %dma_start3A_176, %dma_start3A_177] : memref<2x25x2x80xi32, #tpu.memory_space<vmem>> -> memref<1x25x2x80xi32, #tpu.memory_space<vmem>>
        %dma_start3A_179 = tpu.memref_squeeze %dma_start3A_178 : memref<1x25x2x80xi32, #tpu.memory_space<vmem>> -> memref<25x2x80xi32, #tpu.memory_space<vmem>>
        %dma_start3A_180 = arith.constant 0 : i32
        %dma_start3A_181 = arith.constant 0 : i32
        %dma_start3A_182 = tpu.memref_slice %dma_start3A_179[%scan3A_103, %dma_start3A_180, %dma_start3A_181] : memref<25x2x80xi32, #tpu.memory_space<vmem>> -> memref<1x2x80xi32, #tpu.memory_space<vmem>>
        %dma_start3A_183 = tpu.memref_squeeze %dma_start3A_182 : memref<1x2x80xi32, #tpu.memory_space<vmem>> -> memref<2x80xi32, #tpu.memory_space<vmem>>
        %dma_start3A_184 = arith.constant 0 : i32
        %dma_start3A_185 = tpu.memref_slice %dma_start3A_183[%dma_start3A_170, %dma_start3A_184] : memref<2x80xi32, #tpu.memory_space<vmem>> -> memref<1x80xi32, #tpu.memory_space<vmem>>
        %dma_start3A_186 = tpu.memref_squeeze %dma_start3A_185 : memref<1x80xi32, #tpu.memory_space<vmem>> -> memref<80xi32, #tpu.memory_space<vmem>>
        %dma_start3A_187 = arith.constant 0 : i32
        %dma_start3A_188 = arith.constant 0 : i32
        %dma_start3A_189 = tpu.memref_slice %arg13[%dma_start3A_187, %dma_start3A_188] : memref<10000x128xf32, #tpu.memory_space<vmem_shared>> -> memref<10000x128xf32, #tpu.memory_space<vmem_shared>>
        tpu.enqueue_indirect_dma source(%dma_start3A_174 : memref<80x128xf32, #tpu.memory_space<vmem>>) target(%dma_start3A_189 : memref<10000x128xf32, #tpu.memory_space<vmem_shared>>) offsets(%dma_start3A_186 : memref<80xi32, #tpu.memory_space<vmem>>) semaphore(%arg11 : memref<!tpu.dma_semaphore, #tpu.memory_space<semaphore_mem>>) {add = true}
      }
      %scan3A_102 = arith.constant 25 : i32
    }
    %scan3A_66 = arith.constant 5 : i32
    %dma_wait3A_67 = arith.constant 0 : i32
    %dma_wait3A_68 = arith.constant 0 : i32
    %dma_wait3A_69 = arith.constant 0 : i32
    %dma_wait3A_70 = arith.constant 1 : i32
    %dma_wait3A_71 = arith.constant 0 : i32
    %dma_wait3A_72 = arith.constant 0 : i32
    %dma_wait3A_73 = tpu.memref_slice %arg7[%dma_wait3A_67, %dma_wait3A_71, %dma_wait3A_72] : memref<3x80x128xf32, #tpu.memory_space<vmem>> -> memref<1x80x128xf32, #tpu.memory_space<vmem>>
    %dma_wait3A_74 = tpu.memref_squeeze %dma_wait3A_73 : memref<1x80x128xf32, #tpu.memory_space<vmem>> -> memref<80x128xf32, #tpu.memory_space<vmem>>
    %dma_wait3A_75 = arith.constant 0 : i32
    %dma_wait3A_76 = arith.constant 0 : i32
    %dma_wait3A_77 = arith.constant 0 : i32
    %dma_wait3A_78 = tpu.memref_slice %arg6[%dma_wait3A_68, %dma_wait3A_75, %dma_wait3A_76, %dma_wait3A_77] : memref<2x25x2x80xi32, #tpu.memory_space<vmem>> -> memref<1x25x2x80xi32, #tpu.memory_space<vmem>>
    %dma_wait3A_79 = tpu.memref_squeeze %dma_wait3A_78 : memref<1x25x2x80xi32, #tpu.memory_space<vmem>> -> memref<25x2x80xi32, #tpu.memory_space<vmem>>
    %dma_wait3A_80 = arith.constant 0 : i32
    %dma_wait3A_81 = arith.constant 0 : i32
    %dma_wait3A_82 = tpu.memref_slice %dma_wait3A_79[%dma_wait3A_69, %dma_wait3A_80, %dma_wait3A_81] : memref<25x2x80xi32, #tpu.memory_space<vmem>> -> memref<1x2x80xi32, #tpu.memory_space<vmem>>
    %dma_wait3A_83 = tpu.memref_squeeze %dma_wait3A_82 : memref<1x2x80xi32, #tpu.memory_space<vmem>> -> memref<2x80xi32, #tpu.memory_space<vmem>>
    %dma_wait3A_84 = arith.constant 0 : i32
    %dma_wait3A_85 = tpu.memref_slice %dma_wait3A_83[%dma_wait3A_70, %dma_wait3A_84] : memref<2x80xi32, #tpu.memory_space<vmem>> -> memref<1x80xi32, #tpu.memory_space<vmem>>
    %dma_wait3A_86 = tpu.memref_squeeze %dma_wait3A_85 : memref<1x80xi32, #tpu.memory_space<vmem>> -> memref<80xi32, #tpu.memory_space<vmem>>
    %dma_wait3A_87 = arith.constant 0 : i32
    %dma_wait3A_88 = arith.constant 0 : i32
    %dma_wait3A_89 = tpu.memref_slice %arg13[%dma_wait3A_87, %dma_wait3A_88] : memref<10000x128xf32, #tpu.memory_space<vmem_shared>> -> memref<10000x128xf32, #tpu.memory_space<vmem_shared>>
    tpu.wait_indirect_dma semaphore(%arg11 : memref<!tpu.dma_semaphore, #tpu.memory_space<semaphore_mem>>) src(%dma_wait3A_74 : memref<80x128xf32, #tpu.memory_space<vmem>>) dst(%dma_wait3A_89 : memref<10000x128xf32, #tpu.memory_space<vmem_shared>>)
    %barrier3A_90 = arith.constant 0 : index
    tpu.barrier barrier_id(%barrier3A_90)
    "tpu.region"() ({
      %run_scoped3A_96 = tpu.sem_alloc : memref<!tpu.dma_semaphore, #tpu.memory_space<semaphore_mem>>
      %dma_start3A_97 = arith.constant 0 : i32
      %dma_start3A_98 = arith.constant 0 : i32
      %dma_start3A_99 = tpu.memref_slice %arg5[%arg0, %dma_start3A_97, %dma_start3A_98] : memref<2x10000x128xf32, #tpu.memory_space<hbm>> -> memref<1x10000x128xf32, #tpu.memory_space<hbm>>
      %dma_start3A_100 = tpu.memref_squeeze %dma_start3A_99 : memref<1x10000x128xf32, #tpu.memory_space<hbm>> -> memref<10000x128xf32, #tpu.memory_space<hbm>>
      %dma_start3A_101 = arith.constant 0 : i32
      %dma_start3A_102 = tpu.memref_slice %dma_start3A_100[%mul3A_2, %dma_start3A_101] : memref<10000x128xf32, #tpu.memory_space<hbm>> -> memref<624x128xf32, #tpu.memory_space<hbm>>
      %dma_start3A_103 = arith.constant 0 : i32
      %dma_start3A_104 = tpu.memref_slice %arg13[%mul3A_2, %dma_start3A_103] : memref<10000x128xf32, #tpu.memory_space<vmem_shared>> -> memref<624x128xf32, #tpu.memory_space<vmem_shared>>
      tpu.enqueue_dma source(%dma_start3A_104 : memref<624x128xf32, #tpu.memory_space<vmem_shared>>) target(%dma_start3A_102 : memref<624x128xf32, #tpu.memory_space<hbm>>) target_semaphore(%run_scoped3A_96 : memref<!tpu.dma_semaphore, #tpu.memory_space<semaphore_mem>>)
      %dma_wait3A_105 = arith.constant 0 : i32
      %dma_wait3A_106 = arith.constant 0 : i32
      %dma_wait3A_107 = tpu.memref_slice %arg5[%arg0, %dma_wait3A_105, %dma_wait3A_106] : memref<2x10000x128xf32, #tpu.memory_space<hbm>> -> memref<1x10000x128xf32, #tpu.memory_space<hbm>>
      %dma_wait3A_108 = tpu.memref_squeeze %dma_wait3A_107 : memref<1x10000x128xf32, #tpu.memory_space<hbm>> -> memref<10000x128xf32, #tpu.memory_space<hbm>>
      %dma_wait3A_109 = arith.constant 0 : i32
      %dma_wait3A_110 = tpu.memref_slice %dma_wait3A_108[%mul3A_2, %dma_wait3A_109] : memref<10000x128xf32, #tpu.memory_space<hbm>> -> memref<624x128xf32, #tpu.memory_space<hbm>>
      %dma_wait3A_111 = arith.constant 0 : i32
      %dma_wait3A_112 = tpu.memref_slice %arg13[%mul3A_2, %dma_wait3A_111] : memref<10000x128xf32, #tpu.memory_space<vmem_shared>> -> memref<624x128xf32, #tpu.memory_space<vmem_shared>>
      tpu.wait_dma2 semaphore(%run_scoped3A_96 : memref<!tpu.dma_semaphore, #tpu.memory_space<semaphore_mem>>) src(%dma_wait3A_112 : memref<624x128xf32, #tpu.memory_space<vmem_shared>>) dst(%dma_wait3A_110 : memref<624x128xf32, #tpu.memory_space<hbm>>)
      tpu.yield
    }) : () -> ()
    %eq3A_91 = arith.constant 15 : i32
    %eq3A_92 = arith.cmpi eq, %arg1, %eq3A_91 : i32
    %convert_element_type3A_93 = arith.extui %eq3A_92 : i1 to i32
    %cond3A_94 = arith.constant 0 : i32
    %cond3A_95 = arith.cmpi ne, %convert_element_type3A_93, %cond3A_94 : i32
    scf.if %cond3A_95 {
      "tpu.region"() ({
        %run_scoped3A_96 = tpu.sem_alloc : memref<!tpu.dma_semaphore, #tpu.memory_space<semaphore_mem>>
        %dma_start3A_97 = arith.constant 0 : i32
        %dma_start3A_98 = arith.constant 0 : i32
        %dma_start3A_99 = tpu.memref_slice %arg5[%arg0, %dma_start3A_97, %dma_start3A_98] : memref<2x10000x128xf32, #tpu.memory_space<hbm>> -> memref<1x10000x128xf32, #tpu.memory_space<hbm>>
        %dma_start3A_100 = tpu.memref_squeeze %dma_start3A_99 : memref<1x10000x128xf32, #tpu.memory_space<hbm>> -> memref<10000x128xf32, #tpu.memory_space<hbm>>
        %dma_start3A_101 = arith.constant 9984 : i32
        %dma_start3A_102 = arith.constant 0 : i32
        %dma_start3A_103 = tpu.memref_slice %dma_start3A_100[%dma_start3A_101, %dma_start3A_102] : memref<10000x128xf32, #tpu.memory_space<hbm>> -> memref<16x128xf32, #tpu.memory_space<hbm>>
        %dma_start3A_104 = arith.constant 9984 : i32
        %dma_start3A_105 = arith.constant 0 : i32
        %dma_start3A_106 = tpu.memref_slice %arg13[%dma_start3A_104, %dma_start3A_105] : memref<10000x128xf32, #tpu.memory_space<vmem_shared>> -> memref<16x128xf32, #tpu.memory_space<vmem_shared>>
        tpu.enqueue_dma source(%dma_start3A_106 : memref<16x128xf32, #tpu.memory_space<vmem_shared>>) target(%dma_start3A_103 : memref<16x128xf32, #tpu.memory_space<hbm>>) target_semaphore(%run_scoped3A_96 : memref<!tpu.dma_semaphore, #tpu.memory_space<semaphore_mem>>)
        %dma_wait3A_107 = arith.constant 0 : i32
        %dma_wait3A_108 = arith.constant 0 : i32
        %dma_wait3A_109 = tpu.memref_slice %arg5[%arg0, %dma_wait3A_107, %dma_wait3A_108] : memref<2x10000x128xf32, #tpu.memory_space<hbm>> -> memref<1x10000x128xf32, #tpu.memory_space<hbm>>
        %dma_wait3A_110 = tpu.memref_squeeze %dma_wait3A_109 : memref<1x10000x128xf32, #tpu.memory_space<hbm>> -> memref<10000x128xf32, #tpu.memory_space<hbm>>
        %dma_wait3A_111 = arith.constant 9984 : i32
        %dma_wait3A_112 = arith.constant 0 : i32
        %dma_wait3A_113 = tpu.memref_slice %dma_wait3A_110[%dma_wait3A_111, %dma_wait3A_112] : memref<10000x128xf32, #tpu.memory_space<hbm>> -> memref<16x128xf32, #tpu.memory_space<hbm>>
        %dma_wait3A_114 = arith.constant 9984 : i32
        %dma_wait3A_115 = arith.constant 0 : i32
        %dma_wait3A_116 = tpu.memref_slice %arg13[%dma_wait3A_114, %dma_wait3A_115] : memref<10000x128xf32, #tpu.memory_space<vmem_shared>> -> memref<16x128xf32, #tpu.memory_space<vmem_shared>>
        tpu.wait_dma2 semaphore(%run_scoped3A_96 : memref<!tpu.dma_semaphore, #tpu.memory_space<semaphore_mem>>) src(%dma_wait3A_116 : memref<16x128xf32, #tpu.memory_space<vmem_shared>>) dst(%dma_wait3A_113 : memref<16x128xf32, #tpu.memory_space<hbm>>)
        tpu.yield
      }) : () -> ()
    } else {
    }
    return
  }
}

#map = affine_map<(d0, d1) -> (0, 0)>
#map1 = affine_map<(d0, d1) -> (0, 0, 0, 0)>
#map2 = affine_map<(d0, d1) -> (0, 0, 0)>
module attributes {stable_mosaic.version = 14 : i64} {
  func.func @_agg_body(%arg0: i32, %arg1: i32, %arg2: memref<10000x128xf32, #tpu.memory_space<hbm>>, %arg3: memref<32x125x2x80xi32, #tpu.memory_space<hbm>>, %arg4: memref<10000x128xf32, #tpu.memory_space<hbm>>, %arg5: memref<2x10000x128xf32, #tpu.memory_space<hbm>>, %arg6: memref<2x25x2x80xi32, #tpu.memory_space<vmem>>, %arg7: memref<3x80x128xf32, #tpu.memory_space<vmem>>, %arg8: memref<!tpu.dma_semaphore, #tpu.memory_space<semaphore_mem>>, %arg9: memref<!tpu.dma_semaphore, #tpu.memory_space<semaphore_mem>>, %arg10: memref<!tpu.dma_semaphore, #tpu.memory_space<semaphore_mem>>, %arg11: memref<!tpu.dma_semaphore, #tpu.memory_space<semaphore_mem>>, %arg12: memref<!tpu.dma_semaphore, #tpu.memory_space<semaphore_mem>>, %arg13: memref<10000x128xf32, #tpu.memory_space<vmem_shared>>) attributes {dimension_semantics = [#tpu.dimension_semantics<core_parallel>, #tpu.dimension_semantics<subcore_parallel>], iteration_bounds = array<i64: 2, 16>, scalar_prefetch = 0 : i64, scratch_operands = 8 : i64, tpu.core_type = #tpu.core_type<sc_vector_subcore>, window_params = [{transform_indices = #map}, {transform_indices = #map1}, {transform_indices = #map}, {transform_indices = #map2}]} {
    %mul3A = arith.constant 16 : i32
    %mul3A_0 = arith.muli %arg0, %mul3A : i32
    %add3A = arith.addi %mul3A_0, %arg1 : i32
    %mul3A_1 = arith.constant 624 : i32
    %mul3A_2 = arith.muli %arg1, %mul3A_1 : i32
    %dma_start3A = arith.constant 0 : i32
    %dma_start3A_3 = tpu.memref_slice %arg13[%mul3A_2, %dma_start3A] : memref<10000x128xf32, #tpu.memory_space<vmem_shared>> -> memref<624x128xf32, #tpu.memory_space<vmem_shared>>
    %dma_start3A_4 = arith.constant 0 : i32
    %dma_start3A_5 = tpu.memref_slice %arg4[%mul3A_2, %dma_start3A_4] : memref<10000x128xf32, #tpu.memory_space<hbm>> -> memref<624x128xf32, #tpu.memory_space<hbm>>
    tpu.enqueue_dma source(%dma_start3A_5 : memref<624x128xf32, #tpu.memory_space<hbm>>) target(%dma_start3A_3 : memref<624x128xf32, #tpu.memory_space<vmem_shared>>) target_semaphore(%arg12 : memref<!tpu.dma_semaphore, #tpu.memory_space<semaphore_mem>>)
    %eq3A = arith.constant 15 : i32
    %eq3A_6 = arith.cmpi eq, %arg1, %eq3A : i32
    %convert_element_type3A = arith.extui %eq3A_6 : i1 to i32
    %cond3A = arith.constant 0 : i32
    %cond3A_7 = arith.cmpi ne, %convert_element_type3A, %cond3A : i32
    scf.if %cond3A_7 {
      %dma_start3A_96 = arith.constant 9984 : i32
      %dma_start3A_97 = arith.constant 0 : i32
      %dma_start3A_98 = tpu.memref_slice %arg13[%dma_start3A_96, %dma_start3A_97] : memref<10000x128xf32, #tpu.memory_space<vmem_shared>> -> memref<16x128xf32, #tpu.memory_space<vmem_shared>>
      %dma_start3A_99 = arith.constant 9984 : i32
      %dma_start3A_100 = arith.constant 0 : i32
      %dma_start3A_101 = tpu.memref_slice %arg4[%dma_start3A_99, %dma_start3A_100] : memref<10000x128xf32, #tpu.memory_space<hbm>> -> memref<16x128xf32, #tpu.memory_space<hbm>>
      tpu.enqueue_dma source(%dma_start3A_101 : memref<16x128xf32, #tpu.memory_space<hbm>>) target(%dma_start3A_98 : memref<16x128xf32, #tpu.memory_space<vmem_shared>>) target_semaphore(%arg12 : memref<!tpu.dma_semaphore, #tpu.memory_space<semaphore_mem>>)
    } else {
    }
    %run_scoped3A = arith.constant 0 : i32
    "tpu.region"() ({
      %run_scoped3A_96 = tpu.sem_alloc : memref<!tpu.dma_semaphore, #tpu.memory_space<semaphore_mem>>
      %dma_start3A_97 = arith.constant 0 : i32
      %dma_start3A_98 = arith.constant 0 : i32
      %dma_start3A_99 = arith.constant 0 : i32
      %dma_start3A_100 = tpu.memref_slice %arg6[%run_scoped3A, %dma_start3A_97, %dma_start3A_98, %dma_start3A_99] : memref<2x25x2x80xi32, #tpu.memory_space<vmem>> -> memref<1x25x2x80xi32, #tpu.memory_space<vmem>>
      %dma_start3A_101 = tpu.memref_squeeze %dma_start3A_100 : memref<1x25x2x80xi32, #tpu.memory_space<vmem>> -> memref<25x2x80xi32, #tpu.memory_space<vmem>>
      %dma_start3A_102 = arith.constant 0 : i32
      %dma_start3A_103 = arith.constant 0 : i32
      %dma_start3A_104 = arith.constant 0 : i32
      %dma_start3A_105 = tpu.memref_slice %arg3[%add3A, %dma_start3A_102, %dma_start3A_103, %dma_start3A_104] : memref<32x125x2x80xi32, #tpu.memory_space<hbm>> -> memref<1x125x2x80xi32, #tpu.memory_space<hbm>>
      %dma_start3A_106 = tpu.memref_squeeze %dma_start3A_105 : memref<1x125x2x80xi32, #tpu.memory_space<hbm>> -> memref<125x2x80xi32, #tpu.memory_space<hbm>>
      %dma_start3A_107 = arith.constant 0 : i32
      %dma_start3A_108 = arith.constant 0 : i32
      %dma_start3A_109 = arith.constant 0 : i32
      %dma_start3A_110 = tpu.memref_slice %dma_start3A_106[%dma_start3A_107, %dma_start3A_108, %dma_start3A_109] : memref<125x2x80xi32, #tpu.memory_space<hbm>> -> memref<25x2x80xi32, #tpu.memory_space<hbm>>
      %dma_start3A_111 = arith.constant 0 : i32
      %dma_start3A_112 = arith.constant 0 : i32
      %dma_start3A_113 = arith.constant 0 : i32
      %dma_start3A_114 = tpu.memref_slice %arg6[%run_scoped3A, %dma_start3A_111, %dma_start3A_112, %dma_start3A_113] : memref<2x25x2x80xi32, #tpu.memory_space<vmem>> -> memref<1x25x2x80xi32, #tpu.memory_space<vmem>>
      %dma_start3A_115 = tpu.memref_squeeze %dma_start3A_114 : memref<1x25x2x80xi32, #tpu.memory_space<vmem>> -> memref<25x2x80xi32, #tpu.memory_space<vmem>>
      %dma_start3A_116 = arith.constant 0 : i32
      %dma_start3A_117 = arith.constant 0 : i32
      %dma_start3A_118 = arith.constant 0 : i32
      %dma_start3A_119 = tpu.memref_slice %arg3[%add3A, %dma_start3A_116, %dma_start3A_117, %dma_start3A_118] : memref<32x125x2x80xi32, #tpu.memory_space<hbm>> -> memref<1x125x2x80xi32, #tpu.memory_space<hbm>>
      %dma_start3A_120 = tpu.memref_squeeze %dma_start3A_119 : memref<1x125x2x80xi32, #tpu.memory_space<hbm>> -> memref<125x2x80xi32, #tpu.memory_space<hbm>>
      %dma_start3A_121 = arith.constant 0 : i32
      %dma_start3A_122 = arith.constant 0 : i32
      %dma_start3A_123 = arith.constant 0 : i32
      %dma_start3A_124 = tpu.memref_slice %dma_start3A_120[%dma_start3A_121, %dma_start3A_122, %dma_start3A_123] : memref<125x2x80xi32, #tpu.memory_space<hbm>> -> memref<25x2x80xi32, #tpu.memory_space<hbm>>
      tpu.enqueue_dma source(%dma_start3A_124 : memref<25x2x80xi32, #tpu.memory_space<hbm>>) target(%dma_start3A_115 : memref<25x2x80xi32, #tpu.memory_space<vmem>>) target_semaphore(%run_scoped3A_96 : memref<!tpu.dma_semaphore, #tpu.memory_space<semaphore_mem>>)
      %dma_wait3A_125 = arith.constant 0 : i32
      %dma_wait3A_126 = arith.constant 0 : i32
      %dma_wait3A_127 = arith.constant 0 : i32
      %dma_wait3A_128 = tpu.memref_slice %arg6[%run_scoped3A, %dma_wait3A_125, %dma_wait3A_126, %dma_wait3A_127] : memref<2x25x2x80xi32, #tpu.memory_space<vmem>> -> memref<1x25x2x80xi32, #tpu.memory_space<vmem>>
      %dma_wait3A_129 = tpu.memref_squeeze %dma_wait3A_128 : memref<1x25x2x80xi32, #tpu.memory_space<vmem>> -> memref<25x2x80xi32, #tpu.memory_space<vmem>>
      %dma_wait3A_130 = arith.constant 0 : i32
      %dma_wait3A_131 = arith.constant 0 : i32
      %dma_wait3A_132 = arith.constant 0 : i32
      %dma_wait3A_133 = tpu.memref_slice %arg3[%add3A, %dma_wait3A_130, %dma_wait3A_131, %dma_wait3A_132] : memref<32x125x2x80xi32, #tpu.memory_space<hbm>> -> memref<1x125x2x80xi32, #tpu.memory_space<hbm>>
      %dma_wait3A_134 = tpu.memref_squeeze %dma_wait3A_133 : memref<1x125x2x80xi32, #tpu.memory_space<hbm>> -> memref<125x2x80xi32, #tpu.memory_space<hbm>>
      %dma_wait3A_135 = arith.constant 0 : i32
      %dma_wait3A_136 = arith.constant 0 : i32
      %dma_wait3A_137 = arith.constant 0 : i32
      %dma_wait3A_138 = tpu.memref_slice %dma_wait3A_134[%dma_wait3A_135, %dma_wait3A_136, %dma_wait3A_137] : memref<125x2x80xi32, #tpu.memory_space<hbm>> -> memref<25x2x80xi32, #tpu.memory_space<hbm>>
      %dma_wait3A_139 = arith.constant 0 : i32
      %dma_wait3A_140 = arith.constant 0 : i32
      %dma_wait3A_141 = arith.constant 0 : i32
      %dma_wait3A_142 = tpu.memref_slice %arg6[%run_scoped3A, %dma_wait3A_139, %dma_wait3A_140, %dma_wait3A_141] : memref<2x25x2x80xi32, #tpu.memory_space<vmem>> -> memref<1x25x2x80xi32, #tpu.memory_space<vmem>>
      %dma_wait3A_143 = tpu.memref_squeeze %dma_wait3A_142 : memref<1x25x2x80xi32, #tpu.memory_space<vmem>> -> memref<25x2x80xi32, #tpu.memory_space<vmem>>
      %dma_wait3A_144 = arith.constant 0 : i32
      %dma_wait3A_145 = arith.constant 0 : i32
      %dma_wait3A_146 = arith.constant 0 : i32
      %dma_wait3A_147 = tpu.memref_slice %arg3[%add3A, %dma_wait3A_144, %dma_wait3A_145, %dma_wait3A_146] : memref<32x125x2x80xi32, #tpu.memory_space<hbm>> -> memref<1x125x2x80xi32, #tpu.memory_space<hbm>>
      %dma_wait3A_148 = tpu.memref_squeeze %dma_wait3A_147 : memref<1x125x2x80xi32, #tpu.memory_space<hbm>> -> memref<125x2x80xi32, #tpu.memory_space<hbm>>
      %dma_wait3A_149 = arith.constant 0 : i32
      %dma_wait3A_150 = arith.constant 0 : i32
      %dma_wait3A_151 = arith.constant 0 : i32
      %dma_wait3A_152 = tpu.memref_slice %dma_wait3A_148[%dma_wait3A_149, %dma_wait3A_150, %dma_wait3A_151] : memref<125x2x80xi32, #tpu.memory_space<hbm>> -> memref<25x2x80xi32, #tpu.memory_space<hbm>>
      tpu.wait_dma2 semaphore(%run_scoped3A_96 : memref<!tpu.dma_semaphore, #tpu.memory_space<semaphore_mem>>) src(%dma_wait3A_152 : memref<25x2x80xi32, #tpu.memory_space<hbm>>) dst(%dma_wait3A_143 : memref<25x2x80xi32, #tpu.memory_space<vmem>>)
      tpu.yield
    }) : () -> ()
    %dma_start3A_8 = arith.constant 0 : i32
    %dma_start3A_9 = arith.constant 0 : i32
    %dma_start3A_10 = arith.constant 0 : i32
    %dma_start3A_11 = arith.constant 0 : i32
    %dma_start3A_12 = arith.constant 0 : i32
    %dma_start3A_13 = arith.constant 0 : i32
    %dma_start3A_14 = tpu.memref_slice %arg7[%dma_start3A_11, %dma_start3A_12, %dma_start3A_13] : memref<3x80x128xf32, #tpu.memory_space<vmem>> -> memref<1x80x128xf32, #tpu.memory_space<vmem>>
    %dma_start3A_15 = tpu.memref_squeeze %dma_start3A_14 : memref<1x80x128xf32, #tpu.memory_space<vmem>> -> memref<80x128xf32, #tpu.memory_space<vmem>>
    %dma_start3A_16 = arith.constant 0 : i32
    %dma_start3A_17 = arith.constant 0 : i32
    %dma_start3A_18 = arith.constant 0 : i32
    %dma_start3A_19 = tpu.memref_slice %arg6[%dma_start3A_8, %dma_start3A_16, %dma_start3A_17, %dma_start3A_18] : memref<2x25x2x80xi32, #tpu.memory_space<vmem>> -> memref<1x25x2x80xi32, #tpu.memory_space<vmem>>
    %dma_start3A_20 = tpu.memref_squeeze %dma_start3A_19 : memref<1x25x2x80xi32, #tpu.memory_space<vmem>> -> memref<25x2x80xi32, #tpu.memory_space<vmem>>
    %dma_start3A_21 = arith.constant 0 : i32
    %dma_start3A_22 = arith.constant 0 : i32
    %dma_start3A_23 = tpu.memref_slice %dma_start3A_20[%dma_start3A_9, %dma_start3A_21, %dma_start3A_22] : memref<25x2x80xi32, #tpu.memory_space<vmem>> -> memref<1x2x80xi32, #tpu.memory_space<vmem>>
    %dma_start3A_24 = tpu.memref_squeeze %dma_start3A_23 : memref<1x2x80xi32, #tpu.memory_space<vmem>> -> memref<2x80xi32, #tpu.memory_space<vmem>>
    %dma_start3A_25 = arith.constant 0 : i32
    %dma_start3A_26 = tpu.memref_slice %dma_start3A_24[%dma_start3A_10, %dma_start3A_25] : memref<2x80xi32, #tpu.memory_space<vmem>> -> memref<1x80xi32, #tpu.memory_space<vmem>>
    %dma_start3A_27 = tpu.memref_squeeze %dma_start3A_26 : memref<1x80xi32, #tpu.memory_space<vmem>> -> memref<80xi32, #tpu.memory_space<vmem>>
    %dma_start3A_28 = arith.constant 0 : i32
    %dma_start3A_29 = arith.constant 0 : i32
    %dma_start3A_30 = tpu.memref_slice %arg2[%dma_start3A_28, %dma_start3A_29] : memref<10000x128xf32, #tpu.memory_space<hbm>> -> memref<10000x128xf32, #tpu.memory_space<hbm>>
    tpu.enqueue_indirect_dma source(%dma_start3A_30 : memref<10000x128xf32, #tpu.memory_space<hbm>>) target(%dma_start3A_15 : memref<80x128xf32, #tpu.memory_space<vmem>>) offsets(%dma_start3A_27 : memref<80xi32, #tpu.memory_space<vmem>>) semaphore(%arg9 : memref<!tpu.dma_semaphore, #tpu.memory_space<semaphore_mem>>)
    %dma_start3A_31 = arith.constant 0 : i32
    %dma_start3A_32 = arith.constant 1 : i32
    %dma_start3A_33 = arith.constant 0 : i32
    %dma_start3A_34 = arith.constant 1 : i32
    %dma_start3A_35 = arith.constant 0 : i32
    %dma_start3A_36 = arith.constant 0 : i32
    %dma_start3A_37 = tpu.memref_slice %arg7[%dma_start3A_34, %dma_start3A_35, %dma_start3A_36] : memref<3x80x128xf32, #tpu.memory_space<vmem>> -> memref<1x80x128xf32, #tpu.memory_space<vmem>>
    %dma_start3A_38 = tpu.memref_squeeze %dma_start3A_37 : memref<1x80x128xf32, #tpu.memory_space<vmem>> -> memref<80x128xf32, #tpu.memory_space<vmem>>
    %dma_start3A_39 = arith.constant 0 : i32
    %dma_start3A_40 = arith.constant 0 : i32
    %dma_start3A_41 = arith.constant 0 : i32
    %dma_start3A_42 = tpu.memref_slice %arg6[%dma_start3A_31, %dma_start3A_39, %dma_start3A_40, %dma_start3A_41] : memref<2x25x2x80xi32, #tpu.memory_space<vmem>> -> memref<1x25x2x80xi32, #tpu.memory_space<vmem>>
    %dma_start3A_43 = tpu.memref_squeeze %dma_start3A_42 : memref<1x25x2x80xi32, #tpu.memory_space<vmem>> -> memref<25x2x80xi32, #tpu.memory_space<vmem>>
    %dma_start3A_44 = arith.constant 0 : i32
    %dma_start3A_45 = arith.constant 0 : i32
    %dma_start3A_46 = tpu.memref_slice %dma_start3A_43[%dma_start3A_32, %dma_start3A_44, %dma_start3A_45] : memref<25x2x80xi32, #tpu.memory_space<vmem>> -> memref<1x2x80xi32, #tpu.memory_space<vmem>>
    %dma_start3A_47 = tpu.memref_squeeze %dma_start3A_46 : memref<1x2x80xi32, #tpu.memory_space<vmem>> -> memref<2x80xi32, #tpu.memory_space<vmem>>
    %dma_start3A_48 = arith.constant 0 : i32
    %dma_start3A_49 = tpu.memref_slice %dma_start3A_47[%dma_start3A_33, %dma_start3A_48] : memref<2x80xi32, #tpu.memory_space<vmem>> -> memref<1x80xi32, #tpu.memory_space<vmem>>
    %dma_start3A_50 = tpu.memref_squeeze %dma_start3A_49 : memref<1x80xi32, #tpu.memory_space<vmem>> -> memref<80xi32, #tpu.memory_space<vmem>>
    %dma_start3A_51 = arith.constant 0 : i32
    %dma_start3A_52 = arith.constant 0 : i32
    %dma_start3A_53 = tpu.memref_slice %arg2[%dma_start3A_51, %dma_start3A_52] : memref<10000x128xf32, #tpu.memory_space<hbm>> -> memref<10000x128xf32, #tpu.memory_space<hbm>>
    tpu.enqueue_indirect_dma source(%dma_start3A_53 : memref<10000x128xf32, #tpu.memory_space<hbm>>) target(%dma_start3A_38 : memref<80x128xf32, #tpu.memory_space<vmem>>) offsets(%dma_start3A_50 : memref<80xi32, #tpu.memory_space<vmem>>) semaphore(%arg10 : memref<!tpu.dma_semaphore, #tpu.memory_space<semaphore_mem>>)
    %dma_wait3A = arith.constant 0 : i32
    %dma_wait3A_54 = tpu.memref_slice %arg13[%mul3A_2, %dma_wait3A] : memref<10000x128xf32, #tpu.memory_space<vmem_shared>> -> memref<624x128xf32, #tpu.memory_space<vmem_shared>>
    %dma_wait3A_55 = arith.constant 0 : i32
    %dma_wait3A_56 = tpu.memref_slice %arg4[%mul3A_2, %dma_wait3A_55] : memref<10000x128xf32, #tpu.memory_space<hbm>> -> memref<624x128xf32, #tpu.memory_space<hbm>>
    tpu.wait_dma2 semaphore(%arg12 : memref<!tpu.dma_semaphore, #tpu.memory_space<semaphore_mem>>) src(%dma_wait3A_56 : memref<624x128xf32, #tpu.memory_space<hbm>>) dst(%dma_wait3A_54 : memref<624x128xf32, #tpu.memory_space<vmem_shared>>)
    %eq3A_57 = arith.constant 15 : i32
    %eq3A_58 = arith.cmpi eq, %arg1, %eq3A_57 : i32
    %convert_element_type3A_59 = arith.extui %eq3A_58 : i1 to i32
    %cond3A_60 = arith.constant 0 : i32
    %cond3A_61 = arith.cmpi ne, %convert_element_type3A_59, %cond3A_60 : i32
    scf.if %cond3A_61 {
      %dma_wait3A_96 = arith.constant 9984 : i32
      %dma_wait3A_97 = arith.constant 0 : i32
      %dma_wait3A_98 = tpu.memref_slice %arg13[%dma_wait3A_96, %dma_wait3A_97] : memref<10000x128xf32, #tpu.memory_space<vmem_shared>> -> memref<16x128xf32, #tpu.memory_space<vmem_shared>>
      %dma_wait3A_99 = arith.constant 9984 : i32
      %dma_wait3A_100 = arith.constant 0 : i32
      %dma_wait3A_101 = tpu.memref_slice %arg4[%dma_wait3A_99, %dma_wait3A_100] : memref<10000x128xf32, #tpu.memory_space<hbm>> -> memref<16x128xf32, #tpu.memory_space<hbm>>
      tpu.wait_dma2 semaphore(%arg12 : memref<!tpu.dma_semaphore, #tpu.memory_space<semaphore_mem>>) src(%dma_wait3A_101 : memref<16x128xf32, #tpu.memory_space<hbm>>) dst(%dma_wait3A_98 : memref<16x128xf32, #tpu.memory_space<vmem_shared>>)
    } else {
    }
    %barrier3A = arith.constant 0 : index
    tpu.barrier barrier_id(%barrier3A)
    %scan3A = arith.constant 0 : i32
    %scan3A_62 = arith.constant 0 : i32
    %scan3A_63 = arith.constant 5 : i32
    %scan3A_64 = arith.addi %scan3A_62, %scan3A_63 : i32
    %scan3A_65 = arith.constant 1 : i32
    scf.for %scan3A_96 = %scan3A_62 to %scan3A_64 step %scan3A_65  : i32 {
      %rem3A = arith.constant 2 : i32
      %rem3A_97 = arith.remsi %scan3A_96, %rem3A : i32
      %scan3A_98 = arith.constant 0 : i32
      %scan3A_99 = arith.constant 25 : i32
      %scan3A_100 = arith.addi %scan3A_98, %scan3A_99 : i32
      %scan3A_101 = arith.constant 1 : i32
      scf.for %scan3A_103 = %scan3A_98 to %scan3A_100 step %scan3A_101  : i32 {
        %mul3A_104 = arith.constant 25 : i32
        %mul3A_105 = arith.muli %scan3A_96, %mul3A_104 : i32
        %add3A_106 = arith.addi %mul3A_105, %scan3A_103 : i32
        %rem3A_107 = arith.constant 2 : i32
        %rem3A_108 = arith.remsi %add3A_106, %rem3A_107 : i32
        %rem3A_109 = arith.constant 3 : i32
        %rem3A_110 = arith.remsi %add3A_106, %rem3A_109 : i32
        %add3A_111 = arith.constant 2 : i32
        %add3A_112 = arith.addi %add3A_106, %add3A_111 : i32
        %rem3A_113 = arith.constant 3 : i32
        %rem3A_114 = arith.remsi %add3A_112, %rem3A_113 : i32
        %gt3A = arith.constant 0 : i32
        %gt3A_115 = arith.cmpi sgt, %add3A_106, %gt3A : i32
        %convert_element_type3A_116 = arith.extui %gt3A_115 : i1 to i32
        %cond3A_117 = arith.constant 0 : i32
        %cond3A_118 = arith.cmpi ne, %convert_element_type3A_116, %cond3A_117 : i32
        scf.if %cond3A_118 {
          %dma_wait3A_190 = arith.constant 1 : i32
          %dma_wait3A_191 = arith.constant 0 : i32
          %dma_wait3A_192 = arith.constant 0 : i32
          %dma_wait3A_193 = tpu.memref_slice %arg7[%rem3A_110, %dma_wait3A_191, %dma_wait3A_192] : memref<3x80x128xf32, #tpu.memory_space<vmem>> -> memref<1x80x128xf32, #tpu.memory_space<vmem>>
          %dma_wait3A_194 = tpu.memref_squeeze %dma_wait3A_193 : memref<1x80x128xf32, #tpu.memory_space<vmem>> -> memref<80x128xf32, #tpu.memory_space<vmem>>
          %dma_wait3A_195 = arith.constant 0 : i32
          %dma_wait3A_196 = arith.constant 0 : i32
          %dma_wait3A_197 = arith.constant 0 : i32
          %dma_wait3A_198 = tpu.memref_slice %arg6[%rem3A_97, %dma_wait3A_195, %dma_wait3A_196, %dma_wait3A_197] : memref<2x25x2x80xi32, #tpu.memory_space<vmem>> -> memref<1x25x2x80xi32, #tpu.memory_space<vmem>>
          %dma_wait3A_199 = tpu.memref_squeeze %dma_wait3A_198 : memref<1x25x2x80xi32, #tpu.memory_space<vmem>> -> memref<25x2x80xi32, #tpu.memory_space<vmem>>
          %dma_wait3A_200 = arith.constant 0 : i32
          %dma_wait3A_201 = arith.constant 0 : i32
          %dma_wait3A_202 = tpu.memref_slice %dma_wait3A_199[%scan3A_103, %dma_wait3A_200, %dma_wait3A_201] : memref<25x2x80xi32, #tpu.memory_space<vmem>> -> memref<1x2x80xi32, #tpu.memory_space<vmem>>
          %dma_wait3A_203 = tpu.memref_squeeze %dma_wait3A_202 : memref<1x2x80xi32, #tpu.memory_space<vmem>> -> memref<2x80xi32, #tpu.memory_space<vmem>>
          %dma_wait3A_204 = arith.constant 0 : i32
          %dma_wait3A_205 = tpu.memref_slice %dma_wait3A_203[%dma_wait3A_190, %dma_wait3A_204] : memref<2x80xi32, #tpu.memory_space<vmem>> -> memref<1x80xi32, #tpu.memory_space<vmem>>
          %dma_wait3A_206 = tpu.memref_squeeze %dma_wait3A_205 : memref<1x80xi32, #tpu.memory_space<vmem>> -> memref<80xi32, #tpu.memory_space<vmem>>
          %dma_wait3A_207 = arith.constant 0 : i32
          %dma_wait3A_208 = arith.constant 0 : i32
          %dma_wait3A_209 = tpu.memref_slice %arg13[%dma_wait3A_207, %dma_wait3A_208] : memref<10000x128xf32, #tpu.memory_space<vmem_shared>> -> memref<10000x128xf32, #tpu.memory_space<vmem_shared>>
          tpu.wait_indirect_dma semaphore(%arg11 : memref<!tpu.dma_semaphore, #tpu.memory_space<semaphore_mem>>) src(%dma_wait3A_194 : memref<80x128xf32, #tpu.memory_space<vmem>>) dst(%dma_wait3A_209 : memref<10000x128xf32, #tpu.memory_space<vmem_shared>>)
        } else {
        }
        %eq3A_119 = arith.constant 0 : i32
        %eq3A_120 = arith.cmpi eq, %scan3A_103, %eq3A_119 : i32
        %lt3A = arith.constant 4 : i32
        %lt3A_121 = arith.cmpi slt, %scan3A_96, %lt3A : i32
        %and3A = arith.andi %eq3A_120, %lt3A_121 : i1
        %convert_element_type3A_122 = arith.extui %and3A : i1 to i32
        %cond3A_123 = arith.constant 0 : i32
        %cond3A_124 = arith.cmpi ne, %convert_element_type3A_122, %cond3A_123 : i32
        scf.if %cond3A_124 {
          %add3A_190 = arith.constant 1 : i32
          %add3A_191 = arith.addi %scan3A_96, %add3A_190 : i32
          %mul3A_192 = arith.constant 25 : i32
          %mul3A_193 = arith.muli %add3A_191, %mul3A_192 : i32
          %sub3A_194 = arith.constant 1 : i32
          %sub3A_195 = arith.subi %sub3A_194, %rem3A_97 : i32
          %dma_start3A_196 = arith.constant 0 : i32
          %dma_start3A_197 = arith.constant 0 : i32
          %dma_start3A_198 = arith.constant 0 : i32
          %dma_start3A_199 = tpu.memref_slice %arg6[%sub3A_195, %dma_start3A_196, %dma_start3A_197, %dma_start3A_198] : memref<2x25x2x80xi32, #tpu.memory_space<vmem>> -> memref<1x25x2x80xi32, #tpu.memory_space<vmem>>
          %dma_start3A_200 = tpu.memref_squeeze %dma_start3A_199 : memref<1x25x2x80xi32, #tpu.memory_space<vmem>> -> memref<25x2x80xi32, #tpu.memory_space<vmem>>
          %dma_start3A_201 = arith.constant 0 : i32
          %dma_start3A_202 = arith.constant 0 : i32
          %dma_start3A_203 = arith.constant 0 : i32
          %dma_start3A_204 = tpu.memref_slice %arg3[%add3A, %dma_start3A_201, %dma_start3A_202, %dma_start3A_203] : memref<32x125x2x80xi32, #tpu.memory_space<hbm>> -> memref<1x125x2x80xi32, #tpu.memory_space<hbm>>
          %dma_start3A_205 = tpu.memref_squeeze %dma_start3A_204 : memref<1x125x2x80xi32, #tpu.memory_space<hbm>> -> memref<125x2x80xi32, #tpu.memory_space<hbm>>
          %dma_start3A_206 = arith.constant 0 : i32
          %dma_start3A_207 = arith.constant 0 : i32
          %dma_start3A_208 = tpu.memref_slice %dma_start3A_205[%mul3A_193, %dma_start3A_206, %dma_start3A_207] : memref<125x2x80xi32, #tpu.memory_space<hbm>> -> memref<25x2x80xi32, #tpu.memory_space<hbm>>
          %dma_start3A_209 = arith.constant 0 : i32
          %dma_start3A_210 = arith.constant 0 : i32
          %dma_start3A_211 = arith.constant 0 : i32
          %dma_start3A_212 = tpu.memref_slice %arg6[%sub3A_195, %dma_start3A_209, %dma_start3A_210, %dma_start3A_211] : memref<2x25x2x80xi32, #tpu.memory_space<vmem>> -> memref<1x25x2x80xi32, #tpu.memory_space<vmem>>
          %dma_start3A_213 = tpu.memref_squeeze %dma_start3A_212 : memref<1x25x2x80xi32, #tpu.memory_space<vmem>> -> memref<25x2x80xi32, #tpu.memory_space<vmem>>
          %dma_start3A_214 = arith.constant 0 : i32
          %dma_start3A_215 = arith.constant 0 : i32
          %dma_start3A_216 = arith.constant 0 : i32
          %dma_start3A_217 = tpu.memref_slice %arg3[%add3A, %dma_start3A_214, %dma_start3A_215, %dma_start3A_216] : memref<32x125x2x80xi32, #tpu.memory_space<hbm>> -> memref<1x125x2x80xi32, #tpu.memory_space<hbm>>
          %dma_start3A_218 = tpu.memref_squeeze %dma_start3A_217 : memref<1x125x2x80xi32, #tpu.memory_space<hbm>> -> memref<125x2x80xi32, #tpu.memory_space<hbm>>
          %dma_start3A_219 = arith.constant 0 : i32
          %dma_start3A_220 = arith.constant 0 : i32
          %dma_start3A_221 = tpu.memref_slice %dma_start3A_218[%mul3A_193, %dma_start3A_219, %dma_start3A_220] : memref<125x2x80xi32, #tpu.memory_space<hbm>> -> memref<25x2x80xi32, #tpu.memory_space<hbm>>
          tpu.enqueue_dma source(%dma_start3A_221 : memref<25x2x80xi32, #tpu.memory_space<hbm>>) target(%dma_start3A_213 : memref<25x2x80xi32, #tpu.memory_space<vmem>>) target_semaphore(%arg8 : memref<!tpu.dma_semaphore, #tpu.memory_space<semaphore_mem>>)
        } else {
        }
        %eq3A_125 = arith.constant 0 : i32
        %eq3A_126 = arith.cmpi eq, %rem3A_108, %eq3A_125 : i32
        %convert_element_type3A_127 = arith.extui %eq3A_126 : i1 to i32
        %cond3A_128 = arith.constant 0 : i32
        %cond3A_129 = arith.cmpi ne, %convert_element_type3A_127, %cond3A_128 : i32
        scf.if %cond3A_129 {
          %dma_wait3A_190 = arith.constant 0 : i32
          %dma_wait3A_191 = arith.constant 0 : i32
          %dma_wait3A_192 = arith.constant 0 : i32
          %dma_wait3A_193 = tpu.memref_slice %arg7[%rem3A_110, %dma_wait3A_191, %dma_wait3A_192] : memref<3x80x128xf32, #tpu.memory_space<vmem>> -> memref<1x80x128xf32, #tpu.memory_space<vmem>>
          %dma_wait3A_194 = tpu.memref_squeeze %dma_wait3A_193 : memref<1x80x128xf32, #tpu.memory_space<vmem>> -> memref<80x128xf32, #tpu.memory_space<vmem>>
          %dma_wait3A_195 = arith.constant 0 : i32
          %dma_wait3A_196 = arith.constant 0 : i32
          %dma_wait3A_197 = arith.constant 0 : i32
          %dma_wait3A_198 = tpu.memref_slice %arg6[%rem3A_97, %dma_wait3A_195, %dma_wait3A_196, %dma_wait3A_197] : memref<2x25x2x80xi32, #tpu.memory_space<vmem>> -> memref<1x25x2x80xi32, #tpu.memory_space<vmem>>
          %dma_wait3A_199 = tpu.memref_squeeze %dma_wait3A_198 : memref<1x25x2x80xi32, #tpu.memory_space<vmem>> -> memref<25x2x80xi32, #tpu.memory_space<vmem>>
          %dma_wait3A_200 = arith.constant 0 : i32
          %dma_wait3A_201 = arith.constant 0 : i32
          %dma_wait3A_202 = tpu.memref_slice %dma_wait3A_199[%scan3A_103, %dma_wait3A_200, %dma_wait3A_201] : memref<25x2x80xi32, #tpu.memory_space<vmem>> -> memref<1x2x80xi32, #tpu.memory_space<vmem>>
          %dma_wait3A_203 = tpu.memref_squeeze %dma_wait3A_202 : memref<1x2x80xi32, #tpu.memory_space<vmem>> -> memref<2x80xi32, #tpu.memory_space<vmem>>
          %dma_wait3A_204 = arith.constant 0 : i32
          %dma_wait3A_205 = tpu.memref_slice %dma_wait3A_203[%dma_wait3A_190, %dma_wait3A_204] : memref<2x80xi32, #tpu.memory_space<vmem>> -> memref<1x80xi32, #tpu.memory_space<vmem>>
          %dma_wait3A_206 = tpu.memref_squeeze %dma_wait3A_205 : memref<1x80xi32, #tpu.memory_space<vmem>> -> memref<80xi32, #tpu.memory_space<vmem>>
          %dma_wait3A_207 = arith.constant 0 : i32
          %dma_wait3A_208 = arith.constant 0 : i32
          %dma_wait3A_209 = tpu.memref_slice %arg2[%dma_wait3A_207, %dma_wait3A_208] : memref<10000x128xf32, #tpu.memory_space<hbm>> -> memref<10000x128xf32, #tpu.memory_space<hbm>>
          tpu.wait_indirect_dma semaphore(%arg9 : memref<!tpu.dma_semaphore, #tpu.memory_space<semaphore_mem>>) src(%dma_wait3A_209 : memref<10000x128xf32, #tpu.memory_space<hbm>>) dst(%dma_wait3A_194 : memref<80x128xf32, #tpu.memory_space<vmem>>)
        } else {
        }
        %eq3A_130 = arith.constant 1 : i32
        %eq3A_131 = arith.cmpi eq, %rem3A_108, %eq3A_130 : i32
        %convert_element_type3A_132 = arith.extui %eq3A_131 : i1 to i32
        %cond3A_133 = arith.constant 0 : i32
        %cond3A_134 = arith.cmpi ne, %convert_element_type3A_132, %cond3A_133 : i32
        scf.if %cond3A_134 {
          %dma_wait3A_190 = arith.constant 0 : i32
          %dma_wait3A_191 = arith.constant 0 : i32
          %dma_wait3A_192 = arith.constant 0 : i32
          %dma_wait3A_193 = tpu.memref_slice %arg7[%rem3A_110, %dma_wait3A_191, %dma_wait3A_192] : memref<3x80x128xf32, #tpu.memory_space<vmem>> -> memref<1x80x128xf32, #tpu.memory_space<vmem>>
          %dma_wait3A_194 = tpu.memref_squeeze %dma_wait3A_193 : memref<1x80x128xf32, #tpu.memory_space<vmem>> -> memref<80x128xf32, #tpu.memory_space<vmem>>
          %dma_wait3A_195 = arith.constant 0 : i32
          %dma_wait3A_196 = arith.constant 0 : i32
          %dma_wait3A_197 = arith.constant 0 : i32
          %dma_wait3A_198 = tpu.memref_slice %arg6[%rem3A_97, %dma_wait3A_195, %dma_wait3A_196, %dma_wait3A_197] : memref<2x25x2x80xi32, #tpu.memory_space<vmem>> -> memref<1x25x2x80xi32, #tpu.memory_space<vmem>>
          %dma_wait3A_199 = tpu.memref_squeeze %dma_wait3A_198 : memref<1x25x2x80xi32, #tpu.memory_space<vmem>> -> memref<25x2x80xi32, #tpu.memory_space<vmem>>
          %dma_wait3A_200 = arith.constant 0 : i32
          %dma_wait3A_201 = arith.constant 0 : i32
          %dma_wait3A_202 = tpu.memref_slice %dma_wait3A_199[%scan3A_103, %dma_wait3A_200, %dma_wait3A_201] : memref<25x2x80xi32, #tpu.memory_space<vmem>> -> memref<1x2x80xi32, #tpu.memory_space<vmem>>
          %dma_wait3A_203 = tpu.memref_squeeze %dma_wait3A_202 : memref<1x2x80xi32, #tpu.memory_space<vmem>> -> memref<2x80xi32, #tpu.memory_space<vmem>>
          %dma_wait3A_204 = arith.constant 0 : i32
          %dma_wait3A_205 = tpu.memref_slice %dma_wait3A_203[%dma_wait3A_190, %dma_wait3A_204] : memref<2x80xi32, #tpu.memory_space<vmem>> -> memref<1x80xi32, #tpu.memory_space<vmem>>
          %dma_wait3A_206 = tpu.memref_squeeze %dma_wait3A_205 : memref<1x80xi32, #tpu.memory_space<vmem>> -> memref<80xi32, #tpu.memory_space<vmem>>
          %dma_wait3A_207 = arith.constant 0 : i32
          %dma_wait3A_208 = arith.constant 0 : i32
          %dma_wait3A_209 = tpu.memref_slice %arg2[%dma_wait3A_207, %dma_wait3A_208] : memref<10000x128xf32, #tpu.memory_space<hbm>> -> memref<10000x128xf32, #tpu.memory_space<hbm>>
          tpu.wait_indirect_dma semaphore(%arg10 : memref<!tpu.dma_semaphore, #tpu.memory_space<semaphore_mem>>) src(%dma_wait3A_209 : memref<10000x128xf32, #tpu.memory_space<hbm>>) dst(%dma_wait3A_194 : memref<80x128xf32, #tpu.memory_space<vmem>>)
        } else {
        }
        %eq3A_135 = arith.constant 23 : i32
        %eq3A_136 = arith.cmpi eq, %scan3A_103, %eq3A_135 : i32
        %lt3A_137 = arith.constant 4 : i32
        %lt3A_138 = arith.cmpi slt, %scan3A_96, %lt3A_137 : i32
        %and3A_139 = arith.andi %eq3A_136, %lt3A_138 : i1
        %convert_element_type3A_140 = arith.extui %and3A_139 : i1 to i32
        %cond3A_141 = arith.constant 0 : i32
        %cond3A_142 = arith.cmpi ne, %convert_element_type3A_140, %cond3A_141 : i32
        scf.if %cond3A_142 {
          %add3A_190 = arith.constant 1 : i32
          %add3A_191 = arith.addi %scan3A_96, %add3A_190 : i32
          %mul3A_192 = arith.constant 25 : i32
          %mul3A_193 = arith.muli %add3A_191, %mul3A_192 : i32
          %sub3A_194 = arith.constant 1 : i32
          %sub3A_195 = arith.subi %sub3A_194, %rem3A_97 : i32
          %dma_wait3A_196 = arith.constant 0 : i32
          %dma_wait3A_197 = arith.constant 0 : i32
          %dma_wait3A_198 = arith.constant 0 : i32
          %dma_wait3A_199 = tpu.memref_slice %arg6[%sub3A_195, %dma_wait3A_196, %dma_wait3A_197, %dma_wait3A_198] : memref<2x25x2x80xi32, #tpu.memory_space<vmem>> -> memref<1x25x2x80xi32, #tpu.memory_space<vmem>>
          %dma_wait3A_200 = tpu.memref_squeeze %dma_wait3A_199 : memref<1x25x2x80xi32, #tpu.memory_space<vmem>> -> memref<25x2x80xi32, #tpu.memory_space<vmem>>
          %dma_wait3A_201 = arith.constant 0 : i32
          %dma_wait3A_202 = arith.constant 0 : i32
          %dma_wait3A_203 = arith.constant 0 : i32
          %dma_wait3A_204 = tpu.memref_slice %arg3[%add3A, %dma_wait3A_201, %dma_wait3A_202, %dma_wait3A_203] : memref<32x125x2x80xi32, #tpu.memory_space<hbm>> -> memref<1x125x2x80xi32, #tpu.memory_space<hbm>>
          %dma_wait3A_205 = tpu.memref_squeeze %dma_wait3A_204 : memref<1x125x2x80xi32, #tpu.memory_space<hbm>> -> memref<125x2x80xi32, #tpu.memory_space<hbm>>
          %dma_wait3A_206 = arith.constant 0 : i32
          %dma_wait3A_207 = arith.constant 0 : i32
          %dma_wait3A_208 = tpu.memref_slice %dma_wait3A_205[%mul3A_193, %dma_wait3A_206, %dma_wait3A_207] : memref<125x2x80xi32, #tpu.memory_space<hbm>> -> memref<25x2x80xi32, #tpu.memory_space<hbm>>
          %dma_wait3A_209 = arith.constant 0 : i32
          %dma_wait3A_210 = arith.constant 0 : i32
          %dma_wait3A_211 = arith.constant 0 : i32
          %dma_wait3A_212 = tpu.memref_slice %arg6[%sub3A_195, %dma_wait3A_209, %dma_wait3A_210, %dma_wait3A_211] : memref<2x25x2x80xi32, #tpu.memory_space<vmem>> -> memref<1x25x2x80xi32, #tpu.memory_space<vmem>>
          %dma_wait3A_213 = tpu.memref_squeeze %dma_wait3A_212 : memref<1x25x2x80xi32, #tpu.memory_space<vmem>> -> memref<25x2x80xi32, #tpu.memory_space<vmem>>
          %dma_wait3A_214 = arith.constant 0 : i32
          %dma_wait3A_215 = arith.constant 0 : i32
          %dma_wait3A_216 = arith.constant 0 : i32
          %dma_wait3A_217 = tpu.memref_slice %arg3[%add3A, %dma_wait3A_214, %dma_wait3A_215, %dma_wait3A_216] : memref<32x125x2x80xi32, #tpu.memory_space<hbm>> -> memref<1x125x2x80xi32, #tpu.memory_space<hbm>>
          %dma_wait3A_218 = tpu.memref_squeeze %dma_wait3A_217 : memref<1x125x2x80xi32, #tpu.memory_space<hbm>> -> memref<125x2x80xi32, #tpu.memory_space<hbm>>
          %dma_wait3A_219 = arith.constant 0 : i32
          %dma_wait3A_220 = arith.constant 0 : i32
          %dma_wait3A_221 = tpu.memref_slice %dma_wait3A_218[%mul3A_193, %dma_wait3A_219, %dma_wait3A_220] : memref<125x2x80xi32, #tpu.memory_space<hbm>> -> memref<25x2x80xi32, #tpu.memory_space<hbm>>
          tpu.wait_dma2 semaphore(%arg8 : memref<!tpu.dma_semaphore, #tpu.memory_space<semaphore_mem>>) src(%dma_wait3A_221 : memref<25x2x80xi32, #tpu.memory_space<hbm>>) dst(%dma_wait3A_213 : memref<25x2x80xi32, #tpu.memory_space<vmem>>)
        } else {
        }
        %ge3A = arith.constant 23 : i32
        %ge3A_143 = arith.cmpi sge, %scan3A_103, %ge3A : i32
        %sub3A = arith.constant 1 : i32
        %sub3A_144 = arith.subi %sub3A, %rem3A_97 : i32
        %select_n3A = arith.select %ge3A_143, %sub3A_144, %rem3A_97 : i32
        %ge3A_145 = arith.constant 23 : i32
        %ge3A_146 = arith.cmpi sge, %scan3A_103, %ge3A_145 : i32
        %add3A_147 = arith.constant 2 : i32
        %add3A_148 = arith.addi %scan3A_103, %add3A_147 : i32
        %sub3A_149 = arith.constant 25 : i32
        %sub3A_150 = arith.subi %add3A_148, %sub3A_149 : i32
        %add3A_151 = arith.constant 2 : i32
        %add3A_152 = arith.addi %scan3A_103, %add3A_151 : i32
        %select_n3A_153 = arith.select %ge3A_146, %sub3A_150, %add3A_152 : i32
        %lt3A_154 = arith.constant 123 : i32
        %lt3A_155 = arith.cmpi slt, %add3A_106, %lt3A_154 : i32
        %eq3A_156 = arith.constant 0 : i32
        %eq3A_157 = arith.cmpi eq, %rem3A_108, %eq3A_156 : i32
        %and3A_158 = arith.andi %lt3A_155, %eq3A_157 : i1
        %convert_element_type3A_159 = arith.extui %and3A_158 : i1 to i32
        %cond3A_160 = arith.constant 0 : i32
        %cond3A_161 = arith.cmpi ne, %convert_element_type3A_159, %cond3A_160 : i32
        scf.if %cond3A_161 {
          %dma_start3A_190 = arith.constant 0 : i32
          %dma_start3A_191 = arith.constant 0 : i32
          %dma_start3A_192 = arith.constant 0 : i32
          %dma_start3A_193 = tpu.memref_slice %arg7[%rem3A_114, %dma_start3A_191, %dma_start3A_192] : memref<3x80x128xf32, #tpu.memory_space<vmem>> -> memref<1x80x128xf32, #tpu.memory_space<vmem>>
          %dma_start3A_194 = tpu.memref_squeeze %dma_start3A_193 : memref<1x80x128xf32, #tpu.memory_space<vmem>> -> memref<80x128xf32, #tpu.memory_space<vmem>>
          %dma_start3A_195 = arith.constant 0 : i32
          %dma_start3A_196 = arith.constant 0 : i32
          %dma_start3A_197 = arith.constant 0 : i32
          %dma_start3A_198 = tpu.memref_slice %arg6[%select_n3A, %dma_start3A_195, %dma_start3A_196, %dma_start3A_197] : memref<2x25x2x80xi32, #tpu.memory_space<vmem>> -> memref<1x25x2x80xi32, #tpu.memory_space<vmem>>
          %dma_start3A_199 = tpu.memref_squeeze %dma_start3A_198 : memref<1x25x2x80xi32, #tpu.memory_space<vmem>> -> memref<25x2x80xi32, #tpu.memory_space<vmem>>
          %dma_start3A_200 = arith.constant 0 : i32
          %dma_start3A_201 = arith.constant 0 : i32
          %dma_start3A_202 = tpu.memref_slice %dma_start3A_199[%select_n3A_153, %dma_start3A_200, %dma_start3A_201] : memref<25x2x80xi32, #tpu.memory_space<vmem>> -> memref<1x2x80xi32, #tpu.memory_space<vmem>>
          %dma_start3A_203 = tpu.memref_squeeze %dma_start3A_202 : memref<1x2x80xi32, #tpu.memory_space<vmem>> -> memref<2x80xi32, #tpu.memory_space<vmem>>
          %dma_start3A_204 = arith.constant 0 : i32
          %dma_start3A_205 = tpu.memref_slice %dma_start3A_203[%dma_start3A_190, %dma_start3A_204] : memref<2x80xi32, #tpu.memory_space<vmem>> -> memref<1x80xi32, #tpu.memory_space<vmem>>
          %dma_start3A_206 = tpu.memref_squeeze %dma_start3A_205 : memref<1x80xi32, #tpu.memory_space<vmem>> -> memref<80xi32, #tpu.memory_space<vmem>>
          %dma_start3A_207 = arith.constant 0 : i32
          %dma_start3A_208 = arith.constant 0 : i32
          %dma_start3A_209 = tpu.memref_slice %arg2[%dma_start3A_207, %dma_start3A_208] : memref<10000x128xf32, #tpu.memory_space<hbm>> -> memref<10000x128xf32, #tpu.memory_space<hbm>>
          tpu.enqueue_indirect_dma source(%dma_start3A_209 : memref<10000x128xf32, #tpu.memory_space<hbm>>) target(%dma_start3A_194 : memref<80x128xf32, #tpu.memory_space<vmem>>) offsets(%dma_start3A_206 : memref<80xi32, #tpu.memory_space<vmem>>) semaphore(%arg9 : memref<!tpu.dma_semaphore, #tpu.memory_space<semaphore_mem>>)
        } else {
        }
        %lt3A_162 = arith.constant 123 : i32
        %lt3A_163 = arith.cmpi slt, %add3A_106, %lt3A_162 : i32
        %eq3A_164 = arith.constant 1 : i32
        %eq3A_165 = arith.cmpi eq, %rem3A_108, %eq3A_164 : i32
        %and3A_166 = arith.andi %lt3A_163, %eq3A_165 : i1
        %convert_element_type3A_167 = arith.extui %and3A_166 : i1 to i32
        %cond3A_168 = arith.constant 0 : i32
        %cond3A_169 = arith.cmpi ne, %convert_element_type3A_167, %cond3A_168 : i32
        scf.if %cond3A_169 {
          %dma_start3A_190 = arith.constant 0 : i32
          %dma_start3A_191 = arith.constant 0 : i32
          %dma_start3A_192 = arith.constant 0 : i32
          %dma_start3A_193 = tpu.memref_slice %arg7[%rem3A_114, %dma_start3A_191, %dma_start3A_192] : memref<3x80x128xf32, #tpu.memory_space<vmem>> -> memref<1x80x128xf32, #tpu.memory_space<vmem>>
          %dma_start3A_194 = tpu.memref_squeeze %dma_start3A_193 : memref<1x80x128xf32, #tpu.memory_space<vmem>> -> memref<80x128xf32, #tpu.memory_space<vmem>>
          %dma_start3A_195 = arith.constant 0 : i32
          %dma_start3A_196 = arith.constant 0 : i32
          %dma_start3A_197 = arith.constant 0 : i32
          %dma_start3A_198 = tpu.memref_slice %arg6[%select_n3A, %dma_start3A_195, %dma_start3A_196, %dma_start3A_197] : memref<2x25x2x80xi32, #tpu.memory_space<vmem>> -> memref<1x25x2x80xi32, #tpu.memory_space<vmem>>
          %dma_start3A_199 = tpu.memref_squeeze %dma_start3A_198 : memref<1x25x2x80xi32, #tpu.memory_space<vmem>> -> memref<25x2x80xi32, #tpu.memory_space<vmem>>
          %dma_start3A_200 = arith.constant 0 : i32
          %dma_start3A_201 = arith.constant 0 : i32
          %dma_start3A_202 = tpu.memref_slice %dma_start3A_199[%select_n3A_153, %dma_start3A_200, %dma_start3A_201] : memref<25x2x80xi32, #tpu.memory_space<vmem>> -> memref<1x2x80xi32, #tpu.memory_space<vmem>>
          %dma_start3A_203 = tpu.memref_squeeze %dma_start3A_202 : memref<1x2x80xi32, #tpu.memory_space<vmem>> -> memref<2x80xi32, #tpu.memory_space<vmem>>
          %dma_start3A_204 = arith.constant 0 : i32
          %dma_start3A_205 = tpu.memref_slice %dma_start3A_203[%dma_start3A_190, %dma_start3A_204] : memref<2x80xi32, #tpu.memory_space<vmem>> -> memref<1x80xi32, #tpu.memory_space<vmem>>
          %dma_start3A_206 = tpu.memref_squeeze %dma_start3A_205 : memref<1x80xi32, #tpu.memory_space<vmem>> -> memref<80xi32, #tpu.memory_space<vmem>>
          %dma_start3A_207 = arith.constant 0 : i32
          %dma_start3A_208 = arith.constant 0 : i32
          %dma_start3A_209 = tpu.memref_slice %arg2[%dma_start3A_207, %dma_start3A_208] : memref<10000x128xf32, #tpu.memory_space<hbm>> -> memref<10000x128xf32, #tpu.memory_space<hbm>>
          tpu.enqueue_indirect_dma source(%dma_start3A_209 : memref<10000x128xf32, #tpu.memory_space<hbm>>) target(%dma_start3A_194 : memref<80x128xf32, #tpu.memory_space<vmem>>) offsets(%dma_start3A_206 : memref<80xi32, #tpu.memory_space<vmem>>) semaphore(%arg10 : memref<!tpu.dma_semaphore, #tpu.memory_space<semaphore_mem>>)
        } else {
        }
        %dma_start3A_170 = arith.constant 1 : i32
        %dma_start3A_171 = arith.constant 0 : i32
        %dma_start3A_172 = arith.constant 0 : i32
        %dma_start3A_173 = tpu.memref_slice %arg7[%rem3A_110, %dma_start3A_171, %dma_start3A_172] : memref<3x80x128xf32, #tpu.memory_space<vmem>> -> memref<1x80x128xf32, #tpu.memory_space<vmem>>
        %dma_start3A_174 = tpu.memref_squeeze %dma_start3A_173 : memref<1x80x128xf32, #tpu.memory_space<vmem>> -> memref<80x128xf32, #tpu.memory_space<vmem>>
        %dma_start3A_175 = arith.constant 0 : i32
        %dma_start3A_176 = arith.constant 0 : i32
        %dma_start3A_177 = arith.constant 0 : i32
        %dma_start3A_178 = tpu.memref_slice %arg6[%rem3A_97, %dma_start3A_175, %dma_start3A_176, %dma_start3A_177] : memref<2x25x2x80xi32, #tpu.memory_space<vmem>> -> memref<1x25x2x80xi32, #tpu.memory_space<vmem>>
        %dma_start3A_179 = tpu.memref_squeeze %dma_start3A_178 : memref<1x25x2x80xi32, #tpu.memory_space<vmem>> -> memref<25x2x80xi32, #tpu.memory_space<vmem>>
        %dma_start3A_180 = arith.constant 0 : i32
        %dma_start3A_181 = arith.constant 0 : i32
        %dma_start3A_182 = tpu.memref_slice %dma_start3A_179[%scan3A_103, %dma_start3A_180, %dma_start3A_181] : memref<25x2x80xi32, #tpu.memory_space<vmem>> -> memref<1x2x80xi32, #tpu.memory_space<vmem>>
        %dma_start3A_183 = tpu.memref_squeeze %dma_start3A_182 : memref<1x2x80xi32, #tpu.memory_space<vmem>> -> memref<2x80xi32, #tpu.memory_space<vmem>>
        %dma_start3A_184 = arith.constant 0 : i32
        %dma_start3A_185 = tpu.memref_slice %dma_start3A_183[%dma_start3A_170, %dma_start3A_184] : memref<2x80xi32, #tpu.memory_space<vmem>> -> memref<1x80xi32, #tpu.memory_space<vmem>>
        %dma_start3A_186 = tpu.memref_squeeze %dma_start3A_185 : memref<1x80xi32, #tpu.memory_space<vmem>> -> memref<80xi32, #tpu.memory_space<vmem>>
        %dma_start3A_187 = arith.constant 0 : i32
        %dma_start3A_188 = arith.constant 0 : i32
        %dma_start3A_189 = tpu.memref_slice %arg13[%dma_start3A_187, %dma_start3A_188] : memref<10000x128xf32, #tpu.memory_space<vmem_shared>> -> memref<10000x128xf32, #tpu.memory_space<vmem_shared>>
        tpu.enqueue_indirect_dma source(%dma_start3A_174 : memref<80x128xf32, #tpu.memory_space<vmem>>) target(%dma_start3A_189 : memref<10000x128xf32, #tpu.memory_space<vmem_shared>>) offsets(%dma_start3A_186 : memref<80xi32, #tpu.memory_space<vmem>>) semaphore(%arg11 : memref<!tpu.dma_semaphore, #tpu.memory_space<semaphore_mem>>) {add = true}
      }
      %scan3A_102 = arith.constant 25 : i32
    }
    %scan3A_66 = arith.constant 5 : i32
    %dma_wait3A_67 = arith.constant 0 : i32
    %dma_wait3A_68 = arith.constant 0 : i32
    %dma_wait3A_69 = arith.constant 0 : i32
    %dma_wait3A_70 = arith.constant 1 : i32
    %dma_wait3A_71 = arith.constant 0 : i32
    %dma_wait3A_72 = arith.constant 0 : i32
    %dma_wait3A_73 = tpu.memref_slice %arg7[%dma_wait3A_67, %dma_wait3A_71, %dma_wait3A_72] : memref<3x80x128xf32, #tpu.memory_space<vmem>> -> memref<1x80x128xf32, #tpu.memory_space<vmem>>
    %dma_wait3A_74 = tpu.memref_squeeze %dma_wait3A_73 : memref<1x80x128xf32, #tpu.memory_space<vmem>> -> memref<80x128xf32, #tpu.memory_space<vmem>>
    %dma_wait3A_75 = arith.constant 0 : i32
    %dma_wait3A_76 = arith.constant 0 : i32
    %dma_wait3A_77 = arith.constant 0 : i32
    %dma_wait3A_78 = tpu.memref_slice %arg6[%dma_wait3A_68, %dma_wait3A_75, %dma_wait3A_76, %dma_wait3A_77] : memref<2x25x2x80xi32, #tpu.memory_space<vmem>> -> memref<1x25x2x80xi32, #tpu.memory_space<vmem>>
    %dma_wait3A_79 = tpu.memref_squeeze %dma_wait3A_78 : memref<1x25x2x80xi32, #tpu.memory_space<vmem>> -> memref<25x2x80xi32, #tpu.memory_space<vmem>>
    %dma_wait3A_80 = arith.constant 0 : i32
    %dma_wait3A_81 = arith.constant 0 : i32
    %dma_wait3A_82 = tpu.memref_slice %dma_wait3A_79[%dma_wait3A_69, %dma_wait3A_80, %dma_wait3A_81] : memref<25x2x80xi32, #tpu.memory_space<vmem>> -> memref<1x2x80xi32, #tpu.memory_space<vmem>>
    %dma_wait3A_83 = tpu.memref_squeeze %dma_wait3A_82 : memref<1x2x80xi32, #tpu.memory_space<vmem>> -> memref<2x80xi32, #tpu.memory_space<vmem>>
    %dma_wait3A_84 = arith.constant 0 : i32
    %dma_wait3A_85 = tpu.memref_slice %dma_wait3A_83[%dma_wait3A_70, %dma_wait3A_84] : memref<2x80xi32, #tpu.memory_space<vmem>> -> memref<1x80xi32, #tpu.memory_space<vmem>>
    %dma_wait3A_86 = tpu.memref_squeeze %dma_wait3A_85 : memref<1x80xi32, #tpu.memory_space<vmem>> -> memref<80xi32, #tpu.memory_space<vmem>>
    %dma_wait3A_87 = arith.constant 0 : i32
    %dma_wait3A_88 = arith.constant 0 : i32
    %dma_wait3A_89 = tpu.memref_slice %arg13[%dma_wait3A_87, %dma_wait3A_88] : memref<10000x128xf32, #tpu.memory_space<vmem_shared>> -> memref<10000x128xf32, #tpu.memory_space<vmem_shared>>
    tpu.wait_indirect_dma semaphore(%arg11 : memref<!tpu.dma_semaphore, #tpu.memory_space<semaphore_mem>>) src(%dma_wait3A_74 : memref<80x128xf32, #tpu.memory_space<vmem>>) dst(%dma_wait3A_89 : memref<10000x128xf32, #tpu.memory_space<vmem_shared>>)
    %barrier3A_90 = arith.constant 0 : index
    tpu.barrier barrier_id(%barrier3A_90)
    "tpu.region"() ({
      %run_scoped3A_96 = tpu.sem_alloc : memref<!tpu.dma_semaphore, #tpu.memory_space<semaphore_mem>>
      %dma_start3A_97 = arith.constant 0 : i32
      %dma_start3A_98 = arith.constant 0 : i32
      %dma_start3A_99 = tpu.memref_slice %arg5[%arg0, %dma_start3A_97, %dma_start3A_98] : memref<2x10000x128xf32, #tpu.memory_space<hbm>> -> memref<1x10000x128xf32, #tpu.memory_space<hbm>>
      %dma_start3A_100 = tpu.memref_squeeze %dma_start3A_99 : memref<1x10000x128xf32, #tpu.memory_space<hbm>> -> memref<10000x128xf32, #tpu.memory_space<hbm>>
      %dma_start3A_101 = arith.constant 0 : i32
      %dma_start3A_102 = tpu.memref_slice %dma_start3A_100[%mul3A_2, %dma_start3A_101] : memref<10000x128xf32, #tpu.memory_space<hbm>> -> memref<624x128xf32, #tpu.memory_space<hbm>>
      %dma_start3A_103 = arith.constant 0 : i32
      %dma_start3A_104 = tpu.memref_slice %arg13[%mul3A_2, %dma_start3A_103] : memref<10000x128xf32, #tpu.memory_space<vmem_shared>> -> memref<624x128xf32, #tpu.memory_space<vmem_shared>>
      tpu.enqueue_dma source(%dma_start3A_104 : memref<624x128xf32, #tpu.memory_space<vmem_shared>>) target(%dma_start3A_102 : memref<624x128xf32, #tpu.memory_space<hbm>>) target_semaphore(%run_scoped3A_96 : memref<!tpu.dma_semaphore, #tpu.memory_space<semaphore_mem>>)
      %dma_wait3A_105 = arith.constant 0 : i32
      %dma_wait3A_106 = arith.constant 0 : i32
      %dma_wait3A_107 = tpu.memref_slice %arg5[%arg0, %dma_wait3A_105, %dma_wait3A_106] : memref<2x10000x128xf32, #tpu.memory_space<hbm>> -> memref<1x10000x128xf32, #tpu.memory_space<hbm>>
      %dma_wait3A_108 = tpu.memref_squeeze %dma_wait3A_107 : memref<1x10000x128xf32, #tpu.memory_space<hbm>> -> memref<10000x128xf32, #tpu.memory_space<hbm>>
      %dma_wait3A_109 = arith.constant 0 : i32
      %dma_wait3A_110 = tpu.memref_slice %dma_wait3A_108[%mul3A_2, %dma_wait3A_109] : memref<10000x128xf32, #tpu.memory_space<hbm>> -> memref<624x128xf32, #tpu.memory_space<hbm>>
      %dma_wait3A_111 = arith.constant 0 : i32
      %dma_wait3A_112 = tpu.memref_slice %arg13[%mul3A_2, %dma_wait3A_111] : memref<10000x128xf32, #tpu.memory_space<vmem_shared>> -> memref<624x128xf32, #tpu.memory_space<vmem_shared>>
      tpu.wait_dma2 semaphore(%run_scoped3A_96 : memref<!tpu.dma_semaphore, #tpu.memory_space<semaphore_mem>>) src(%dma_wait3A_112 : memref<624x128xf32, #tpu.memory_space<vmem_shared>>) dst(%dma_wait3A_110 : memref<624x128xf32, #tpu.memory_space<hbm>>)
      tpu.yield
    }) : () -> ()
    %eq3A_91 = arith.constant 15 : i32
    %eq3A_92 = arith.cmpi eq, %arg1, %eq3A_91 : i32
    %convert_element_type3A_93 = arith.extui %eq3A_92 : i1 to i32
    %cond3A_94 = arith.constant 0 : i32
    %cond3A_95 = arith.cmpi ne, %convert_element_type3A_93, %cond3A_94 : i32
    scf.if %cond3A_95 {
      "tpu.region"() ({
        %run_scoped3A_96 = tpu.sem_alloc : memref<!tpu.dma_semaphore, #tpu.memory_space<semaphore_mem>>
        %dma_start3A_97 = arith.constant 0 : i32
        %dma_start3A_98 = arith.constant 0 : i32
        %dma_start3A_99 = tpu.memref_slice %arg5[%arg0, %dma_start3A_97, %dma_start3A_98] : memref<2x10000x128xf32, #tpu.memory_space<hbm>> -> memref<1x10000x128xf32, #tpu.memory_space<hbm>>
        %dma_start3A_100 = tpu.memref_squeeze %dma_start3A_99 : memref<1x10000x128xf32, #tpu.memory_space<hbm>> -> memref<10000x128xf32, #tpu.memory_space<hbm>>
        %dma_start3A_101 = arith.constant 9984 : i32
        %dma_start3A_102 = arith.constant 0 : i32
        %dma_start3A_103 = tpu.memref_slice %dma_start3A_100[%dma_start3A_101, %dma_start3A_102] : memref<10000x128xf32, #tpu.memory_space<hbm>> -> memref<16x128xf32, #tpu.memory_space<hbm>>
        %dma_start3A_104 = arith.constant 9984 : i32
        %dma_start3A_105 = arith.constant 0 : i32
        %dma_start3A_106 = tpu.memref_slice %arg13[%dma_start3A_104, %dma_start3A_105] : memref<10000x128xf32, #tpu.memory_space<vmem_shared>> -> memref<16x128xf32, #tpu.memory_space<vmem_shared>>
        tpu.enqueue_dma source(%dma_start3A_106 : memref<16x128xf32, #tpu.memory_space<vmem_shared>>) target(%dma_start3A_103 : memref<16x128xf32, #tpu.memory_space<hbm>>) target_semaphore(%run_scoped3A_96 : memref<!tpu.dma_semaphore, #tpu.memory_space<semaphore_mem>>)
        %dma_wait3A_107 = arith.constant 0 : i32
        %dma_wait3A_108 = arith.constant 0 : i32
        %dma_wait3A_109 = tpu.memref_slice %arg5[%arg0, %dma_wait3A_107, %dma_wait3A_108] : memref<2x10000x128xf32, #tpu.memory_space<hbm>> -> memref<1x10000x128xf32, #tpu.memory_space<hbm>>
        %dma_wait3A_110 = tpu.memref_squeeze %dma_wait3A_109 : memref<1x10000x128xf32, #tpu.memory_space<hbm>> -> memref<10000x128xf32, #tpu.memory_space<hbm>>
        %dma_wait3A_111 = arith.constant 9984 : i32
        %dma_wait3A_112 = arith.constant 0 : i32
        %dma_wait3A_113 = tpu.memref_slice %dma_wait3A_110[%dma_wait3A_111, %dma_wait3A_112] : memref<10000x128xf32, #tpu.memory_space<hbm>> -> memref<16x128xf32, #tpu.memory_space<hbm>>
        %dma_wait3A_114 = arith.constant 9984 : i32
        %dma_wait3A_115 = arith.constant 0 : i32
        %dma_wait3A_116 = tpu.memref_slice %arg13[%dma_wait3A_114, %dma_wait3A_115] : memref<10000x128xf32, #tpu.memory_space<vmem_shared>> -> memref<16x128xf32, #tpu.memory_space<vmem_shared>>
        tpu.wait_dma2 semaphore(%run_scoped3A_96 : memref<!tpu.dma_semaphore, #tpu.memory_space<semaphore_mem>>) src(%dma_wait3A_116 : memref<16x128xf32, #tpu.memory_space<vmem_shared>>) dst(%dma_wait3A_113 : memref<16x128xf32, #tpu.memory_space<hbm>>)
        tpu.yield
      }) : () -> ()
    } else {
    }
    return
  }
}

#map = affine_map<(d0, d1) -> (0, 0, 0)>
#map1 = affine_map<(d0, d1) -> (0)>
#map2 = affine_map<(d0, d1) -> (0, 0)>
module attributes {stable_mosaic.version = 14 : i64} {
  func.func @_deg_body(%arg0: i32, %arg1: i32, %arg2: memref<32x125x80xi32, #tpu.memory_space<hbm>>, %arg3: memref<10000xf32, #tpu.memory_space<hbm>>, %arg4: memref<2x10000xf32, #tpu.memory_space<hbm>>, %arg5: memref<125x80xi32, #tpu.memory_space<vmem>>, %arg6: memref<80xf32, #tpu.memory_space<vmem>>, %arg7: memref<!tpu.dma_semaphore, #tpu.memory_space<semaphore_mem>>, %arg8: memref<!tpu.dma_semaphore, #tpu.memory_space<semaphore_mem>>, %arg9: memref<10000xf32, #tpu.memory_space<vmem_shared>>) attributes {dimension_semantics = [#tpu.dimension_semantics<core_parallel>, #tpu.dimension_semantics<subcore_parallel>], iteration_bounds = array<i64: 2, 16>, scalar_prefetch = 0 : i64, scratch_operands = 5 : i64, tpu.core_type = #tpu.core_type<sc_vector_subcore>, window_params = [{transform_indices = #map}, {transform_indices = #map1}, {transform_indices = #map2}]} {
    %mul3A = arith.constant 16 : i32
    %mul3A_0 = arith.muli %arg0, %mul3A : i32
    %add3A = arith.addi %mul3A_0, %arg1 : i32
    "tpu.region"() ({
      %run_scoped3A = tpu.sem_alloc : memref<!tpu.dma_semaphore, #tpu.memory_space<semaphore_mem>>
      %dma_start3A = arith.constant 0 : i32
      %dma_start3A_53 = arith.constant 0 : i32
      %dma_start3A_54 = tpu.memref_slice %arg2[%add3A, %dma_start3A, %dma_start3A_53] : memref<32x125x80xi32, #tpu.memory_space<hbm>> -> memref<1x125x80xi32, #tpu.memory_space<hbm>>
      %dma_start3A_55 = tpu.memref_squeeze %dma_start3A_54 : memref<1x125x80xi32, #tpu.memory_space<hbm>> -> memref<125x80xi32, #tpu.memory_space<hbm>>
      %dma_start3A_56 = arith.constant 0 : i32
      %dma_start3A_57 = arith.constant 0 : i32
      %dma_start3A_58 = tpu.memref_slice %arg2[%add3A, %dma_start3A_56, %dma_start3A_57] : memref<32x125x80xi32, #tpu.memory_space<hbm>> -> memref<1x125x80xi32, #tpu.memory_space<hbm>>
      %dma_start3A_59 = tpu.memref_squeeze %dma_start3A_58 : memref<1x125x80xi32, #tpu.memory_space<hbm>> -> memref<125x80xi32, #tpu.memory_space<hbm>>
      tpu.enqueue_dma source(%dma_start3A_59 : memref<125x80xi32, #tpu.memory_space<hbm>>) target(%arg5 : memref<125x80xi32, #tpu.memory_space<vmem>>) target_semaphore(%run_scoped3A : memref<!tpu.dma_semaphore, #tpu.memory_space<semaphore_mem>>)
      %dma_wait3A_60 = arith.constant 0 : i32
      %dma_wait3A_61 = arith.constant 0 : i32
      %dma_wait3A_62 = tpu.memref_slice %arg2[%add3A, %dma_wait3A_60, %dma_wait3A_61] : memref<32x125x80xi32, #tpu.memory_space<hbm>> -> memref<1x125x80xi32, #tpu.memory_space<hbm>>
      %dma_wait3A_63 = tpu.memref_squeeze %dma_wait3A_62 : memref<1x125x80xi32, #tpu.memory_space<hbm>> -> memref<125x80xi32, #tpu.memory_space<hbm>>
      %dma_wait3A_64 = arith.constant 0 : i32
      %dma_wait3A_65 = arith.constant 0 : i32
      %dma_wait3A_66 = tpu.memref_slice %arg2[%add3A, %dma_wait3A_64, %dma_wait3A_65] : memref<32x125x80xi32, #tpu.memory_space<hbm>> -> memref<1x125x80xi32, #tpu.memory_space<hbm>>
      %dma_wait3A_67 = tpu.memref_squeeze %dma_wait3A_66 : memref<1x125x80xi32, #tpu.memory_space<hbm>> -> memref<125x80xi32, #tpu.memory_space<hbm>>
      tpu.wait_dma2 semaphore(%run_scoped3A : memref<!tpu.dma_semaphore, #tpu.memory_space<semaphore_mem>>) src(%dma_wait3A_67 : memref<125x80xi32, #tpu.memory_space<hbm>>) dst(%arg5 : memref<125x80xi32, #tpu.memory_space<vmem>>)
      tpu.yield
    }) : () -> ()
    %broadcast_in_dim3A = arith.constant 1.000000e+00 : f32
    %broadcast_in_dim3A_1 = vector.broadcast %broadcast_in_dim3A : f32 to vector<16xf32>
    %swap3A = arith.constant 0 : index
    %swap3A_2 = tpu.vector_load %arg6[%swap3A] {strides = array<i32>} : memref<80xf32, #tpu.memory_space<vmem>>, vector<16xf32>,
    %swap3A_3 = vector.shape_cast %swap3A_2 : vector<16xf32> to vector<16xf32>
    %swap3A_4 = vector.shape_cast %broadcast_in_dim3A_1 : vector<16xf32> to vector<16xf32>
    tpu.vector_store %arg6[%swap3A], %swap3A_4 {strides = array<i32>} : memref<80xf32, #tpu.memory_space<vmem>>, vector<16xf32>,
    %broadcast_in_dim3A_5 = arith.constant 1.000000e+00 : f32
    %broadcast_in_dim3A_6 = vector.broadcast %broadcast_in_dim3A_5 : f32 to vector<16xf32>
    %swap3A_7 = arith.constant 16 : index
    %swap3A_8 = tpu.vector_load %arg6[%swap3A_7] {strides = array<i32>} : memref<80xf32, #tpu.memory_space<vmem>>, vector<16xf32>,
    %swap3A_9 = vector.shape_cast %swap3A_8 : vector<16xf32> to vector<16xf32>
    %swap3A_10 = vector.shape_cast %broadcast_in_dim3A_6 : vector<16xf32> to vector<16xf32>
    tpu.vector_store %arg6[%swap3A_7], %swap3A_10 {strides = array<i32>} : memref<80xf32, #tpu.memory_space<vmem>>, vector<16xf32>,
    %broadcast_in_dim3A_11 = arith.constant 1.000000e+00 : f32
    %broadcast_in_dim3A_12 = vector.broadcast %broadcast_in_dim3A_11 : f32 to vector<16xf32>
    %swap3A_13 = arith.constant 32 : index
    %swap3A_14 = tpu.vector_load %arg6[%swap3A_13] {strides = array<i32>} : memref<80xf32, #tpu.memory_space<vmem>>, vector<16xf32>,
    %swap3A_15 = vector.shape_cast %swap3A_14 : vector<16xf32> to vector<16xf32>
    %swap3A_16 = vector.shape_cast %broadcast_in_dim3A_12 : vector<16xf32> to vector<16xf32>
    tpu.vector_store %arg6[%swap3A_13], %swap3A_16 {strides = array<i32>} : memref<80xf32, #tpu.memory_space<vmem>>, vector<16xf32>,
    %broadcast_in_dim3A_17 = arith.constant 1.000000e+00 : f32
    %broadcast_in_dim3A_18 = vector.broadcast %broadcast_in_dim3A_17 : f32 to vector<16xf32>
    %swap3A_19 = arith.constant 48 : index
    %swap3A_20 = tpu.vector_load %arg6[%swap3A_19] {strides = array<i32>} : memref<80xf32, #tpu.memory_space<vmem>>, vector<16xf32>,
    %swap3A_21 = vector.shape_cast %swap3A_20 : vector<16xf32> to vector<16xf32>
    %swap3A_22 = vector.shape_cast %broadcast_in_dim3A_18 : vector<16xf32> to vector<16xf32>
    tpu.vector_store %arg6[%swap3A_19], %swap3A_22 {strides = array<i32>} : memref<80xf32, #tpu.memory_space<vmem>>, vector<16xf32>,
    %broadcast_in_dim3A_23 = arith.constant 1.000000e+00 : f32
    %broadcast_in_dim3A_24 = vector.broadcast %broadcast_in_dim3A_23 : f32 to vector<16xf32>
    %swap3A_25 = arith.constant 64 : index
    %swap3A_26 = tpu.vector_load %arg6[%swap3A_25] {strides = array<i32>} : memref<80xf32, #tpu.memory_space<vmem>>, vector<16xf32>,
    %swap3A_27 = vector.shape_cast %swap3A_26 : vector<16xf32> to vector<16xf32>
    %swap3A_28 = vector.shape_cast %broadcast_in_dim3A_24 : vector<16xf32> to vector<16xf32>
    tpu.vector_store %arg6[%swap3A_25], %swap3A_28 {strides = array<i32>} : memref<80xf32, #tpu.memory_space<vmem>>, vector<16xf32>,
    %eq3A = arith.constant 0 : i32
    %eq3A_29 = arith.cmpi eq, %arg1, %eq3A : i32
    %convert_element_type3A = arith.extui %eq3A_29 : i1 to i32
    %cond3A = arith.constant 0 : i32
    %cond3A_30 = arith.cmpi ne, %convert_element_type3A, %cond3A : i32
    scf.if %cond3A_30 {
      "tpu.region"() ({
        %run_scoped3A = tpu.sem_alloc : memref<!tpu.dma_semaphore, #tpu.memory_space<semaphore_mem>>
        tpu.enqueue_dma source(%arg3 : memref<10000xf32, #tpu.memory_space<hbm>>) target(%arg9 : memref<10000xf32, #tpu.memory_space<vmem_shared>>) target_semaphore(%run_scoped3A : memref<!tpu.dma_semaphore, #tpu.memory_space<semaphore_mem>>)
        tpu.wait_dma2 semaphore(%run_scoped3A : memref<!tpu.dma_semaphore, #tpu.memory_space<semaphore_mem>>) src(%arg3 : memref<10000xf32, #tpu.memory_space<hbm>>) dst(%arg9 : memref<10000xf32, #tpu.memory_space<vmem_shared>>)
        tpu.yield
      }) : () -> ()
    } else {
    }
    %barrier3A = arith.constant 0 : index
    tpu.barrier barrier_id(%barrier3A)
    %scan3A = arith.constant 0 : i32
    %scan3A_31 = arith.constant 0 : i32
    %scan3A_32 = arith.constant 125 : i32
    %scan3A_33 = arith.addi %scan3A_31, %scan3A_32 : i32
    %scan3A_34 = arith.constant 1 : i32
    scf.for %scan3A_53 = %scan3A_31 to %scan3A_33 step %scan3A_34  : i32 {
      %rem3A = arith.constant 2 : i32
      %rem3A_54 = arith.remsi %scan3A_53, %rem3A : i32
      %gt3A = arith.constant 1 : i32
      %gt3A_55 = arith.cmpi sgt, %scan3A_53, %gt3A : i32
      %eq3A_56 = arith.constant 0 : i32
      %eq3A_57 = arith.cmpi eq, %rem3A_54, %eq3A_56 : i32
      %and3A = arith.andi %gt3A_55, %eq3A_57 : i1
      %convert_element_type3A_58 = arith.extui %and3A : i1 to i32
      %cond3A_59 = arith.constant 0 : i32
      %cond3A_60 = arith.cmpi ne, %convert_element_type3A_58, %cond3A_59 : i32
      scf.if %cond3A_60 {
        %dma_wait3A_79 = arith.constant 0 : i32
        %dma_wait3A_80 = tpu.memref_slice %arg5[%scan3A_53, %dma_wait3A_79] : memref<125x80xi32, #tpu.memory_space<vmem>> -> memref<1x80xi32, #tpu.memory_space<vmem>>
        %dma_wait3A_81 = tpu.memref_squeeze %dma_wait3A_80 : memref<1x80xi32, #tpu.memory_space<vmem>> -> memref<80xi32, #tpu.memory_space<vmem>>
        %dma_wait3A_82 = arith.constant 0 : i32
        %dma_wait3A_83 = tpu.memref_slice %arg9[%dma_wait3A_82] : memref<10000xf32, #tpu.memory_space<vmem_shared>> -> memref<10000xf32, #tpu.memory_space<vmem_shared>>
        tpu.wait_indirect_dma semaphore(%arg7 : memref<!tpu.dma_semaphore, #tpu.memory_space<semaphore_mem>>) src(%arg6 : memref<80xf32, #tpu.memory_space<vmem>>) dst(%dma_wait3A_83 : memref<10000xf32, #tpu.memory_space<vmem_shared>>)
      } else {
      }
      %gt3A_61 = arith.constant 1 : i32
      %gt3A_62 = arith.cmpi sgt, %scan3A_53, %gt3A_61 : i32
      %eq3A_63 = arith.constant 1 : i32
      %eq3A_64 = arith.cmpi eq, %rem3A_54, %eq3A_63 : i32
      %and3A_65 = arith.andi %gt3A_62, %eq3A_64 : i1
      %convert_element_type3A_66 = arith.extui %and3A_65 : i1 to i32
      %cond3A_67 = arith.constant 0 : i32
      %cond3A_68 = arith.cmpi ne, %convert_element_type3A_66, %cond3A_67 : i32
      scf.if %cond3A_68 {
        %dma_wait3A_79 = arith.constant 0 : i32
        %dma_wait3A_80 = tpu.memref_slice %arg5[%scan3A_53, %dma_wait3A_79] : memref<125x80xi32, #tpu.memory_space<vmem>> -> memref<1x80xi32, #tpu.memory_space<vmem>>
        %dma_wait3A_81 = tpu.memref_squeeze %dma_wait3A_80 : memref<1x80xi32, #tpu.memory_space<vmem>> -> memref<80xi32, #tpu.memory_space<vmem>>
        %dma_wait3A_82 = arith.constant 0 : i32
        %dma_wait3A_83 = tpu.memref_slice %arg9[%dma_wait3A_82] : memref<10000xf32, #tpu.memory_space<vmem_shared>> -> memref<10000xf32, #tpu.memory_space<vmem_shared>>
        tpu.wait_indirect_dma semaphore(%arg8 : memref<!tpu.dma_semaphore, #tpu.memory_space<semaphore_mem>>) src(%arg6 : memref<80xf32, #tpu.memory_space<vmem>>) dst(%dma_wait3A_83 : memref<10000xf32, #tpu.memory_space<vmem_shared>>)
      } else {
      }
      %eq3A_69 = arith.constant 0 : i32
      %eq3A_70 = arith.cmpi eq, %rem3A_54, %eq3A_69 : i32
      %convert_element_type3A_71 = arith.extui %eq3A_70 : i1 to i32
      %cond3A_72 = arith.constant 0 : i32
      %cond3A_73 = arith.cmpi ne, %convert_element_type3A_71, %cond3A_72 : i32
      scf.if %cond3A_73 {
        %dma_start3A = arith.constant 0 : i32
        %dma_start3A_79 = tpu.memref_slice %arg5[%scan3A_53, %dma_start3A] : memref<125x80xi32, #tpu.memory_space<vmem>> -> memref<1x80xi32, #tpu.memory_space<vmem>>
        %dma_start3A_80 = tpu.memref_squeeze %dma_start3A_79 : memref<1x80xi32, #tpu.memory_space<vmem>> -> memref<80xi32, #tpu.memory_space<vmem>>
        %dma_start3A_81 = arith.constant 0 : i32
        %dma_start3A_82 = tpu.memref_slice %arg9[%dma_start3A_81] : memref<10000xf32, #tpu.memory_space<vmem_shared>> -> memref<10000xf32, #tpu.memory_space<vmem_shared>>
        tpu.enqueue_indirect_dma source(%arg6 : memref<80xf32, #tpu.memory_space<vmem>>) target(%dma_start3A_82 : memref<10000xf32, #tpu.memory_space<vmem_shared>>) offsets(%dma_start3A_80 : memref<80xi32, #tpu.memory_space<vmem>>) semaphore(%arg7 : memref<!tpu.dma_semaphore, #tpu.memory_space<semaphore_mem>>) {add = true}
      } else {
      }
      %eq3A_74 = arith.constant 1 : i32
      %eq3A_75 = arith.cmpi eq, %rem3A_54, %eq3A_74 : i32
      %convert_element_type3A_76 = arith.extui %eq3A_75 : i1 to i32
      %cond3A_77 = arith.constant 0 : i32
      %cond3A_78 = arith.cmpi ne, %convert_element_type3A_76, %cond3A_77 : i32
      scf.if %cond3A_78 {
        %dma_start3A = arith.constant 0 : i32
        %dma_start3A_79 = tpu.memref_slice %arg5[%scan3A_53, %dma_start3A] : memref<125x80xi32, #tpu.memory_space<vmem>> -> memref<1x80xi32, #tpu.memory_space<vmem>>
        %dma_start3A_80 = tpu.memref_squeeze %dma_start3A_79 : memref<1x80xi32, #tpu.memory_space<vmem>> -> memref<80xi32, #tpu.memory_space<vmem>>
        %dma_start3A_81 = arith.constant 0 : i32
        %dma_start3A_82 = tpu.memref_slice %arg9[%dma_start3A_81] : memref<10000xf32, #tpu.memory_space<vmem_shared>> -> memref<10000xf32, #tpu.memory_space<vmem_shared>>
        tpu.enqueue_indirect_dma source(%arg6 : memref<80xf32, #tpu.memory_space<vmem>>) target(%dma_start3A_82 : memref<10000xf32, #tpu.memory_space<vmem_shared>>) offsets(%dma_start3A_80 : memref<80xi32, #tpu.memory_space<vmem>>) semaphore(%arg8 : memref<!tpu.dma_semaphore, #tpu.memory_space<semaphore_mem>>) {add = true}
      } else {
      }
    }
    %scan3A_35 = arith.constant 125 : i32
    %dma_wait3A = arith.constant 0 : i32
    %dma_wait3A_36 = arith.constant 0 : i32
    %dma_wait3A_37 = tpu.memref_slice %arg5[%dma_wait3A, %dma_wait3A_36] : memref<125x80xi32, #tpu.memory_space<vmem>> -> memref<1x80xi32, #tpu.memory_space<vmem>>
    %dma_wait3A_38 = tpu.memref_squeeze %dma_wait3A_37 : memref<1x80xi32, #tpu.memory_space<vmem>> -> memref<80xi32, #tpu.memory_space<vmem>>
    %dma_wait3A_39 = arith.constant 0 : i32
    %dma_wait3A_40 = tpu.memref_slice %arg9[%dma_wait3A_39] : memref<10000xf32, #tpu.memory_space<vmem_shared>> -> memref<10000xf32, #tpu.memory_space<vmem_shared>>
    tpu.wait_indirect_dma semaphore(%arg7 : memref<!tpu.dma_semaphore, #tpu.memory_space<semaphore_mem>>) src(%arg6 : memref<80xf32, #tpu.memory_space<vmem>>) dst(%dma_wait3A_40 : memref<10000xf32, #tpu.memory_space<vmem_shared>>)
    %dma_wait3A_41 = arith.constant 0 : i32
    %dma_wait3A_42 = arith.constant 0 : i32
    %dma_wait3A_43 = tpu.memref_slice %arg5[%dma_wait3A_41, %dma_wait3A_42] : memref<125x80xi32, #tpu.memory_space<vmem>> -> memref<1x80xi32, #tpu.memory_space<vmem>>
    %dma_wait3A_44 = tpu.memref_squeeze %dma_wait3A_43 : memref<1x80xi32, #tpu.memory_space<vmem>> -> memref<80xi32, #tpu.memory_space<vmem>>
    %dma_wait3A_45 = arith.constant 0 : i32
    %dma_wait3A_46 = tpu.memref_slice %arg9[%dma_wait3A_45] : memref<10000xf32, #tpu.memory_space<vmem_shared>> -> memref<10000xf32, #tpu.memory_space<vmem_shared>>
    tpu.wait_indirect_dma semaphore(%arg8 : memref<!tpu.dma_semaphore, #tpu.memory_space<semaphore_mem>>) src(%arg6 : memref<80xf32, #tpu.memory_space<vmem>>) dst(%dma_wait3A_46 : memref<10000xf32, #tpu.memory_space<vmem_shared>>)
    %barrier3A_47 = arith.constant 0 : index
    tpu.barrier barrier_id(%barrier3A_47)
    %eq3A_48 = arith.constant 0 : i32
    %eq3A_49 = arith.cmpi eq, %arg1, %eq3A_48 : i32
    %convert_element_type3A_50 = arith.extui %eq3A_49 : i1 to i32
    %cond3A_51 = arith.constant 0 : i32
    %cond3A_52 = arith.cmpi ne, %convert_element_type3A_50, %cond3A_51 : i32
    scf.if %cond3A_52 {
      "tpu.region"() ({
        %run_scoped3A = tpu.sem_alloc : memref<!tpu.dma_semaphore, #tpu.memory_space<semaphore_mem>>
        %dma_start3A = arith.constant 0 : i32
        %dma_start3A_53 = tpu.memref_slice %arg4[%arg0, %dma_start3A] : memref<2x10000xf32, #tpu.memory_space<hbm>> -> memref<1x10000xf32, #tpu.memory_space<hbm>>
        %dma_start3A_54 = tpu.memref_squeeze %dma_start3A_53 : memref<1x10000xf32, #tpu.memory_space<hbm>> -> memref<10000xf32, #tpu.memory_space<hbm>>
        tpu.enqueue_dma source(%arg9 : memref<10000xf32, #tpu.memory_space<vmem_shared>>) target(%dma_start3A_54 : memref<10000xf32, #tpu.memory_space<hbm>>) target_semaphore(%run_scoped3A : memref<!tpu.dma_semaphore, #tpu.memory_space<semaphore_mem>>)
        %dma_wait3A_55 = arith.constant 0 : i32
        %dma_wait3A_56 = tpu.memref_slice %arg4[%arg0, %dma_wait3A_55] : memref<2x10000xf32, #tpu.memory_space<hbm>> -> memref<1x10000xf32, #tpu.memory_space<hbm>>
        %dma_wait3A_57 = tpu.memref_squeeze %dma_wait3A_56 : memref<1x10000xf32, #tpu.memory_space<hbm>> -> memref<10000xf32, #tpu.memory_space<hbm>>
        tpu.wait_dma2 semaphore(%run_scoped3A : memref<!tpu.dma_semaphore, #tpu.memory_space<semaphore_mem>>) src(%arg9 : memref<10000xf32, #tpu.memory_space<vmem_shared>>) dst(%dma_wait3A_57 : memref<10000xf32, #tpu.memory_space<hbm>>)
        tpu.yield
      }) : () -> ()
    } else {
    }
    return
  }
}

#map = affine_map<(d0, d1) -> (0, 0)>
#map1 = affine_map<(d0, d1) -> (0, 0, 0, 0)>
#map2 = affine_map<(d0, d1) -> (0, 0, 0)>
module attributes {stable_mosaic.version = 14 : i64} {
  func.func @_agg_body(%arg0: i32, %arg1: i32, %arg2: memref<10000x128xf32, #tpu.memory_space<hbm>>, %arg3: memref<32x125x2x80xi32, #tpu.memory_space<hbm>>, %arg4: memref<10000x128xf32, #tpu.memory_space<hbm>>, %arg5: memref<2x10000x128xf32, #tpu.memory_space<hbm>>, %arg6: memref<2x25x2x80xi32, #tpu.memory_space<vmem>>, %arg7: memref<3x80x128xf32, #tpu.memory_space<vmem>>, %arg8: memref<!tpu.dma_semaphore, #tpu.memory_space<semaphore_mem>>, %arg9: memref<!tpu.dma_semaphore, #tpu.memory_space<semaphore_mem>>, %arg10: memref<!tpu.dma_semaphore, #tpu.memory_space<semaphore_mem>>, %arg11: memref<!tpu.dma_semaphore, #tpu.memory_space<semaphore_mem>>, %arg12: memref<!tpu.dma_semaphore, #tpu.memory_space<semaphore_mem>>, %arg13: memref<10000x128xf32, #tpu.memory_space<vmem_shared>>) attributes {dimension_semantics = [#tpu.dimension_semantics<core_parallel>, #tpu.dimension_semantics<subcore_parallel>], iteration_bounds = array<i64: 2, 16>, scalar_prefetch = 0 : i64, scratch_operands = 8 : i64, tpu.core_type = #tpu.core_type<sc_vector_subcore>, window_params = [{transform_indices = #map}, {transform_indices = #map1}, {transform_indices = #map}, {transform_indices = #map2}]} {
    %mul3A = arith.constant 16 : i32
    %mul3A_0 = arith.muli %arg0, %mul3A : i32
    %add3A = arith.addi %mul3A_0, %arg1 : i32
    %mul3A_1 = arith.constant 624 : i32
    %mul3A_2 = arith.muli %arg1, %mul3A_1 : i32
    %dma_start3A = arith.constant 0 : i32
    %dma_start3A_3 = tpu.memref_slice %arg13[%mul3A_2, %dma_start3A] : memref<10000x128xf32, #tpu.memory_space<vmem_shared>> -> memref<624x128xf32, #tpu.memory_space<vmem_shared>>
    %dma_start3A_4 = arith.constant 0 : i32
    %dma_start3A_5 = tpu.memref_slice %arg4[%mul3A_2, %dma_start3A_4] : memref<10000x128xf32, #tpu.memory_space<hbm>> -> memref<624x128xf32, #tpu.memory_space<hbm>>
    tpu.enqueue_dma source(%dma_start3A_5 : memref<624x128xf32, #tpu.memory_space<hbm>>) target(%dma_start3A_3 : memref<624x128xf32, #tpu.memory_space<vmem_shared>>) target_semaphore(%arg12 : memref<!tpu.dma_semaphore, #tpu.memory_space<semaphore_mem>>)
    %eq3A = arith.constant 15 : i32
    %eq3A_6 = arith.cmpi eq, %arg1, %eq3A : i32
    %convert_element_type3A = arith.extui %eq3A_6 : i1 to i32
    %cond3A = arith.constant 0 : i32
    %cond3A_7 = arith.cmpi ne, %convert_element_type3A, %cond3A : i32
    scf.if %cond3A_7 {
      %dma_start3A_96 = arith.constant 9984 : i32
      %dma_start3A_97 = arith.constant 0 : i32
      %dma_start3A_98 = tpu.memref_slice %arg13[%dma_start3A_96, %dma_start3A_97] : memref<10000x128xf32, #tpu.memory_space<vmem_shared>> -> memref<16x128xf32, #tpu.memory_space<vmem_shared>>
      %dma_start3A_99 = arith.constant 9984 : i32
      %dma_start3A_100 = arith.constant 0 : i32
      %dma_start3A_101 = tpu.memref_slice %arg4[%dma_start3A_99, %dma_start3A_100] : memref<10000x128xf32, #tpu.memory_space<hbm>> -> memref<16x128xf32, #tpu.memory_space<hbm>>
      tpu.enqueue_dma source(%dma_start3A_101 : memref<16x128xf32, #tpu.memory_space<hbm>>) target(%dma_start3A_98 : memref<16x128xf32, #tpu.memory_space<vmem_shared>>) target_semaphore(%arg12 : memref<!tpu.dma_semaphore, #tpu.memory_space<semaphore_mem>>)
    } else {
    }
    %run_scoped3A = arith.constant 0 : i32
    "tpu.region"() ({
      %run_scoped3A_96 = tpu.sem_alloc : memref<!tpu.dma_semaphore, #tpu.memory_space<semaphore_mem>>
      %dma_start3A_97 = arith.constant 0 : i32
      %dma_start3A_98 = arith.constant 0 : i32
      %dma_start3A_99 = arith.constant 0 : i32
      %dma_start3A_100 = tpu.memref_slice %arg6[%run_scoped3A, %dma_start3A_97, %dma_start3A_98, %dma_start3A_99] : memref<2x25x2x80xi32, #tpu.memory_space<vmem>> -> memref<1x25x2x80xi32, #tpu.memory_space<vmem>>
      %dma_start3A_101 = tpu.memref_squeeze %dma_start3A_100 : memref<1x25x2x80xi32, #tpu.memory_space<vmem>> -> memref<25x2x80xi32, #tpu.memory_space<vmem>>
      %dma_start3A_102 = arith.constant 0 : i32
      %dma_start3A_103 = arith.constant 0 : i32
      %dma_start3A_104 = arith.constant 0 : i32
      %dma_start3A_105 = tpu.memref_slice %arg3[%add3A, %dma_start3A_102, %dma_start3A_103, %dma_start3A_104] : memref<32x125x2x80xi32, #tpu.memory_space<hbm>> -> memref<1x125x2x80xi32, #tpu.memory_space<hbm>>
      %dma_start3A_106 = tpu.memref_squeeze %dma_start3A_105 : memref<1x125x2x80xi32, #tpu.memory_space<hbm>> -> memref<125x2x80xi32, #tpu.memory_space<hbm>>
      %dma_start3A_107 = arith.constant 0 : i32
      %dma_start3A_108 = arith.constant 0 : i32
      %dma_start3A_109 = arith.constant 0 : i32
      %dma_start3A_110 = tpu.memref_slice %dma_start3A_106[%dma_start3A_107, %dma_start3A_108, %dma_start3A_109] : memref<125x2x80xi32, #tpu.memory_space<hbm>> -> memref<25x2x80xi32, #tpu.memory_space<hbm>>
      %dma_start3A_111 = arith.constant 0 : i32
      %dma_start3A_112 = arith.constant 0 : i32
      %dma_start3A_113 = arith.constant 0 : i32
      %dma_start3A_114 = tpu.memref_slice %arg6[%run_scoped3A, %dma_start3A_111, %dma_start3A_112, %dma_start3A_113] : memref<2x25x2x80xi32, #tpu.memory_space<vmem>> -> memref<1x25x2x80xi32, #tpu.memory_space<vmem>>
      %dma_start3A_115 = tpu.memref_squeeze %dma_start3A_114 : memref<1x25x2x80xi32, #tpu.memory_space<vmem>> -> memref<25x2x80xi32, #tpu.memory_space<vmem>>
      %dma_start3A_116 = arith.constant 0 : i32
      %dma_start3A_117 = arith.constant 0 : i32
      %dma_start3A_118 = arith.constant 0 : i32
      %dma_start3A_119 = tpu.memref_slice %arg3[%add3A, %dma_start3A_116, %dma_start3A_117, %dma_start3A_118] : memref<32x125x2x80xi32, #tpu.memory_space<hbm>> -> memref<1x125x2x80xi32, #tpu.memory_space<hbm>>
      %dma_start3A_120 = tpu.memref_squeeze %dma_start3A_119 : memref<1x125x2x80xi32, #tpu.memory_space<hbm>> -> memref<125x2x80xi32, #tpu.memory_space<hbm>>
      %dma_start3A_121 = arith.constant 0 : i32
      %dma_start3A_122 = arith.constant 0 : i32
      %dma_start3A_123 = arith.constant 0 : i32
      %dma_start3A_124 = tpu.memref_slice %dma_start3A_120[%dma_start3A_121, %dma_start3A_122, %dma_start3A_123] : memref<125x2x80xi32, #tpu.memory_space<hbm>> -> memref<25x2x80xi32, #tpu.memory_space<hbm>>
      tpu.enqueue_dma source(%dma_start3A_124 : memref<25x2x80xi32, #tpu.memory_space<hbm>>) target(%dma_start3A_115 : memref<25x2x80xi32, #tpu.memory_space<vmem>>) target_semaphore(%run_scoped3A_96 : memref<!tpu.dma_semaphore, #tpu.memory_space<semaphore_mem>>)
      %dma_wait3A_125 = arith.constant 0 : i32
      %dma_wait3A_126 = arith.constant 0 : i32
      %dma_wait3A_127 = arith.constant 0 : i32
      %dma_wait3A_128 = tpu.memref_slice %arg6[%run_scoped3A, %dma_wait3A_125, %dma_wait3A_126, %dma_wait3A_127] : memref<2x25x2x80xi32, #tpu.memory_space<vmem>> -> memref<1x25x2x80xi32, #tpu.memory_space<vmem>>
      %dma_wait3A_129 = tpu.memref_squeeze %dma_wait3A_128 : memref<1x25x2x80xi32, #tpu.memory_space<vmem>> -> memref<25x2x80xi32, #tpu.memory_space<vmem>>
      %dma_wait3A_130 = arith.constant 0 : i32
      %dma_wait3A_131 = arith.constant 0 : i32
      %dma_wait3A_132 = arith.constant 0 : i32
      %dma_wait3A_133 = tpu.memref_slice %arg3[%add3A, %dma_wait3A_130, %dma_wait3A_131, %dma_wait3A_132] : memref<32x125x2x80xi32, #tpu.memory_space<hbm>> -> memref<1x125x2x80xi32, #tpu.memory_space<hbm>>
      %dma_wait3A_134 = tpu.memref_squeeze %dma_wait3A_133 : memref<1x125x2x80xi32, #tpu.memory_space<hbm>> -> memref<125x2x80xi32, #tpu.memory_space<hbm>>
      %dma_wait3A_135 = arith.constant 0 : i32
      %dma_wait3A_136 = arith.constant 0 : i32
      %dma_wait3A_137 = arith.constant 0 : i32
      %dma_wait3A_138 = tpu.memref_slice %dma_wait3A_134[%dma_wait3A_135, %dma_wait3A_136, %dma_wait3A_137] : memref<125x2x80xi32, #tpu.memory_space<hbm>> -> memref<25x2x80xi32, #tpu.memory_space<hbm>>
      %dma_wait3A_139 = arith.constant 0 : i32
      %dma_wait3A_140 = arith.constant 0 : i32
      %dma_wait3A_141 = arith.constant 0 : i32
      %dma_wait3A_142 = tpu.memref_slice %arg6[%run_scoped3A, %dma_wait3A_139, %dma_wait3A_140, %dma_wait3A_141] : memref<2x25x2x80xi32, #tpu.memory_space<vmem>> -> memref<1x25x2x80xi32, #tpu.memory_space<vmem>>
      %dma_wait3A_143 = tpu.memref_squeeze %dma_wait3A_142 : memref<1x25x2x80xi32, #tpu.memory_space<vmem>> -> memref<25x2x80xi32, #tpu.memory_space<vmem>>
      %dma_wait3A_144 = arith.constant 0 : i32
      %dma_wait3A_145 = arith.constant 0 : i32
      %dma_wait3A_146 = arith.constant 0 : i32
      %dma_wait3A_147 = tpu.memref_slice %arg3[%add3A, %dma_wait3A_144, %dma_wait3A_145, %dma_wait3A_146] : memref<32x125x2x80xi32, #tpu.memory_space<hbm>> -> memref<1x125x2x80xi32, #tpu.memory_space<hbm>>
      %dma_wait3A_148 = tpu.memref_squeeze %dma_wait3A_147 : memref<1x125x2x80xi32, #tpu.memory_space<hbm>> -> memref<125x2x80xi32, #tpu.memory_space<hbm>>
      %dma_wait3A_149 = arith.constant 0 : i32
      %dma_wait3A_150 = arith.constant 0 : i32
      %dma_wait3A_151 = arith.constant 0 : i32
      %dma_wait3A_152 = tpu.memref_slice %dma_wait3A_148[%dma_wait3A_149, %dma_wait3A_150, %dma_wait3A_151] : memref<125x2x80xi32, #tpu.memory_space<hbm>> -> memref<25x2x80xi32, #tpu.memory_space<hbm>>
      tpu.wait_dma2 semaphore(%run_scoped3A_96 : memref<!tpu.dma_semaphore, #tpu.memory_space<semaphore_mem>>) src(%dma_wait3A_152 : memref<25x2x80xi32, #tpu.memory_space<hbm>>) dst(%dma_wait3A_143 : memref<25x2x80xi32, #tpu.memory_space<vmem>>)
      tpu.yield
    }) : () -> ()
    %dma_start3A_8 = arith.constant 0 : i32
    %dma_start3A_9 = arith.constant 0 : i32
    %dma_start3A_10 = arith.constant 0 : i32
    %dma_start3A_11 = arith.constant 0 : i32
    %dma_start3A_12 = arith.constant 0 : i32
    %dma_start3A_13 = arith.constant 0 : i32
    %dma_start3A_14 = tpu.memref_slice %arg7[%dma_start3A_11, %dma_start3A_12, %dma_start3A_13] : memref<3x80x128xf32, #tpu.memory_space<vmem>> -> memref<1x80x128xf32, #tpu.memory_space<vmem>>
    %dma_start3A_15 = tpu.memref_squeeze %dma_start3A_14 : memref<1x80x128xf32, #tpu.memory_space<vmem>> -> memref<80x128xf32, #tpu.memory_space<vmem>>
    %dma_start3A_16 = arith.constant 0 : i32
    %dma_start3A_17 = arith.constant 0 : i32
    %dma_start3A_18 = arith.constant 0 : i32
    %dma_start3A_19 = tpu.memref_slice %arg6[%dma_start3A_8, %dma_start3A_16, %dma_start3A_17, %dma_start3A_18] : memref<2x25x2x80xi32, #tpu.memory_space<vmem>> -> memref<1x25x2x80xi32, #tpu.memory_space<vmem>>
    %dma_start3A_20 = tpu.memref_squeeze %dma_start3A_19 : memref<1x25x2x80xi32, #tpu.memory_space<vmem>> -> memref<25x2x80xi32, #tpu.memory_space<vmem>>
    %dma_start3A_21 = arith.constant 0 : i32
    %dma_start3A_22 = arith.constant 0 : i32
    %dma_start3A_23 = tpu.memref_slice %dma_start3A_20[%dma_start3A_9, %dma_start3A_21, %dma_start3A_22] : memref<25x2x80xi32, #tpu.memory_space<vmem>> -> memref<1x2x80xi32, #tpu.memory_space<vmem>>
    %dma_start3A_24 = tpu.memref_squeeze %dma_start3A_23 : memref<1x2x80xi32, #tpu.memory_space<vmem>> -> memref<2x80xi32, #tpu.memory_space<vmem>>
    %dma_start3A_25 = arith.constant 0 : i32
    %dma_start3A_26 = tpu.memref_slice %dma_start3A_24[%dma_start3A_10, %dma_start3A_25] : memref<2x80xi32, #tpu.memory_space<vmem>> -> memref<1x80xi32, #tpu.memory_space<vmem>>
    %dma_start3A_27 = tpu.memref_squeeze %dma_start3A_26 : memref<1x80xi32, #tpu.memory_space<vmem>> -> memref<80xi32, #tpu.memory_space<vmem>>
    %dma_start3A_28 = arith.constant 0 : i32
    %dma_start3A_29 = arith.constant 0 : i32
    %dma_start3A_30 = tpu.memref_slice %arg2[%dma_start3A_28, %dma_start3A_29] : memref<10000x128xf32, #tpu.memory_space<hbm>> -> memref<10000x128xf32, #tpu.memory_space<hbm>>
    tpu.enqueue_indirect_dma source(%dma_start3A_30 : memref<10000x128xf32, #tpu.memory_space<hbm>>) target(%dma_start3A_15 : memref<80x128xf32, #tpu.memory_space<vmem>>) offsets(%dma_start3A_27 : memref<80xi32, #tpu.memory_space<vmem>>) semaphore(%arg9 : memref<!tpu.dma_semaphore, #tpu.memory_space<semaphore_mem>>)
    %dma_start3A_31 = arith.constant 0 : i32
    %dma_start3A_32 = arith.constant 1 : i32
    %dma_start3A_33 = arith.constant 0 : i32
    %dma_start3A_34 = arith.constant 1 : i32
    %dma_start3A_35 = arith.constant 0 : i32
    %dma_start3A_36 = arith.constant 0 : i32
    %dma_start3A_37 = tpu.memref_slice %arg7[%dma_start3A_34, %dma_start3A_35, %dma_start3A_36] : memref<3x80x128xf32, #tpu.memory_space<vmem>> -> memref<1x80x128xf32, #tpu.memory_space<vmem>>
    %dma_start3A_38 = tpu.memref_squeeze %dma_start3A_37 : memref<1x80x128xf32, #tpu.memory_space<vmem>> -> memref<80x128xf32, #tpu.memory_space<vmem>>
    %dma_start3A_39 = arith.constant 0 : i32
    %dma_start3A_40 = arith.constant 0 : i32
    %dma_start3A_41 = arith.constant 0 : i32
    %dma_start3A_42 = tpu.memref_slice %arg6[%dma_start3A_31, %dma_start3A_39, %dma_start3A_40, %dma_start3A_41] : memref<2x25x2x80xi32, #tpu.memory_space<vmem>> -> memref<1x25x2x80xi32, #tpu.memory_space<vmem>>
    %dma_start3A_43 = tpu.memref_squeeze %dma_start3A_42 : memref<1x25x2x80xi32, #tpu.memory_space<vmem>> -> memref<25x2x80xi32, #tpu.memory_space<vmem>>
    %dma_start3A_44 = arith.constant 0 : i32
    %dma_start3A_45 = arith.constant 0 : i32
    %dma_start3A_46 = tpu.memref_slice %dma_start3A_43[%dma_start3A_32, %dma_start3A_44, %dma_start3A_45] : memref<25x2x80xi32, #tpu.memory_space<vmem>> -> memref<1x2x80xi32, #tpu.memory_space<vmem>>
    %dma_start3A_47 = tpu.memref_squeeze %dma_start3A_46 : memref<1x2x80xi32, #tpu.memory_space<vmem>> -> memref<2x80xi32, #tpu.memory_space<vmem>>
    %dma_start3A_48 = arith.constant 0 : i32
    %dma_start3A_49 = tpu.memref_slice %dma_start3A_47[%dma_start3A_33, %dma_start3A_48] : memref<2x80xi32, #tpu.memory_space<vmem>> -> memref<1x80xi32, #tpu.memory_space<vmem>>
    %dma_start3A_50 = tpu.memref_squeeze %dma_start3A_49 : memref<1x80xi32, #tpu.memory_space<vmem>> -> memref<80xi32, #tpu.memory_space<vmem>>
    %dma_start3A_51 = arith.constant 0 : i32
    %dma_start3A_52 = arith.constant 0 : i32
    %dma_start3A_53 = tpu.memref_slice %arg2[%dma_start3A_51, %dma_start3A_52] : memref<10000x128xf32, #tpu.memory_space<hbm>> -> memref<10000x128xf32, #tpu.memory_space<hbm>>
    tpu.enqueue_indirect_dma source(%dma_start3A_53 : memref<10000x128xf32, #tpu.memory_space<hbm>>) target(%dma_start3A_38 : memref<80x128xf32, #tpu.memory_space<vmem>>) offsets(%dma_start3A_50 : memref<80xi32, #tpu.memory_space<vmem>>) semaphore(%arg10 : memref<!tpu.dma_semaphore, #tpu.memory_space<semaphore_mem>>)
    %dma_wait3A = arith.constant 0 : i32
    %dma_wait3A_54 = tpu.memref_slice %arg13[%mul3A_2, %dma_wait3A] : memref<10000x128xf32, #tpu.memory_space<vmem_shared>> -> memref<624x128xf32, #tpu.memory_space<vmem_shared>>
    %dma_wait3A_55 = arith.constant 0 : i32
    %dma_wait3A_56 = tpu.memref_slice %arg4[%mul3A_2, %dma_wait3A_55] : memref<10000x128xf32, #tpu.memory_space<hbm>> -> memref<624x128xf32, #tpu.memory_space<hbm>>
    tpu.wait_dma2 semaphore(%arg12 : memref<!tpu.dma_semaphore, #tpu.memory_space<semaphore_mem>>) src(%dma_wait3A_56 : memref<624x128xf32, #tpu.memory_space<hbm>>) dst(%dma_wait3A_54 : memref<624x128xf32, #tpu.memory_space<vmem_shared>>)
    %eq3A_57 = arith.constant 15 : i32
    %eq3A_58 = arith.cmpi eq, %arg1, %eq3A_57 : i32
    %convert_element_type3A_59 = arith.extui %eq3A_58 : i1 to i32
    %cond3A_60 = arith.constant 0 : i32
    %cond3A_61 = arith.cmpi ne, %convert_element_type3A_59, %cond3A_60 : i32
    scf.if %cond3A_61 {
      %dma_wait3A_96 = arith.constant 9984 : i32
      %dma_wait3A_97 = arith.constant 0 : i32
      %dma_wait3A_98 = tpu.memref_slice %arg13[%dma_wait3A_96, %dma_wait3A_97] : memref<10000x128xf32, #tpu.memory_space<vmem_shared>> -> memref<16x128xf32, #tpu.memory_space<vmem_shared>>
      %dma_wait3A_99 = arith.constant 9984 : i32
      %dma_wait3A_100 = arith.constant 0 : i32
      %dma_wait3A_101 = tpu.memref_slice %arg4[%dma_wait3A_99, %dma_wait3A_100] : memref<10000x128xf32, #tpu.memory_space<hbm>> -> memref<16x128xf32, #tpu.memory_space<hbm>>
      tpu.wait_dma2 semaphore(%arg12 : memref<!tpu.dma_semaphore, #tpu.memory_space<semaphore_mem>>) src(%dma_wait3A_101 : memref<16x128xf32, #tpu.memory_space<hbm>>) dst(%dma_wait3A_98 : memref<16x128xf32, #tpu.memory_space<vmem_shared>>)
    } else {
    }
    %barrier3A = arith.constant 0 : index
    tpu.barrier barrier_id(%barrier3A)
    %scan3A = arith.constant 0 : i32
    %scan3A_62 = arith.constant 0 : i32
    %scan3A_63 = arith.constant 5 : i32
    %scan3A_64 = arith.addi %scan3A_62, %scan3A_63 : i32
    %scan3A_65 = arith.constant 1 : i32
    scf.for %scan3A_96 = %scan3A_62 to %scan3A_64 step %scan3A_65  : i32 {
      %rem3A = arith.constant 2 : i32
      %rem3A_97 = arith.remsi %scan3A_96, %rem3A : i32
      %scan3A_98 = arith.constant 0 : i32
      %scan3A_99 = arith.constant 25 : i32
      %scan3A_100 = arith.addi %scan3A_98, %scan3A_99 : i32
      %scan3A_101 = arith.constant 1 : i32
      scf.for %scan3A_103 = %scan3A_98 to %scan3A_100 step %scan3A_101  : i32 {
        %mul3A_104 = arith.constant 25 : i32
        %mul3A_105 = arith.muli %scan3A_96, %mul3A_104 : i32
        %add3A_106 = arith.addi %mul3A_105, %scan3A_103 : i32
        %rem3A_107 = arith.constant 2 : i32
        %rem3A_108 = arith.remsi %add3A_106, %rem3A_107 : i32
        %rem3A_109 = arith.constant 3 : i32
        %rem3A_110 = arith.remsi %add3A_106, %rem3A_109 : i32
        %add3A_111 = arith.constant 2 : i32
        %add3A_112 = arith.addi %add3A_106, %add3A_111 : i32
        %rem3A_113 = arith.constant 3 : i32
        %rem3A_114 = arith.remsi %add3A_112, %rem3A_113 : i32
        %gt3A = arith.constant 0 : i32
        %gt3A_115 = arith.cmpi sgt, %add3A_106, %gt3A : i32
        %convert_element_type3A_116 = arith.extui %gt3A_115 : i1 to i32
        %cond3A_117 = arith.constant 0 : i32
        %cond3A_118 = arith.cmpi ne, %convert_element_type3A_116, %cond3A_117 : i32
        scf.if %cond3A_118 {
          %dma_wait3A_190 = arith.constant 1 : i32
          %dma_wait3A_191 = arith.constant 0 : i32
          %dma_wait3A_192 = arith.constant 0 : i32
          %dma_wait3A_193 = tpu.memref_slice %arg7[%rem3A_110, %dma_wait3A_191, %dma_wait3A_192] : memref<3x80x128xf32, #tpu.memory_space<vmem>> -> memref<1x80x128xf32, #tpu.memory_space<vmem>>
          %dma_wait3A_194 = tpu.memref_squeeze %dma_wait3A_193 : memref<1x80x128xf32, #tpu.memory_space<vmem>> -> memref<80x128xf32, #tpu.memory_space<vmem>>
          %dma_wait3A_195 = arith.constant 0 : i32
          %dma_wait3A_196 = arith.constant 0 : i32
          %dma_wait3A_197 = arith.constant 0 : i32
          %dma_wait3A_198 = tpu.memref_slice %arg6[%rem3A_97, %dma_wait3A_195, %dma_wait3A_196, %dma_wait3A_197] : memref<2x25x2x80xi32, #tpu.memory_space<vmem>> -> memref<1x25x2x80xi32, #tpu.memory_space<vmem>>
          %dma_wait3A_199 = tpu.memref_squeeze %dma_wait3A_198 : memref<1x25x2x80xi32, #tpu.memory_space<vmem>> -> memref<25x2x80xi32, #tpu.memory_space<vmem>>
          %dma_wait3A_200 = arith.constant 0 : i32
          %dma_wait3A_201 = arith.constant 0 : i32
          %dma_wait3A_202 = tpu.memref_slice %dma_wait3A_199[%scan3A_103, %dma_wait3A_200, %dma_wait3A_201] : memref<25x2x80xi32, #tpu.memory_space<vmem>> -> memref<1x2x80xi32, #tpu.memory_space<vmem>>
          %dma_wait3A_203 = tpu.memref_squeeze %dma_wait3A_202 : memref<1x2x80xi32, #tpu.memory_space<vmem>> -> memref<2x80xi32, #tpu.memory_space<vmem>>
          %dma_wait3A_204 = arith.constant 0 : i32
          %dma_wait3A_205 = tpu.memref_slice %dma_wait3A_203[%dma_wait3A_190, %dma_wait3A_204] : memref<2x80xi32, #tpu.memory_space<vmem>> -> memref<1x80xi32, #tpu.memory_space<vmem>>
          %dma_wait3A_206 = tpu.memref_squeeze %dma_wait3A_205 : memref<1x80xi32, #tpu.memory_space<vmem>> -> memref<80xi32, #tpu.memory_space<vmem>>
          %dma_wait3A_207 = arith.constant 0 : i32
          %dma_wait3A_208 = arith.constant 0 : i32
          %dma_wait3A_209 = tpu.memref_slice %arg13[%dma_wait3A_207, %dma_wait3A_208] : memref<10000x128xf32, #tpu.memory_space<vmem_shared>> -> memref<10000x128xf32, #tpu.memory_space<vmem_shared>>
          tpu.wait_indirect_dma semaphore(%arg11 : memref<!tpu.dma_semaphore, #tpu.memory_space<semaphore_mem>>) src(%dma_wait3A_194 : memref<80x128xf32, #tpu.memory_space<vmem>>) dst(%dma_wait3A_209 : memref<10000x128xf32, #tpu.memory_space<vmem_shared>>)
        } else {
        }
        %eq3A_119 = arith.constant 0 : i32
        %eq3A_120 = arith.cmpi eq, %scan3A_103, %eq3A_119 : i32
        %lt3A = arith.constant 4 : i32
        %lt3A_121 = arith.cmpi slt, %scan3A_96, %lt3A : i32
        %and3A = arith.andi %eq3A_120, %lt3A_121 : i1
        %convert_element_type3A_122 = arith.extui %and3A : i1 to i32
        %cond3A_123 = arith.constant 0 : i32
        %cond3A_124 = arith.cmpi ne, %convert_element_type3A_122, %cond3A_123 : i32
        scf.if %cond3A_124 {
          %add3A_190 = arith.constant 1 : i32
          %add3A_191 = arith.addi %scan3A_96, %add3A_190 : i32
          %mul3A_192 = arith.constant 25 : i32
          %mul3A_193 = arith.muli %add3A_191, %mul3A_192 : i32
          %sub3A_194 = arith.constant 1 : i32
          %sub3A_195 = arith.subi %sub3A_194, %rem3A_97 : i32
          %dma_start3A_196 = arith.constant 0 : i32
          %dma_start3A_197 = arith.constant 0 : i32
          %dma_start3A_198 = arith.constant 0 : i32
          %dma_start3A_199 = tpu.memref_slice %arg6[%sub3A_195, %dma_start3A_196, %dma_start3A_197, %dma_start3A_198] : memref<2x25x2x80xi32, #tpu.memory_space<vmem>> -> memref<1x25x2x80xi32, #tpu.memory_space<vmem>>
          %dma_start3A_200 = tpu.memref_squeeze %dma_start3A_199 : memref<1x25x2x80xi32, #tpu.memory_space<vmem>> -> memref<25x2x80xi32, #tpu.memory_space<vmem>>
          %dma_start3A_201 = arith.constant 0 : i32
          %dma_start3A_202 = arith.constant 0 : i32
          %dma_start3A_203 = arith.constant 0 : i32
          %dma_start3A_204 = tpu.memref_slice %arg3[%add3A, %dma_start3A_201, %dma_start3A_202, %dma_start3A_203] : memref<32x125x2x80xi32, #tpu.memory_space<hbm>> -> memref<1x125x2x80xi32, #tpu.memory_space<hbm>>
          %dma_start3A_205 = tpu.memref_squeeze %dma_start3A_204 : memref<1x125x2x80xi32, #tpu.memory_space<hbm>> -> memref<125x2x80xi32, #tpu.memory_space<hbm>>
          %dma_start3A_206 = arith.constant 0 : i32
          %dma_start3A_207 = arith.constant 0 : i32
          %dma_start3A_208 = tpu.memref_slice %dma_start3A_205[%mul3A_193, %dma_start3A_206, %dma_start3A_207] : memref<125x2x80xi32, #tpu.memory_space<hbm>> -> memref<25x2x80xi32, #tpu.memory_space<hbm>>
          %dma_start3A_209 = arith.constant 0 : i32
          %dma_start3A_210 = arith.constant 0 : i32
          %dma_start3A_211 = arith.constant 0 : i32
          %dma_start3A_212 = tpu.memref_slice %arg6[%sub3A_195, %dma_start3A_209, %dma_start3A_210, %dma_start3A_211] : memref<2x25x2x80xi32, #tpu.memory_space<vmem>> -> memref<1x25x2x80xi32, #tpu.memory_space<vmem>>
          %dma_start3A_213 = tpu.memref_squeeze %dma_start3A_212 : memref<1x25x2x80xi32, #tpu.memory_space<vmem>> -> memref<25x2x80xi32, #tpu.memory_space<vmem>>
          %dma_start3A_214 = arith.constant 0 : i32
          %dma_start3A_215 = arith.constant 0 : i32
          %dma_start3A_216 = arith.constant 0 : i32
          %dma_start3A_217 = tpu.memref_slice %arg3[%add3A, %dma_start3A_214, %dma_start3A_215, %dma_start3A_216] : memref<32x125x2x80xi32, #tpu.memory_space<hbm>> -> memref<1x125x2x80xi32, #tpu.memory_space<hbm>>
          %dma_start3A_218 = tpu.memref_squeeze %dma_start3A_217 : memref<1x125x2x80xi32, #tpu.memory_space<hbm>> -> memref<125x2x80xi32, #tpu.memory_space<hbm>>
          %dma_start3A_219 = arith.constant 0 : i32
          %dma_start3A_220 = arith.constant 0 : i32
          %dma_start3A_221 = tpu.memref_slice %dma_start3A_218[%mul3A_193, %dma_start3A_219, %dma_start3A_220] : memref<125x2x80xi32, #tpu.memory_space<hbm>> -> memref<25x2x80xi32, #tpu.memory_space<hbm>>
          tpu.enqueue_dma source(%dma_start3A_221 : memref<25x2x80xi32, #tpu.memory_space<hbm>>) target(%dma_start3A_213 : memref<25x2x80xi32, #tpu.memory_space<vmem>>) target_semaphore(%arg8 : memref<!tpu.dma_semaphore, #tpu.memory_space<semaphore_mem>>)
        } else {
        }
        %eq3A_125 = arith.constant 0 : i32
        %eq3A_126 = arith.cmpi eq, %rem3A_108, %eq3A_125 : i32
        %convert_element_type3A_127 = arith.extui %eq3A_126 : i1 to i32
        %cond3A_128 = arith.constant 0 : i32
        %cond3A_129 = arith.cmpi ne, %convert_element_type3A_127, %cond3A_128 : i32
        scf.if %cond3A_129 {
          %dma_wait3A_190 = arith.constant 0 : i32
          %dma_wait3A_191 = arith.constant 0 : i32
          %dma_wait3A_192 = arith.constant 0 : i32
          %dma_wait3A_193 = tpu.memref_slice %arg7[%rem3A_110, %dma_wait3A_191, %dma_wait3A_192] : memref<3x80x128xf32, #tpu.memory_space<vmem>> -> memref<1x80x128xf32, #tpu.memory_space<vmem>>
          %dma_wait3A_194 = tpu.memref_squeeze %dma_wait3A_193 : memref<1x80x128xf32, #tpu.memory_space<vmem>> -> memref<80x128xf32, #tpu.memory_space<vmem>>
          %dma_wait3A_195 = arith.constant 0 : i32
          %dma_wait3A_196 = arith.constant 0 : i32
          %dma_wait3A_197 = arith.constant 0 : i32
          %dma_wait3A_198 = tpu.memref_slice %arg6[%rem3A_97, %dma_wait3A_195, %dma_wait3A_196, %dma_wait3A_197] : memref<2x25x2x80xi32, #tpu.memory_space<vmem>> -> memref<1x25x2x80xi32, #tpu.memory_space<vmem>>
          %dma_wait3A_199 = tpu.memref_squeeze %dma_wait3A_198 : memref<1x25x2x80xi32, #tpu.memory_space<vmem>> -> memref<25x2x80xi32, #tpu.memory_space<vmem>>
          %dma_wait3A_200 = arith.constant 0 : i32
          %dma_wait3A_201 = arith.constant 0 : i32
          %dma_wait3A_202 = tpu.memref_slice %dma_wait3A_199[%scan3A_103, %dma_wait3A_200, %dma_wait3A_201] : memref<25x2x80xi32, #tpu.memory_space<vmem>> -> memref<1x2x80xi32, #tpu.memory_space<vmem>>
          %dma_wait3A_203 = tpu.memref_squeeze %dma_wait3A_202 : memref<1x2x80xi32, #tpu.memory_space<vmem>> -> memref<2x80xi32, #tpu.memory_space<vmem>>
          %dma_wait3A_204 = arith.constant 0 : i32
          %dma_wait3A_205 = tpu.memref_slice %dma_wait3A_203[%dma_wait3A_190, %dma_wait3A_204] : memref<2x80xi32, #tpu.memory_space<vmem>> -> memref<1x80xi32, #tpu.memory_space<vmem>>
          %dma_wait3A_206 = tpu.memref_squeeze %dma_wait3A_205 : memref<1x80xi32, #tpu.memory_space<vmem>> -> memref<80xi32, #tpu.memory_space<vmem>>
          %dma_wait3A_207 = arith.constant 0 : i32
          %dma_wait3A_208 = arith.constant 0 : i32
          %dma_wait3A_209 = tpu.memref_slice %arg2[%dma_wait3A_207, %dma_wait3A_208] : memref<10000x128xf32, #tpu.memory_space<hbm>> -> memref<10000x128xf32, #tpu.memory_space<hbm>>
          tpu.wait_indirect_dma semaphore(%arg9 : memref<!tpu.dma_semaphore, #tpu.memory_space<semaphore_mem>>) src(%dma_wait3A_209 : memref<10000x128xf32, #tpu.memory_space<hbm>>) dst(%dma_wait3A_194 : memref<80x128xf32, #tpu.memory_space<vmem>>)
        } else {
        }
        %eq3A_130 = arith.constant 1 : i32
        %eq3A_131 = arith.cmpi eq, %rem3A_108, %eq3A_130 : i32
        %convert_element_type3A_132 = arith.extui %eq3A_131 : i1 to i32
        %cond3A_133 = arith.constant 0 : i32
        %cond3A_134 = arith.cmpi ne, %convert_element_type3A_132, %cond3A_133 : i32
        scf.if %cond3A_134 {
          %dma_wait3A_190 = arith.constant 0 : i32
          %dma_wait3A_191 = arith.constant 0 : i32
          %dma_wait3A_192 = arith.constant 0 : i32
          %dma_wait3A_193 = tpu.memref_slice %arg7[%rem3A_110, %dma_wait3A_191, %dma_wait3A_192] : memref<3x80x128xf32, #tpu.memory_space<vmem>> -> memref<1x80x128xf32, #tpu.memory_space<vmem>>
          %dma_wait3A_194 = tpu.memref_squeeze %dma_wait3A_193 : memref<1x80x128xf32, #tpu.memory_space<vmem>> -> memref<80x128xf32, #tpu.memory_space<vmem>>
          %dma_wait3A_195 = arith.constant 0 : i32
          %dma_wait3A_196 = arith.constant 0 : i32
          %dma_wait3A_197 = arith.constant 0 : i32
          %dma_wait3A_198 = tpu.memref_slice %arg6[%rem3A_97, %dma_wait3A_195, %dma_wait3A_196, %dma_wait3A_197] : memref<2x25x2x80xi32, #tpu.memory_space<vmem>> -> memref<1x25x2x80xi32, #tpu.memory_space<vmem>>
          %dma_wait3A_199 = tpu.memref_squeeze %dma_wait3A_198 : memref<1x25x2x80xi32, #tpu.memory_space<vmem>> -> memref<25x2x80xi32, #tpu.memory_space<vmem>>
          %dma_wait3A_200 = arith.constant 0 : i32
          %dma_wait3A_201 = arith.constant 0 : i32
          %dma_wait3A_202 = tpu.memref_slice %dma_wait3A_199[%scan3A_103, %dma_wait3A_200, %dma_wait3A_201] : memref<25x2x80xi32, #tpu.memory_space<vmem>> -> memref<1x2x80xi32, #tpu.memory_space<vmem>>
          %dma_wait3A_203 = tpu.memref_squeeze %dma_wait3A_202 : memref<1x2x80xi32, #tpu.memory_space<vmem>> -> memref<2x80xi32, #tpu.memory_space<vmem>>
          %dma_wait3A_204 = arith.constant 0 : i32
          %dma_wait3A_205 = tpu.memref_slice %dma_wait3A_203[%dma_wait3A_190, %dma_wait3A_204] : memref<2x80xi32, #tpu.memory_space<vmem>> -> memref<1x80xi32, #tpu.memory_space<vmem>>
          %dma_wait3A_206 = tpu.memref_squeeze %dma_wait3A_205 : memref<1x80xi32, #tpu.memory_space<vmem>> -> memref<80xi32, #tpu.memory_space<vmem>>
          %dma_wait3A_207 = arith.constant 0 : i32
          %dma_wait3A_208 = arith.constant 0 : i32
          %dma_wait3A_209 = tpu.memref_slice %arg2[%dma_wait3A_207, %dma_wait3A_208] : memref<10000x128xf32, #tpu.memory_space<hbm>> -> memref<10000x128xf32, #tpu.memory_space<hbm>>
          tpu.wait_indirect_dma semaphore(%arg10 : memref<!tpu.dma_semaphore, #tpu.memory_space<semaphore_mem>>) src(%dma_wait3A_209 : memref<10000x128xf32, #tpu.memory_space<hbm>>) dst(%dma_wait3A_194 : memref<80x128xf32, #tpu.memory_space<vmem>>)
        } else {
        }
        %eq3A_135 = arith.constant 23 : i32
        %eq3A_136 = arith.cmpi eq, %scan3A_103, %eq3A_135 : i32
        %lt3A_137 = arith.constant 4 : i32
        %lt3A_138 = arith.cmpi slt, %scan3A_96, %lt3A_137 : i32
        %and3A_139 = arith.andi %eq3A_136, %lt3A_138 : i1
        %convert_element_type3A_140 = arith.extui %and3A_139 : i1 to i32
        %cond3A_141 = arith.constant 0 : i32
        %cond3A_142 = arith.cmpi ne, %convert_element_type3A_140, %cond3A_141 : i32
        scf.if %cond3A_142 {
          %add3A_190 = arith.constant 1 : i32
          %add3A_191 = arith.addi %scan3A_96, %add3A_190 : i32
          %mul3A_192 = arith.constant 25 : i32
          %mul3A_193 = arith.muli %add3A_191, %mul3A_192 : i32
          %sub3A_194 = arith.constant 1 : i32
          %sub3A_195 = arith.subi %sub3A_194, %rem3A_97 : i32
          %dma_wait3A_196 = arith.constant 0 : i32
          %dma_wait3A_197 = arith.constant 0 : i32
          %dma_wait3A_198 = arith.constant 0 : i32
          %dma_wait3A_199 = tpu.memref_slice %arg6[%sub3A_195, %dma_wait3A_196, %dma_wait3A_197, %dma_wait3A_198] : memref<2x25x2x80xi32, #tpu.memory_space<vmem>> -> memref<1x25x2x80xi32, #tpu.memory_space<vmem>>
          %dma_wait3A_200 = tpu.memref_squeeze %dma_wait3A_199 : memref<1x25x2x80xi32, #tpu.memory_space<vmem>> -> memref<25x2x80xi32, #tpu.memory_space<vmem>>
          %dma_wait3A_201 = arith.constant 0 : i32
          %dma_wait3A_202 = arith.constant 0 : i32
          %dma_wait3A_203 = arith.constant 0 : i32
          %dma_wait3A_204 = tpu.memref_slice %arg3[%add3A, %dma_wait3A_201, %dma_wait3A_202, %dma_wait3A_203] : memref<32x125x2x80xi32, #tpu.memory_space<hbm>> -> memref<1x125x2x80xi32, #tpu.memory_space<hbm>>
          %dma_wait3A_205 = tpu.memref_squeeze %dma_wait3A_204 : memref<1x125x2x80xi32, #tpu.memory_space<hbm>> -> memref<125x2x80xi32, #tpu.memory_space<hbm>>
          %dma_wait3A_206 = arith.constant 0 : i32
          %dma_wait3A_207 = arith.constant 0 : i32
          %dma_wait3A_208 = tpu.memref_slice %dma_wait3A_205[%mul3A_193, %dma_wait3A_206, %dma_wait3A_207] : memref<125x2x80xi32, #tpu.memory_space<hbm>> -> memref<25x2x80xi32, #tpu.memory_space<hbm>>
          %dma_wait3A_209 = arith.constant 0 : i32
          %dma_wait3A_210 = arith.constant 0 : i32
          %dma_wait3A_211 = arith.constant 0 : i32
          %dma_wait3A_212 = tpu.memref_slice %arg6[%sub3A_195, %dma_wait3A_209, %dma_wait3A_210, %dma_wait3A_211] : memref<2x25x2x80xi32, #tpu.memory_space<vmem>> -> memref<1x25x2x80xi32, #tpu.memory_space<vmem>>
          %dma_wait3A_213 = tpu.memref_squeeze %dma_wait3A_212 : memref<1x25x2x80xi32, #tpu.memory_space<vmem>> -> memref<25x2x80xi32, #tpu.memory_space<vmem>>
          %dma_wait3A_214 = arith.constant 0 : i32
          %dma_wait3A_215 = arith.constant 0 : i32
          %dma_wait3A_216 = arith.constant 0 : i32
          %dma_wait3A_217 = tpu.memref_slice %arg3[%add3A, %dma_wait3A_214, %dma_wait3A_215, %dma_wait3A_216] : memref<32x125x2x80xi32, #tpu.memory_space<hbm>> -> memref<1x125x2x80xi32, #tpu.memory_space<hbm>>
          %dma_wait3A_218 = tpu.memref_squeeze %dma_wait3A_217 : memref<1x125x2x80xi32, #tpu.memory_space<hbm>> -> memref<125x2x80xi32, #tpu.memory_space<hbm>>
          %dma_wait3A_219 = arith.constant 0 : i32
          %dma_wait3A_220 = arith.constant 0 : i32
          %dma_wait3A_221 = tpu.memref_slice %dma_wait3A_218[%mul3A_193, %dma_wait3A_219, %dma_wait3A_220] : memref<125x2x80xi32, #tpu.memory_space<hbm>> -> memref<25x2x80xi32, #tpu.memory_space<hbm>>
          tpu.wait_dma2 semaphore(%arg8 : memref<!tpu.dma_semaphore, #tpu.memory_space<semaphore_mem>>) src(%dma_wait3A_221 : memref<25x2x80xi32, #tpu.memory_space<hbm>>) dst(%dma_wait3A_213 : memref<25x2x80xi32, #tpu.memory_space<vmem>>)
        } else {
        }
        %ge3A = arith.constant 23 : i32
        %ge3A_143 = arith.cmpi sge, %scan3A_103, %ge3A : i32
        %sub3A = arith.constant 1 : i32
        %sub3A_144 = arith.subi %sub3A, %rem3A_97 : i32
        %select_n3A = arith.select %ge3A_143, %sub3A_144, %rem3A_97 : i32
        %ge3A_145 = arith.constant 23 : i32
        %ge3A_146 = arith.cmpi sge, %scan3A_103, %ge3A_145 : i32
        %add3A_147 = arith.constant 2 : i32
        %add3A_148 = arith.addi %scan3A_103, %add3A_147 : i32
        %sub3A_149 = arith.constant 25 : i32
        %sub3A_150 = arith.subi %add3A_148, %sub3A_149 : i32
        %add3A_151 = arith.constant 2 : i32
        %add3A_152 = arith.addi %scan3A_103, %add3A_151 : i32
        %select_n3A_153 = arith.select %ge3A_146, %sub3A_150, %add3A_152 : i32
        %lt3A_154 = arith.constant 123 : i32
        %lt3A_155 = arith.cmpi slt, %add3A_106, %lt3A_154 : i32
        %eq3A_156 = arith.constant 0 : i32
        %eq3A_157 = arith.cmpi eq, %rem3A_108, %eq3A_156 : i32
        %and3A_158 = arith.andi %lt3A_155, %eq3A_157 : i1
        %convert_element_type3A_159 = arith.extui %and3A_158 : i1 to i32
        %cond3A_160 = arith.constant 0 : i32
        %cond3A_161 = arith.cmpi ne, %convert_element_type3A_159, %cond3A_160 : i32
        scf.if %cond3A_161 {
          %dma_start3A_190 = arith.constant 0 : i32
          %dma_start3A_191 = arith.constant 0 : i32
          %dma_start3A_192 = arith.constant 0 : i32
          %dma_start3A_193 = tpu.memref_slice %arg7[%rem3A_114, %dma_start3A_191, %dma_start3A_192] : memref<3x80x128xf32, #tpu.memory_space<vmem>> -> memref<1x80x128xf32, #tpu.memory_space<vmem>>
          %dma_start3A_194 = tpu.memref_squeeze %dma_start3A_193 : memref<1x80x128xf32, #tpu.memory_space<vmem>> -> memref<80x128xf32, #tpu.memory_space<vmem>>
          %dma_start3A_195 = arith.constant 0 : i32
          %dma_start3A_196 = arith.constant 0 : i32
          %dma_start3A_197 = arith.constant 0 : i32
          %dma_start3A_198 = tpu.memref_slice %arg6[%select_n3A, %dma_start3A_195, %dma_start3A_196, %dma_start3A_197] : memref<2x25x2x80xi32, #tpu.memory_space<vmem>> -> memref<1x25x2x80xi32, #tpu.memory_space<vmem>>
          %dma_start3A_199 = tpu.memref_squeeze %dma_start3A_198 : memref<1x25x2x80xi32, #tpu.memory_space<vmem>> -> memref<25x2x80xi32, #tpu.memory_space<vmem>>
          %dma_start3A_200 = arith.constant 0 : i32
          %dma_start3A_201 = arith.constant 0 : i32
          %dma_start3A_202 = tpu.memref_slice %dma_start3A_199[%select_n3A_153, %dma_start3A_200, %dma_start3A_201] : memref<25x2x80xi32, #tpu.memory_space<vmem>> -> memref<1x2x80xi32, #tpu.memory_space<vmem>>
          %dma_start3A_203 = tpu.memref_squeeze %dma_start3A_202 : memref<1x2x80xi32, #tpu.memory_space<vmem>> -> memref<2x80xi32, #tpu.memory_space<vmem>>
          %dma_start3A_204 = arith.constant 0 : i32
          %dma_start3A_205 = tpu.memref_slice %dma_start3A_203[%dma_start3A_190, %dma_start3A_204] : memref<2x80xi32, #tpu.memory_space<vmem>> -> memref<1x80xi32, #tpu.memory_space<vmem>>
          %dma_start3A_206 = tpu.memref_squeeze %dma_start3A_205 : memref<1x80xi32, #tpu.memory_space<vmem>> -> memref<80xi32, #tpu.memory_space<vmem>>
          %dma_start3A_207 = arith.constant 0 : i32
          %dma_start3A_208 = arith.constant 0 : i32
          %dma_start3A_209 = tpu.memref_slice %arg2[%dma_start3A_207, %dma_start3A_208] : memref<10000x128xf32, #tpu.memory_space<hbm>> -> memref<10000x128xf32, #tpu.memory_space<hbm>>
          tpu.enqueue_indirect_dma source(%dma_start3A_209 : memref<10000x128xf32, #tpu.memory_space<hbm>>) target(%dma_start3A_194 : memref<80x128xf32, #tpu.memory_space<vmem>>) offsets(%dma_start3A_206 : memref<80xi32, #tpu.memory_space<vmem>>) semaphore(%arg9 : memref<!tpu.dma_semaphore, #tpu.memory_space<semaphore_mem>>)
        } else {
        }
        %lt3A_162 = arith.constant 123 : i32
        %lt3A_163 = arith.cmpi slt, %add3A_106, %lt3A_162 : i32
        %eq3A_164 = arith.constant 1 : i32
        %eq3A_165 = arith.cmpi eq, %rem3A_108, %eq3A_164 : i32
        %and3A_166 = arith.andi %lt3A_163, %eq3A_165 : i1
        %convert_element_type3A_167 = arith.extui %and3A_166 : i1 to i32
        %cond3A_168 = arith.constant 0 : i32
        %cond3A_169 = arith.cmpi ne, %convert_element_type3A_167, %cond3A_168 : i32
        scf.if %cond3A_169 {
          %dma_start3A_190 = arith.constant 0 : i32
          %dma_start3A_191 = arith.constant 0 : i32
          %dma_start3A_192 = arith.constant 0 : i32
          %dma_start3A_193 = tpu.memref_slice %arg7[%rem3A_114, %dma_start3A_191, %dma_start3A_192] : memref<3x80x128xf32, #tpu.memory_space<vmem>> -> memref<1x80x128xf32, #tpu.memory_space<vmem>>
          %dma_start3A_194 = tpu.memref_squeeze %dma_start3A_193 : memref<1x80x128xf32, #tpu.memory_space<vmem>> -> memref<80x128xf32, #tpu.memory_space<vmem>>
          %dma_start3A_195 = arith.constant 0 : i32
          %dma_start3A_196 = arith.constant 0 : i32
          %dma_start3A_197 = arith.constant 0 : i32
          %dma_start3A_198 = tpu.memref_slice %arg6[%select_n3A, %dma_start3A_195, %dma_start3A_196, %dma_start3A_197] : memref<2x25x2x80xi32, #tpu.memory_space<vmem>> -> memref<1x25x2x80xi32, #tpu.memory_space<vmem>>
          %dma_start3A_199 = tpu.memref_squeeze %dma_start3A_198 : memref<1x25x2x80xi32, #tpu.memory_space<vmem>> -> memref<25x2x80xi32, #tpu.memory_space<vmem>>
          %dma_start3A_200 = arith.constant 0 : i32
          %dma_start3A_201 = arith.constant 0 : i32
          %dma_start3A_202 = tpu.memref_slice %dma_start3A_199[%select_n3A_153, %dma_start3A_200, %dma_start3A_201] : memref<25x2x80xi32, #tpu.memory_space<vmem>> -> memref<1x2x80xi32, #tpu.memory_space<vmem>>
          %dma_start3A_203 = tpu.memref_squeeze %dma_start3A_202 : memref<1x2x80xi32, #tpu.memory_space<vmem>> -> memref<2x80xi32, #tpu.memory_space<vmem>>
          %dma_start3A_204 = arith.constant 0 : i32
          %dma_start3A_205 = tpu.memref_slice %dma_start3A_203[%dma_start3A_190, %dma_start3A_204] : memref<2x80xi32, #tpu.memory_space<vmem>> -> memref<1x80xi32, #tpu.memory_space<vmem>>
          %dma_start3A_206 = tpu.memref_squeeze %dma_start3A_205 : memref<1x80xi32, #tpu.memory_space<vmem>> -> memref<80xi32, #tpu.memory_space<vmem>>
          %dma_start3A_207 = arith.constant 0 : i32
          %dma_start3A_208 = arith.constant 0 : i32
          %dma_start3A_209 = tpu.memref_slice %arg2[%dma_start3A_207, %dma_start3A_208] : memref<10000x128xf32, #tpu.memory_space<hbm>> -> memref<10000x128xf32, #tpu.memory_space<hbm>>
          tpu.enqueue_indirect_dma source(%dma_start3A_209 : memref<10000x128xf32, #tpu.memory_space<hbm>>) target(%dma_start3A_194 : memref<80x128xf32, #tpu.memory_space<vmem>>) offsets(%dma_start3A_206 : memref<80xi32, #tpu.memory_space<vmem>>) semaphore(%arg10 : memref<!tpu.dma_semaphore, #tpu.memory_space<semaphore_mem>>)
        } else {
        }
        %dma_start3A_170 = arith.constant 1 : i32
        %dma_start3A_171 = arith.constant 0 : i32
        %dma_start3A_172 = arith.constant 0 : i32
        %dma_start3A_173 = tpu.memref_slice %arg7[%rem3A_110, %dma_start3A_171, %dma_start3A_172] : memref<3x80x128xf32, #tpu.memory_space<vmem>> -> memref<1x80x128xf32, #tpu.memory_space<vmem>>
        %dma_start3A_174 = tpu.memref_squeeze %dma_start3A_173 : memref<1x80x128xf32, #tpu.memory_space<vmem>> -> memref<80x128xf32, #tpu.memory_space<vmem>>
        %dma_start3A_175 = arith.constant 0 : i32
        %dma_start3A_176 = arith.constant 0 : i32
        %dma_start3A_177 = arith.constant 0 : i32
        %dma_start3A_178 = tpu.memref_slice %arg6[%rem3A_97, %dma_start3A_175, %dma_start3A_176, %dma_start3A_177] : memref<2x25x2x80xi32, #tpu.memory_space<vmem>> -> memref<1x25x2x80xi32, #tpu.memory_space<vmem>>
        %dma_start3A_179 = tpu.memref_squeeze %dma_start3A_178 : memref<1x25x2x80xi32, #tpu.memory_space<vmem>> -> memref<25x2x80xi32, #tpu.memory_space<vmem>>
        %dma_start3A_180 = arith.constant 0 : i32
        %dma_start3A_181 = arith.constant 0 : i32
        %dma_start3A_182 = tpu.memref_slice %dma_start3A_179[%scan3A_103, %dma_start3A_180, %dma_start3A_181] : memref<25x2x80xi32, #tpu.memory_space<vmem>> -> memref<1x2x80xi32, #tpu.memory_space<vmem>>
        %dma_start3A_183 = tpu.memref_squeeze %dma_start3A_182 : memref<1x2x80xi32, #tpu.memory_space<vmem>> -> memref<2x80xi32, #tpu.memory_space<vmem>>
        %dma_start3A_184 = arith.constant 0 : i32
        %dma_start3A_185 = tpu.memref_slice %dma_start3A_183[%dma_start3A_170, %dma_start3A_184] : memref<2x80xi32, #tpu.memory_space<vmem>> -> memref<1x80xi32, #tpu.memory_space<vmem>>
        %dma_start3A_186 = tpu.memref_squeeze %dma_start3A_185 : memref<1x80xi32, #tpu.memory_space<vmem>> -> memref<80xi32, #tpu.memory_space<vmem>>
        %dma_start3A_187 = arith.constant 0 : i32
        %dma_start3A_188 = arith.constant 0 : i32
        %dma_start3A_189 = tpu.memref_slice %arg13[%dma_start3A_187, %dma_start3A_188] : memref<10000x128xf32, #tpu.memory_space<vmem_shared>> -> memref<10000x128xf32, #tpu.memory_space<vmem_shared>>
        tpu.enqueue_indirect_dma source(%dma_start3A_174 : memref<80x128xf32, #tpu.memory_space<vmem>>) target(%dma_start3A_189 : memref<10000x128xf32, #tpu.memory_space<vmem_shared>>) offsets(%dma_start3A_186 : memref<80xi32, #tpu.memory_space<vmem>>) semaphore(%arg11 : memref<!tpu.dma_semaphore, #tpu.memory_space<semaphore_mem>>) {add = true}
      }
      %scan3A_102 = arith.constant 25 : i32
    }
    %scan3A_66 = arith.constant 5 : i32
    %dma_wait3A_67 = arith.constant 0 : i32
    %dma_wait3A_68 = arith.constant 0 : i32
    %dma_wait3A_69 = arith.constant 0 : i32
    %dma_wait3A_70 = arith.constant 1 : i32
    %dma_wait3A_71 = arith.constant 0 : i32
    %dma_wait3A_72 = arith.constant 0 : i32
    %dma_wait3A_73 = tpu.memref_slice %arg7[%dma_wait3A_67, %dma_wait3A_71, %dma_wait3A_72] : memref<3x80x128xf32, #tpu.memory_space<vmem>> -> memref<1x80x128xf32, #tpu.memory_space<vmem>>
    %dma_wait3A_74 = tpu.memref_squeeze %dma_wait3A_73 : memref<1x80x128xf32, #tpu.memory_space<vmem>> -> memref<80x128xf32, #tpu.memory_space<vmem>>
    %dma_wait3A_75 = arith.constant 0 : i32
    %dma_wait3A_76 = arith.constant 0 : i32
    %dma_wait3A_77 = arith.constant 0 : i32
    %dma_wait3A_78 = tpu.memref_slice %arg6[%dma_wait3A_68, %dma_wait3A_75, %dma_wait3A_76, %dma_wait3A_77] : memref<2x25x2x80xi32, #tpu.memory_space<vmem>> -> memref<1x25x2x80xi32, #tpu.memory_space<vmem>>
    %dma_wait3A_79 = tpu.memref_squeeze %dma_wait3A_78 : memref<1x25x2x80xi32, #tpu.memory_space<vmem>> -> memref<25x2x80xi32, #tpu.memory_space<vmem>>
    %dma_wait3A_80 = arith.constant 0 : i32
    %dma_wait3A_81 = arith.constant 0 : i32
    %dma_wait3A_82 = tpu.memref_slice %dma_wait3A_79[%dma_wait3A_69, %dma_wait3A_80, %dma_wait3A_81] : memref<25x2x80xi32, #tpu.memory_space<vmem>> -> memref<1x2x80xi32, #tpu.memory_space<vmem>>
    %dma_wait3A_83 = tpu.memref_squeeze %dma_wait3A_82 : memref<1x2x80xi32, #tpu.memory_space<vmem>> -> memref<2x80xi32, #tpu.memory_space<vmem>>
    %dma_wait3A_84 = arith.constant 0 : i32
    %dma_wait3A_85 = tpu.memref_slice %dma_wait3A_83[%dma_wait3A_70, %dma_wait3A_84] : memref<2x80xi32, #tpu.memory_space<vmem>> -> memref<1x80xi32, #tpu.memory_space<vmem>>
    %dma_wait3A_86 = tpu.memref_squeeze %dma_wait3A_85 : memref<1x80xi32, #tpu.memory_space<vmem>> -> memref<80xi32, #tpu.memory_space<vmem>>
    %dma_wait3A_87 = arith.constant 0 : i32
    %dma_wait3A_88 = arith.constant 0 : i32
    %dma_wait3A_89 = tpu.memref_slice %arg13[%dma_wait3A_87, %dma_wait3A_88] : memref<10000x128xf32, #tpu.memory_space<vmem_shared>> -> memref<10000x128xf32, #tpu.memory_space<vmem_shared>>
    tpu.wait_indirect_dma semaphore(%arg11 : memref<!tpu.dma_semaphore, #tpu.memory_space<semaphore_mem>>) src(%dma_wait3A_74 : memref<80x128xf32, #tpu.memory_space<vmem>>) dst(%dma_wait3A_89 : memref<10000x128xf32, #tpu.memory_space<vmem_shared>>)
    %barrier3A_90 = arith.constant 0 : index
    tpu.barrier barrier_id(%barrier3A_90)
    "tpu.region"() ({
      %run_scoped3A_96 = tpu.sem_alloc : memref<!tpu.dma_semaphore, #tpu.memory_space<semaphore_mem>>
      %dma_start3A_97 = arith.constant 0 : i32
      %dma_start3A_98 = arith.constant 0 : i32
      %dma_start3A_99 = tpu.memref_slice %arg5[%arg0, %dma_start3A_97, %dma_start3A_98] : memref<2x10000x128xf32, #tpu.memory_space<hbm>> -> memref<1x10000x128xf32, #tpu.memory_space<hbm>>
      %dma_start3A_100 = tpu.memref_squeeze %dma_start3A_99 : memref<1x10000x128xf32, #tpu.memory_space<hbm>> -> memref<10000x128xf32, #tpu.memory_space<hbm>>
      %dma_start3A_101 = arith.constant 0 : i32
      %dma_start3A_102 = tpu.memref_slice %dma_start3A_100[%mul3A_2, %dma_start3A_101] : memref<10000x128xf32, #tpu.memory_space<hbm>> -> memref<624x128xf32, #tpu.memory_space<hbm>>
      %dma_start3A_103 = arith.constant 0 : i32
      %dma_start3A_104 = tpu.memref_slice %arg13[%mul3A_2, %dma_start3A_103] : memref<10000x128xf32, #tpu.memory_space<vmem_shared>> -> memref<624x128xf32, #tpu.memory_space<vmem_shared>>
      tpu.enqueue_dma source(%dma_start3A_104 : memref<624x128xf32, #tpu.memory_space<vmem_shared>>) target(%dma_start3A_102 : memref<624x128xf32, #tpu.memory_space<hbm>>) target_semaphore(%run_scoped3A_96 : memref<!tpu.dma_semaphore, #tpu.memory_space<semaphore_mem>>)
      %dma_wait3A_105 = arith.constant 0 : i32
      %dma_wait3A_106 = arith.constant 0 : i32
      %dma_wait3A_107 = tpu.memref_slice %arg5[%arg0, %dma_wait3A_105, %dma_wait3A_106] : memref<2x10000x128xf32, #tpu.memory_space<hbm>> -> memref<1x10000x128xf32, #tpu.memory_space<hbm>>
      %dma_wait3A_108 = tpu.memref_squeeze %dma_wait3A_107 : memref<1x10000x128xf32, #tpu.memory_space<hbm>> -> memref<10000x128xf32, #tpu.memory_space<hbm>>
      %dma_wait3A_109 = arith.constant 0 : i32
      %dma_wait3A_110 = tpu.memref_slice %dma_wait3A_108[%mul3A_2, %dma_wait3A_109] : memref<10000x128xf32, #tpu.memory_space<hbm>> -> memref<624x128xf32, #tpu.memory_space<hbm>>
      %dma_wait3A_111 = arith.constant 0 : i32
      %dma_wait3A_112 = tpu.memref_slice %arg13[%mul3A_2, %dma_wait3A_111] : memref<10000x128xf32, #tpu.memory_space<vmem_shared>> -> memref<624x128xf32, #tpu.memory_space<vmem_shared>>
      tpu.wait_dma2 semaphore(%run_scoped3A_96 : memref<!tpu.dma_semaphore, #tpu.memory_space<semaphore_mem>>) src(%dma_wait3A_112 : memref<624x128xf32, #tpu.memory_space<vmem_shared>>) dst(%dma_wait3A_110 : memref<624x128xf32, #tpu.memory_space<hbm>>)
      tpu.yield
    }) : () -> ()
    %eq3A_91 = arith.constant 15 : i32
    %eq3A_92 = arith.cmpi eq, %arg1, %eq3A_91 : i32
    %convert_element_type3A_93 = arith.extui %eq3A_92 : i1 to i32
    %cond3A_94 = arith.constant 0 : i32
    %cond3A_95 = arith.cmpi ne, %convert_element_type3A_93, %cond3A_94 : i32
    scf.if %cond3A_95 {
      "tpu.region"() ({
        %run_scoped3A_96 = tpu.sem_alloc : memref<!tpu.dma_semaphore, #tpu.memory_space<semaphore_mem>>
        %dma_start3A_97 = arith.constant 0 : i32
        %dma_start3A_98 = arith.constant 0 : i32
        %dma_start3A_99 = tpu.memref_slice %arg5[%arg0, %dma_start3A_97, %dma_start3A_98] : memref<2x10000x128xf32, #tpu.memory_space<hbm>> -> memref<1x10000x128xf32, #tpu.memory_space<hbm>>
        %dma_start3A_100 = tpu.memref_squeeze %dma_start3A_99 : memref<1x10000x128xf32, #tpu.memory_space<hbm>> -> memref<10000x128xf32, #tpu.memory_space<hbm>>
        %dma_start3A_101 = arith.constant 9984 : i32
        %dma_start3A_102 = arith.constant 0 : i32
        %dma_start3A_103 = tpu.memref_slice %dma_start3A_100[%dma_start3A_101, %dma_start3A_102] : memref<10000x128xf32, #tpu.memory_space<hbm>> -> memref<16x128xf32, #tpu.memory_space<hbm>>
        %dma_start3A_104 = arith.constant 9984 : i32
        %dma_start3A_105 = arith.constant 0 : i32
        %dma_start3A_106 = tpu.memref_slice %arg13[%dma_start3A_104, %dma_start3A_105] : memref<10000x128xf32, #tpu.memory_space<vmem_shared>> -> memref<16x128xf32, #tpu.memory_space<vmem_shared>>
        tpu.enqueue_dma source(%dma_start3A_106 : memref<16x128xf32, #tpu.memory_space<vmem_shared>>) target(%dma_start3A_103 : memref<16x128xf32, #tpu.memory_space<hbm>>) target_semaphore(%run_scoped3A_96 : memref<!tpu.dma_semaphore, #tpu.memory_space<semaphore_mem>>)
        %dma_wait3A_107 = arith.constant 0 : i32
        %dma_wait3A_108 = arith.constant 0 : i32
        %dma_wait3A_109 = tpu.memref_slice %arg5[%arg0, %dma_wait3A_107, %dma_wait3A_108] : memref<2x10000x128xf32, #tpu.memory_space<hbm>> -> memref<1x10000x128xf32, #tpu.memory_space<hbm>>
        %dma_wait3A_110 = tpu.memref_squeeze %dma_wait3A_109 : memref<1x10000x128xf32, #tpu.memory_space<hbm>> -> memref<10000x128xf32, #tpu.memory_space<hbm>>
        %dma_wait3A_111 = arith.constant 9984 : i32
        %dma_wait3A_112 = arith.constant 0 : i32
        %dma_wait3A_113 = tpu.memref_slice %dma_wait3A_110[%dma_wait3A_111, %dma_wait3A_112] : memref<10000x128xf32, #tpu.memory_space<hbm>> -> memref<16x128xf32, #tpu.memory_space<hbm>>
        %dma_wait3A_114 = arith.constant 9984 : i32
        %dma_wait3A_115 = arith.constant 0 : i32
        %dma_wait3A_116 = tpu.memref_slice %arg13[%dma_wait3A_114, %dma_wait3A_115] : memref<10000x128xf32, #tpu.memory_space<vmem_shared>> -> memref<16x128xf32, #tpu.memory_space<vmem_shared>>
        tpu.wait_dma2 semaphore(%run_scoped3A_96 : memref<!tpu.dma_semaphore, #tpu.memory_space<semaphore_mem>>) src(%dma_wait3A_116 : memref<16x128xf32, #tpu.memory_space<vmem_shared>>) dst(%dma_wait3A_113 : memref<16x128xf32, #tpu.memory_space<hbm>>)
        tpu.yield
      }) : () -> ()
    } else {
    }
    return
  }
}

module attributes {stable_mosaic.version = 14 : i64} {
  func.func @_mm_first_body(%arg0: i32, %arg1: memref<1x2x1000xf32, #tpu.memory_space<vmem>>, %arg2: memref<1000x128xf32, #tpu.memory_space<vmem>>, %arg3: memref<128x128xf32, #tpu.memory_space<vmem>>, %arg4: memref<1000x128xf32, #tpu.memory_space<vmem>>) attributes {dimension_semantics = [#tpu.dimension_semantics<arbitrary>], iteration_bounds = array<i64: 10>, scalar_prefetch = 0 : i64, scratch_operands = 0 : i64, tpu.core_type = #tpu.core_type<tc>, window_params = [{transform_indices = @transform_0, window_bounds = array<i64: 1, 2, 1000>}, {transform_indices = @transform_1, window_bounds = array<i64: 1000, 128>}, {pipeline_mode = #tpu.pipeline_mode<synchronous>, transform_indices = @transform_2, window_bounds = array<i64: 128, 128>}, {transform_indices = @transform_3, window_bounds = array<i64: 1000, 128>}]} {
    %get3A = arith.constant 0 : index
    %get3A_0 = arith.constant 0 : index
    %get3A_1 = vector.load %arg2[%get3A, %get3A_0] : memref<1000x128xf32, #tpu.memory_space<vmem>>, vector<1000x128xf32>
    %get3A_2 = arith.constant 0 : index
    %get3A_3 = arith.constant 0 : index
    %get3A_4 = vector.load %arg3[%get3A_2, %get3A_3] : memref<128x128xf32, #tpu.memory_space<vmem>>, vector<128x128xf32>
    %dot_general3A = arith.constant dense<0.000000e+00> : vector<1000x128xf32>
    %dot_general3A_5 = tpu.matmul %get3A_1, %get3A_4, %dot_general3A {dimension_numbers = #tpu.dot_dimension_numbers<[1], [0], [0], [1], [0, 0, 1, 1], [], []>, precision = #tpu.contract_precision<fp32>, transpose_lhs_hint = false} : vector<1000x128xf32>, vector<128x128xf32>, vector<1000x128xf32> -> vector<1000x128xf32>
    %get3A_6 = arith.constant 0 : index
    %get3A_7 = arith.constant 0 : index
    %get3A_8 = arith.constant 0 : index
    %get3A_9 = vector.load %arg1[%get3A_6, %get3A_7, %get3A_8] : memref<1x2x1000xf32, #tpu.memory_space<vmem>>, vector<1x1x1000xf32>
    %get3A_10 = vector.shape_cast %get3A_9 : vector<1x1x1000xf32> to vector<1000xf32>
    %get3A_11 = arith.constant 0 : index
    %get3A_12 = arith.constant 1 : index
    %get3A_13 = arith.constant 0 : index
    %get3A_14 = vector.load %arg1[%get3A_11, %get3A_12, %get3A_13] : memref<1x2x1000xf32, #tpu.memory_space<vmem>>, vector<1x1x1000xf32>
    %get3A_15 = vector.shape_cast %get3A_14 : vector<1x1x1000xf32> to vector<1000xf32>
    %add3A = arith.addf %get3A_10, %get3A_15 : vector<1000xf32>
    %add3A_16 = arith.constant 1.000000e+00 : f32
    %add3A_17 = vector.broadcast %add3A_16 : f32 to vector<1000xf32>
    %add3A_18 = arith.addf %add3A, %add3A_17 : vector<1000xf32>
    %max3A = arith.constant 1.000000e+00 : f32
    %max3A_19 = vector.broadcast %max3A : f32 to vector<1000xf32>
    %max3A_20 = arith.maximumf %add3A_18, %max3A_19 : vector<1000xf32>
    %rsqrt3A = math.rsqrt %max3A_20 : vector<1000xf32>
    %broadcast_in_dim3A = vector.shape_cast %rsqrt3A : vector<1000xf32> to vector<1000x1xf32>
    %mul3A = vector.broadcast %broadcast_in_dim3A : vector<1000x1xf32> to vector<1000x128xf32>
    %mul3A_21 = arith.mulf %dot_general3A_5, %mul3A : vector<1000x128xf32>
    %swap3A = arith.constant 0 : index
    %swap3A_22 = arith.constant 0 : index
    %swap3A_23 = vector.load %arg4[%swap3A, %swap3A_22] : memref<1000x128xf32, #tpu.memory_space<vmem>>, vector<1000x128xf32>
    tpu.vector_store %arg4[%swap3A, %swap3A_22], %mul3A_21 {strides = array<i32>} : memref<1000x128xf32, #tpu.memory_space<vmem>>, vector<1000x128xf32>,
    return
  }
  func.func @transform_0(%arg0: i32) -> (i32, i32, i32) {
    %c0_i32 = arith.constant 0 : i32
    %c0_i32_0 = arith.constant 0 : i32
    %c0_i32_1 = arith.constant 0 : i32
    return %arg0, %c0_i32, %c0_i32_0 : i32, i32, i32
  }
  func.func @transform_1(%arg0: i32) -> (i32, i32) {
    %c0_i32 = arith.constant 0 : i32
    %c0_i32_0 = arith.constant 0 : i32
    return %arg0, %c0_i32 : i32, i32
  }
  func.func @transform_2(%arg0: i32) -> (i32, i32) {
    %c0_i32 = arith.constant 0 : i32
    %c0_i32_0 = arith.constant 0 : i32
    %c0_i32_1 = arith.constant 0 : i32
    return %c0_i32, %c0_i32_0 : i32, i32
  }
  func.func @transform_3(%arg0: i32) -> (i32, i32) {
    %c0_i32 = arith.constant 0 : i32
    %c0_i32_0 = arith.constant 0 : i32
    return %arg0, %c0_i32 : i32, i32
  }
}

module attributes {stable_mosaic.version = 14 : i64} {
  func.func @_mm_mid_body(%arg0: i32, %arg1: memref<1x2x1000xf32, #tpu.memory_space<vmem>>, %arg2: memref<2x1000x128xf32, #tpu.memory_space<vmem>>, %arg3: memref<1000x128xf32, #tpu.memory_space<vmem>>, %arg4: memref<1x128xf32, #tpu.memory_space<vmem>>, %arg5: memref<128x128xf32, #tpu.memory_space<vmem>>, %arg6: memref<1000x128xf32, #tpu.memory_space<vmem>>) attributes {dimension_semantics = [#tpu.dimension_semantics<arbitrary>], iteration_bounds = array<i64: 10>, scalar_prefetch = 0 : i64, scratch_operands = 0 : i64, tpu.core_type = #tpu.core_type<tc>, window_params = [{transform_indices = @transform_0, window_bounds = array<i64: 1, 2, 1000>}, {transform_indices = @transform_1, window_bounds = array<i64: 2, 1000, 128>}, {transform_indices = @transform_2, window_bounds = array<i64: 1000, 128>}, {pipeline_mode = #tpu.pipeline_mode<synchronous>, transform_indices = @transform_3, window_bounds = array<i64: 1, 128>}, {pipeline_mode = #tpu.pipeline_mode<synchronous>, transform_indices = @transform_4, window_bounds = array<i64: 128, 128>}, {transform_indices = @transform_5, window_bounds = array<i64: 1000, 128>}]} {
    %get3A = arith.constant 0 : index
    %get3A_0 = arith.constant 0 : index
    %get3A_1 = arith.constant 0 : index
    %get3A_2 = vector.load %arg1[%get3A, %get3A_0, %get3A_1] : memref<1x2x1000xf32, #tpu.memory_space<vmem>>, vector<1x1x1000xf32>
    %get3A_3 = vector.shape_cast %get3A_2 : vector<1x1x1000xf32> to vector<1000xf32>
    %get3A_4 = arith.constant 0 : index
    %get3A_5 = arith.constant 1 : index
    %get3A_6 = arith.constant 0 : index
    %get3A_7 = vector.load %arg1[%get3A_4, %get3A_5, %get3A_6] : memref<1x2x1000xf32, #tpu.memory_space<vmem>>, vector<1x1x1000xf32>
    %get3A_8 = vector.shape_cast %get3A_7 : vector<1x1x1000xf32> to vector<1000xf32>
    %add3A = arith.addf %get3A_3, %get3A_8 : vector<1000xf32>
    %add3A_9 = arith.constant 1.000000e+00 : f32
    %add3A_10 = vector.broadcast %add3A_9 : f32 to vector<1000xf32>
    %add3A_11 = arith.addf %add3A, %add3A_10 : vector<1000xf32>
    %max3A = arith.constant 1.000000e+00 : f32
    %max3A_12 = vector.broadcast %max3A : f32 to vector<1000xf32>
    %max3A_13 = arith.maximumf %add3A_11, %max3A_12 : vector<1000xf32>
    %rsqrt3A = math.rsqrt %max3A_13 : vector<1000xf32>
    %broadcast_in_dim3A = vector.shape_cast %rsqrt3A : vector<1000xf32> to vector<1000x1xf32>
    %get3A_14 = arith.constant 0 : index
    %get3A_15 = arith.constant 0 : index
    %get3A_16 = arith.constant 0 : index
    %get3A_17 = vector.load %arg2[%get3A_14, %get3A_15, %get3A_16] : memref<2x1000x128xf32, #tpu.memory_space<vmem>>, vector<1x1000x128xf32>
    %get3A_18 = vector.shape_cast %get3A_17 : vector<1x1000x128xf32> to vector<1000x128xf32>
    %get3A_19 = arith.constant 1 : index
    %get3A_20 = arith.constant 0 : index
    %get3A_21 = arith.constant 0 : index
    %get3A_22 = vector.load %arg2[%get3A_19, %get3A_20, %get3A_21] : memref<2x1000x128xf32, #tpu.memory_space<vmem>>, vector<1x1000x128xf32>
    %get3A_23 = vector.shape_cast %get3A_22 : vector<1x1000x128xf32> to vector<1000x128xf32>
    %add3A_24 = arith.addf %get3A_18, %get3A_23 : vector<1000x128xf32>
    %get3A_25 = arith.constant 0 : index
    %get3A_26 = arith.constant 0 : index
    %get3A_27 = vector.load %arg3[%get3A_25, %get3A_26] : memref<1000x128xf32, #tpu.memory_space<vmem>>, vector<1000x128xf32>
    %add3A_28 = arith.addf %add3A_24, %get3A_27 : vector<1000x128xf32>
    %mul3A = vector.broadcast %broadcast_in_dim3A : vector<1000x1xf32> to vector<1000x128xf32>
    %mul3A_29 = arith.mulf %add3A_28, %mul3A : vector<1000x128xf32>
    %get3A_30 = arith.constant 0 : index
    %get3A_31 = arith.constant 0 : index
    %get3A_32 = vector.load %arg4[%get3A_30, %get3A_31] : memref<1x128xf32, #tpu.memory_space<vmem>>, vector<1x128xf32>
    %add3A_33 = vector.broadcast %get3A_32 : vector<1x128xf32> to vector<1000x128xf32>
    %add3A_34 = arith.addf %mul3A_29, %add3A_33 : vector<1000x128xf32>
    %max3A_35 = arith.constant 0.000000e+00 : f32
    %max3A_36 = vector.broadcast %max3A_35 : f32 to vector<1000x128xf32>
    %max3A_37 = arith.maximumf %add3A_34, %max3A_36 : vector<1000x128xf32>
    %get3A_38 = arith.constant 0 : index
    %get3A_39 = arith.constant 0 : index
    %get3A_40 = vector.load %arg5[%get3A_38, %get3A_39] : memref<128x128xf32, #tpu.memory_space<vmem>>, vector<128x128xf32>
    %dot_general3A = arith.constant dense<0.000000e+00> : vector<1000x128xf32>
    %dot_general3A_41 = tpu.matmul %max3A_37, %get3A_40, %dot_general3A {dimension_numbers = #tpu.dot_dimension_numbers<[1], [0], [0], [1], [0, 0, 1, 1], [], []>, precision = #tpu.contract_precision<fp32>, transpose_lhs_hint = false} : vector<1000x128xf32>, vector<128x128xf32>, vector<1000x128xf32> -> vector<1000x128xf32>
    %mul3A_42 = vector.broadcast %broadcast_in_dim3A : vector<1000x1xf32> to vector<1000x128xf32>
    %mul3A_43 = arith.mulf %dot_general3A_41, %mul3A_42 : vector<1000x128xf32>
    %swap3A = arith.constant 0 : index
    %swap3A_44 = arith.constant 0 : index
    %swap3A_45 = vector.load %arg6[%swap3A, %swap3A_44] : memref<1000x128xf32, #tpu.memory_space<vmem>>, vector<1000x128xf32>
    tpu.vector_store %arg6[%swap3A, %swap3A_44], %mul3A_43 {strides = array<i32>} : memref<1000x128xf32, #tpu.memory_space<vmem>>, vector<1000x128xf32>,
    return
  }
  func.func @transform_0(%arg0: i32) -> (i32, i32, i32) {
    %c0_i32 = arith.constant 0 : i32
    %c0_i32_0 = arith.constant 0 : i32
    %c0_i32_1 = arith.constant 0 : i32
    return %arg0, %c0_i32, %c0_i32_0 : i32, i32, i32
  }
  func.func @transform_1(%arg0: i32) -> (i32, i32, i32) {
    %c0_i32 = arith.constant 0 : i32
    %c0_i32_0 = arith.constant 0 : i32
    %c0_i32_1 = arith.constant 0 : i32
    return %c0_i32, %arg0, %c0_i32_0 : i32, i32, i32
  }
  func.func @transform_2(%arg0: i32) -> (i32, i32) {
    %c0_i32 = arith.constant 0 : i32
    %c0_i32_0 = arith.constant 0 : i32
    return %arg0, %c0_i32 : i32, i32
  }
  func.func @transform_3(%arg0: i32) -> (i32, i32) {
    %c0_i32 = arith.constant 0 : i32
    %c0_i32_0 = arith.constant 0 : i32
    %c0_i32_1 = arith.constant 0 : i32
    return %c0_i32, %c0_i32_0 : i32, i32
  }
  func.func @transform_4(%arg0: i32) -> (i32, i32) {
    %c0_i32 = arith.constant 0 : i32
    %c0_i32_0 = arith.constant 0 : i32
    %c0_i32_1 = arith.constant 0 : i32
    return %c0_i32, %c0_i32_0 : i32, i32
  }
  func.func @transform_5(%arg0: i32) -> (i32, i32) {
    %c0_i32 = arith.constant 0 : i32
    %c0_i32_0 = arith.constant 0 : i32
    return %arg0, %c0_i32 : i32, i32
  }
}

module attributes {stable_mosaic.version = 14 : i64} {
  func.func @_final_body(%arg0: i32, %arg1: memref<1x2x1000xf32, #tpu.memory_space<vmem>>, %arg2: memref<2x1000x128xf32, #tpu.memory_space<vmem>>, %arg3: memref<1000x128xf32, #tpu.memory_space<vmem>>, %arg4: memref<1x128xf32, #tpu.memory_space<vmem>>, %arg5: memref<1x1xf32, #tpu.memory_space<vmem>>, %arg6: memref<1000x128xf32, #tpu.memory_space<vmem>>) attributes {dimension_semantics = [#tpu.dimension_semantics<arbitrary>], iteration_bounds = array<i64: 10>, scalar_prefetch = 0 : i64, scratch_operands = 0 : i64, tpu.core_type = #tpu.core_type<tc>, window_params = [{transform_indices = @transform_0, window_bounds = array<i64: 1, 2, 1000>}, {transform_indices = @transform_1, window_bounds = array<i64: 2, 1000, 128>}, {transform_indices = @transform_2, window_bounds = array<i64: 1000, 128>}, {pipeline_mode = #tpu.pipeline_mode<synchronous>, transform_indices = @transform_3, window_bounds = array<i64: 1, 128>}, {pipeline_mode = #tpu.pipeline_mode<synchronous>, transform_indices = @transform_4, window_bounds = array<i64: 1, 1>}, {transform_indices = @transform_5, window_bounds = array<i64: 1000, 128>}]} {
    %get3A = arith.constant 0 : index
    %get3A_0 = arith.constant 0 : index
    %get3A_1 = arith.constant 0 : index
    %get3A_2 = vector.load %arg2[%get3A, %get3A_0, %get3A_1] : memref<2x1000x128xf32, #tpu.memory_space<vmem>>, vector<1x1000x128xf32>
    %get3A_3 = vector.shape_cast %get3A_2 : vector<1x1000x128xf32> to vector<1000x128xf32>
    %get3A_4 = arith.constant 1 : index
    %get3A_5 = arith.constant 0 : index
    %get3A_6 = arith.constant 0 : index
    %get3A_7 = vector.load %arg2[%get3A_4, %get3A_5, %get3A_6] : memref<2x1000x128xf32, #tpu.memory_space<vmem>>, vector<1x1000x128xf32>
    %get3A_8 = vector.shape_cast %get3A_7 : vector<1x1000x128xf32> to vector<1000x128xf32>
    %add3A = arith.addf %get3A_3, %get3A_8 : vector<1000x128xf32>
    %get3A_9 = arith.constant 0 : index
    %get3A_10 = arith.constant 0 : index
    %get3A_11 = vector.load %arg3[%get3A_9, %get3A_10] : memref<1000x128xf32, #tpu.memory_space<vmem>>, vector<1000x128xf32>
    %add3A_12 = arith.addf %add3A, %get3A_11 : vector<1000x128xf32>
    %get3A_13 = arith.constant 0 : index
    %get3A_14 = arith.constant 0 : index
    %get3A_15 = arith.constant 0 : index
    %get3A_16 = vector.load %arg1[%get3A_13, %get3A_14, %get3A_15] : memref<1x2x1000xf32, #tpu.memory_space<vmem>>, vector<1x1x1000xf32>
    %get3A_17 = vector.shape_cast %get3A_16 : vector<1x1x1000xf32> to vector<1000xf32>
    %get3A_18 = arith.constant 0 : index
    %get3A_19 = arith.constant 1 : index
    %get3A_20 = arith.constant 0 : index
    %get3A_21 = vector.load %arg1[%get3A_18, %get3A_19, %get3A_20] : memref<1x2x1000xf32, #tpu.memory_space<vmem>>, vector<1x1x1000xf32>
    %get3A_22 = vector.shape_cast %get3A_21 : vector<1x1x1000xf32> to vector<1000xf32>
    %add3A_23 = arith.addf %get3A_17, %get3A_22 : vector<1000xf32>
    %add3A_24 = arith.constant 1.000000e+00 : f32
    %add3A_25 = vector.broadcast %add3A_24 : f32 to vector<1000xf32>
    %add3A_26 = arith.addf %add3A_23, %add3A_25 : vector<1000xf32>
    %max3A = arith.constant 1.000000e+00 : f32
    %max3A_27 = vector.broadcast %max3A : f32 to vector<1000xf32>
    %max3A_28 = arith.maximumf %add3A_26, %max3A_27 : vector<1000xf32>
    %rsqrt3A = math.rsqrt %max3A_28 : vector<1000xf32>
    %broadcast_in_dim3A = vector.shape_cast %rsqrt3A : vector<1000xf32> to vector<1000x1xf32>
    %mul3A = vector.broadcast %broadcast_in_dim3A : vector<1000x1xf32> to vector<1000x128xf32>
    %mul3A_29 = arith.mulf %add3A_12, %mul3A : vector<1000x128xf32>
    %get3A_30 = arith.constant 0 : index
    %get3A_31 = arith.constant 0 : index
    %get3A_32 = vector.load %arg4[%get3A_30, %get3A_31] : memref<1x128xf32, #tpu.memory_space<vmem>>, vector<1x128xf32>
    %add3A_33 = vector.broadcast %get3A_32 : vector<1x128xf32> to vector<1000x128xf32>
    %add3A_34 = arith.addf %mul3A_29, %add3A_33 : vector<1000x128xf32>
    %get3A_35 = arith.constant 0 : index
    %get3A_36 = arith.constant 0 : index
    %get3A_37 = vector.load %arg5[%get3A_35, %get3A_36] : memref<1x1xf32, #tpu.memory_space<vmem>>, vector<1x1xf32>
    %get3A_38 = vector.extract %get3A_37[0, 0] : f32 from vector<1x1xf32>
    %mul3A_39 = vector.broadcast %get3A_38 : f32 to vector<1000x128xf32>
    %mul3A_40 = arith.mulf %add3A_34, %mul3A_39 : vector<1000x128xf32>
    %swap3A = arith.constant 0 : index
    %swap3A_41 = arith.constant 0 : index
    %swap3A_42 = vector.load %arg6[%swap3A, %swap3A_41] : memref<1000x128xf32, #tpu.memory_space<vmem>>, vector<1000x128xf32>
    tpu.vector_store %arg6[%swap3A, %swap3A_41], %mul3A_40 {strides = array<i32>} : memref<1000x128xf32, #tpu.memory_space<vmem>>, vector<1000x128xf32>,
    return
  }
  func.func @transform_0(%arg0: i32) -> (i32, i32, i32) {
    %c0_i32 = arith.constant 0 : i32
    %c0_i32_0 = arith.constant 0 : i32
    %c0_i32_1 = arith.constant 0 : i32
    return %arg0, %c0_i32, %c0_i32_0 : i32, i32, i32
  }
  func.func @transform_1(%arg0: i32) -> (i32, i32, i32) {
    %c0_i32 = arith.constant 0 : i32
    %c0_i32_0 = arith.constant 0 : i32
    %c0_i32_1 = arith.constant 0 : i32
    return %c0_i32, %arg0, %c0_i32_0 : i32, i32, i32
  }
  func.func @transform_2(%arg0: i32) -> (i32, i32) {
    %c0_i32 = arith.constant 0 : i32
    %c0_i32_0 = arith.constant 0 : i32
    return %arg0, %c0_i32 : i32, i32
  }
  func.func @transform_3(%arg0: i32) -> (i32, i32) {
    %c0_i32 = arith.constant 0 : i32
    %c0_i32_0 = arith.constant 0 : i32
    %c0_i32_1 = arith.constant 0 : i32
    return %c0_i32, %c0_i32_0 : i32, i32
  }
  func.func @transform_4(%arg0: i32) -> (i32, i32) {
    %c0_i32 = arith.constant 0 : i32
    %c0_i32_0 = arith.constant 0 : i32
    %c0_i32_1 = arith.constant 0 : i32
    return %c0_i32, %c0_i32_0 : i32, i32
  }
  func.func @transform_5(%arg0: i32) -> (i32, i32) {
    %c0_i32 = arith.constant 0 : i32
    %c0_i32_0 = arith.constant 0 : i32
    return %arg0, %c0_i32 : i32, i32
  }
}

</mosaic_0001>

<sc_bundles>
// kernel: kernel.10.cloned.1.call-start
scs
__scs_entry_jumppad:
0x0: {  	(pc) =	sbr.rel $0x88, $3  }
0x1: {  	(tag) =	ssettag $0x0;
	lr =	simm.s32 $0x1  }
0x2: {  	[smem:$0x3F98] =	sst lr;
	_ =	strace $0xD0000000  }
0x3: {  	_ = 	snop  }
0x4: {  	_ = 	snop  }
0x5: {  	_ = 	snop  }
0x6: {  	_ = 	snop  }
0x7: {  	_ = 	snop  }
__scs_overlays_trampoline_lowered:
0x8: {  	[smem:$0x3FA7] =	sst s0  }
0x9: {  	[smem:$0x3FA8] =	sst s1  }
0xa: {  	[smem:$0x3FA9] =	sst s2  }
0xb: {  	[smem:$0x3FAA] =	sst s3  }
0xc: {  	[smem:$0x3FAB] =	sst s4  }
0xd: {  	[smem:$0x3FAC] =	sst s5  }
0xe: {  	[smem:$0x3FAD] =	sst s6  }
0xf: {  	[smem:$0x3FAE] =	sst s7  }
0x10: {  	[smem:$0x3FAF] =	sst s8  }
0x11: {  	[smem:$0x3FB0] =	sst s9;
	s0 =	simm.s32 @!p0 $0x0  }
0x12: {  	s1 =	sld [smem:$0x3F96];
	s0 =	simm.s32 @p0 $0x1  }
0x13: {  	[smem:$0x3FB1] =	sst s0;
	s0 =	simm.s32 @!p1 $0x0  }
0x14: {  	s2 =	sld [smem:$0x3F95];
	s0 =	simm.s32 @p1 $0x1  }
0x15: {  	[smem:$0x3FB2] =	sst s0;
	s0 =	simm.s32 @!p2 $0x0  }
0x16: {  	s3 =	sld [smem:$0x3FDB];
	s0 =	simm.s32 @p2 $0x1  }
0x17: {  	s4 =	simm.s32 $0x1BF5;
	[smem:$0x3FB4] =	sst s0  }
0x18: {  	s0 =	sld [smem:$0x3F97];
	_ =	swait.ge [sflag:s4], $0x0  }
0x19: {  	s7 =	sld [smem:$0x3F98]  }
0x1a: {  	s8 =	sadd.s32 $0xFFFFE003, lr  }
0x1b: {  	s9 =	sadd.s32 $0xFFFFFEF7, lr;
	s5 =	simm.s32 $0xFFFFFFFF;
	p2 =	slt.u32 s8, $0xFFFFF086  }
0x1c: {  	p1 =	slt.u32 s9, $0xF7A;
	s5 =	simm.s32 @!p2 $0x0  }
0x1d: {  	s5 =	simm.s32 @p1 $0x1;
	p0 =	seq.s32 s7, s2  }
0x1e: {  	s7 =	smul.u32 @!p0 $0xF7A, s2;
	p2 =	seq.s32 @!p0 s5, $0x0  }
0x1f: {  	s9 =	smul.u32 $0xF7A, s1;
	s8 =	simm.s32 @!p0 $0x1BF5;
	p2 =	por !p2, p0  }
0x20: {  	[sflag:s8] =	ssyncset.s32 @!p0 $0xFFFFF086;
	s6 =	sadd.s32 @!p0 s3, s7;
	s7 =	simm.s32 @!p0 $0x108  }
0x21: {  	s3 =	sadd.s32 s3, s9;
	s6 =	sadd.s32 @!p0 $0x88, s6;
	s7 =	simm.s32 @p2 $0x1082  }
0x22: {  	[simem:s7], [sflag:s8] =	dma.local @!p0 [hbm:s6], $0xF7A  }
0x23: {  	s9 =	sor.u32 $0xD0000000, s2;
	s6 =	simm.s32 $0x108;
	_ =	swait.ge @!p0 [sflag:s8], $0x0  }
0x24: {  	s3 =	sadd.s32 $0x88, s3;
	s6 =	simm.s32 @!p1 $0x1082;
	[sflag:s4] =	ssyncset.s32 $0xFFFFF086  }
0x25: {  	[simem:s6], [sflag:s4] =	dma.local [hbm:s3], $0xF7A  }
0x26: {  	[smem:$0x3F98] =	sst s1;
	(tag) =	ssettag s2;
	_ =	strace s9  }
0x27: {  	s1 =	sld [smem:$0x3FA8]  }
0x28: {  	s2 =	sld [smem:$0x3FA9]  }
0x29: {  	s4 =	sld [smem:$0x3FAB]  }
0x2a: {  	p0 =	seq.s32 s5, $0x0;
	s5 =	sld [smem:$0x3FAC]  }
0x2b: {  	s6 =	sld [smem:$0x3FAD]  }
0x2c: {  	s7 =	sld [smem:$0x3FAE]  }
0x2d: {  	s3 =	simm.s32 $0x108;
	s8 =	sld [smem:$0x3FAF]  }
0x2e: {  	s3 =	simm.s32 @!p0 $0x1082;
	s9 =	sld [smem:$0x3FB0]  }
0x2f: {  	lr =	sadd.s32 s0, s3;
	s0 =	sld [smem:$0x3FA7]  }
0x30: {  	s3 =	sld [smem:$0x3FAA]  }
0x31: {  	[smem:$0x3FB3] =	sst s10  }
0x32: {  	s10 =	sld [smem:$0x3FB1];
	_ =	sdelay $0x3  }
0x33: {  	p0 =	seq.s32 s10, $0x1;
	s10 =	sld [smem:$0x3FB3];
	_ =	sdelay $0x3  }
0x34: {  	[smem:$0x3FB3] =	sst s10  }
0x35: {  	s10 =	sld [smem:$0x3FB2];
	_ =	sdelay $0x3  }
0x36: {  	p1 =	seq.s32 s10, $0x1;
	s10 =	sld [smem:$0x3FB3];
	_ =	sdelay $0x3  }
0x37: {  	[smem:$0x3FB3] =	sst s10  }
0x38: {  	s10 =	sld [smem:$0x3FB4]  }
0x39: {  	_ = 	snop;
	(pc) =	sbr.ind lr, $3  }
0x3a: {  	_ = 	snop  }
0x3b: {  	_ = 	snop  }
0x3c: {  	p2 =	seq.s32 s10, $0x1;
	s10 =	sld [smem:$0x3FB3]  }
0x3d: {  	_ =	shalt  }
0x3e: {  	_ =	shalt  }
0x3f: {  	_ =	shalt  }
0x40: {  	_ =	shalt  }
0x41: {  	_ =	shalt  }
0x42: {  	_ =	shalt  }
0x43: {  	_ =	shalt  }
0x44: {  	_ =	shalt  }
0x45: {  	_ =	shalt  }
0x46: {  	_ =	shalt  }
0x47: {  	_ =	shalt  }
0x48: {  	_ =	shalt  }
0x49: {  	_ =	shalt  }
0x4a: {  	_ =	shalt  }
0x4b: {  	_ =	shalt  }
0x4c: {  	_ =	shalt  }
0x4d: {  	_ =	shalt  }
0x4e: {  	_ =	shalt  }
0x4f: {  	_ =	shalt  }
0x50: {  	_ =	shalt  }
0x51: {  	_ =	shalt  }
0x52: {  	_ =	shalt  }
0x53: {  	_ =	shalt  }
0x54: {  	_ =	shalt  }
0x55: {  	_ =	shalt  }
0x56: {  	_ =	shalt  }
0x57: {  	_ =	shalt  }
0x58: {  	_ =	shalt  }
0x59: {  	_ =	shalt  }
0x5a: {  	_ =	shalt  }
0x5b: {  	_ =	shalt  }
0x5c: {  	_ =	shalt  }
0x5d: {  	_ =	shalt  }
0x5e: {  	_ =	shalt  }
0x5f: {  	_ =	shalt  }
0x60: {  	_ =	shalt  }
0x61: {  	_ =	shalt  }
0x62: {  	_ =	shalt  }
0x63: {  	_ =	shalt  }
0x64: {  	_ =	shalt  }
0x65: {  	_ =	shalt  }
0x66: {  	_ =	shalt  }
0x67: {  	_ =	shalt  }
0x68: {  	_ =	shalt  }
0x69: {  	_ =	shalt  }
0x6a: {  	_ =	shalt  }
0x6b: {  	_ =	shalt  }
0x6c: {  	_ =	shalt  }
0x6d: {  	_ =	shalt  }
0x6e: {  	_ =	shalt  }
0x6f: {  	_ =	shalt  }
0x70: {  	_ =	shalt  }
0x71: {  	_ =	shalt  }
0x72: {  	_ =	shalt  }
0x73: {  	_ =	shalt  }
0x74: {  	_ =	shalt  }
0x75: {  	_ =	shalt  }
0x76: {  	_ =	shalt  }
0x77: {  	_ =	shalt  }
0x78: {  	_ =	shalt  }
0x79: {  	_ =	shalt  }
0x7a: {  	_ =	shalt  }
0x7b: {  	_ =	shalt  }
0x7c: {  	_ =	shalt  }
0x7d: {  	_ =	shalt  }
0x7e: {  	_ =	shalt  }
0x7f: {  	_ =	shalt  }
0x80: {  	_ =	shalt  }
0x81: {  	_ =	shalt  }
0x82: {  	_ =	shalt  }
0x83: {  	_ =	shalt  }
0x84: {  	_ =	shalt  }
0x85: {  	_ =	shalt  }
0x86: {  	_ =	shalt  }
0x87: {  	_ =	shalt  }
.Lfunc_end0:
.L_simem_size_0:
called_computation_lowered:
.L_overlay_start_0:
0x88: {  	s2 =	sld [smem:$0x3FD9]  }
0x89: {  	s3 =	sld [smem:$0x3FFE];
	_ =	sdelay $0x1  }
0x8a: {  	s1 =	srdreg.scid  }
0x8b: {  	s0 =	sand.u32 $0x1, s1  }
0x8c: {  	s17 =	sshll.u32 s0, $0xA;
	s2 =	sadd.s32 s3, s2  }
0x8d: {  	s2 =	sadd.s32 s2, s17  }
0x8e: {  	[smem:$0x3FBF] =	sst s2  }
0x8f: {  	_ = 	snop  }
0x90: {  	s2 =	sld [smem:$0x3FD0];
	(tm) =	ssettm $0x1  }
0x91: {  	s18 =	sld [smem:$0x3FFB];
	_ =	sdelay $0x3  }
0x92: {  	_ =	strace s18  }
0x93: {  	s3 =	sld [smem:$0x3FFC];
	_ =	sdelay $0x3  }
0x94: {  	_ =	strace s3  }
0x95: {  	s3 =	sld [smem:$0x3FFD];
	_ =	sdelay $0x3  }
0x96: {  	_ =	strace s3  }
0x97: {  	_ =	strace $0x8FFFFFFF  }
0x98: {  	s19 =	sld [smem:$0x3FDB];
	_ =	sdelay $0x1  }
0x99: {  	s4 =	simm.s32 $_scs_section_size  }
0x9a: {  	s5 =	simm.s32 $_size__tile_overlayer_lowered;
	s6 =	simm.s32 $_tile_overlayer_lowered  }
0x9b: {  	s22 =	simm.s32 $0x1BFF;
	s21 =	sshll.u32 s6, $0x1;
	s3 =	sadd.s32 s4, s19  }
0x9c: {  	s7 =	simm.s32 $0x0;
	s20 =	sshll.u32 s5, $0x1;
	s5 =	sadd.s32 s21, s3  }
0x9d: {  	[timem:s7], [sflag:s22] =	dma.local [hbm:s5], s20  }
0x9e: {  	_ =	swait.ge [sflag:s22], s20  }
0x9f: {  	s4 =	ssub.s32 $0x0, s20;
	[sflag:s22] =	ssyncset.done $0x0  }
0xa0: {  	[sflag:s22] =	ssyncadd.s32 s4;
	_ =	sdelay $0x1  }
0xa1: {  	s23 =	simm.s32 $0x1B8B  }
0xa2: {  	_ =	swait.ge [sflag:s23], $0x1  }
0xa3: {  	[sflag:s23] =	ssyncset.done $0x0  }
0xa4: {  	s25 =	simm.s32 $0x1B8E;
	s24 =	sld [smem:$0x3FFE];
	[sflag:s23] =	ssyncadd.s32 $0xFFFFFFFF  }
0xa5: {  	s26 =	simm.s32 $execute0_lowered;
	[smem:$0x3FD2] =	sst s25  }
0xa6: {  	s5 =	sshll.u32 s26, $0x1;
	_ =	strace $0x80000046;
	[dreg:$0x1] =	wrdreg $0xFFFFFFFF  }
0xa7: {  	s28 =	simm.s32 $_size_execute0_lowered;
	s3 =	sadd.s32 s3, s5;
	[dreg:$0x0] =	wrdreg $0x0  }
0xa8: {  	s5 =	sshll.u32 s28, $0x1;
	[dreg:$0x2] =	wrdreg s3  }
0xa9: {  	[dreg:$0x3] =	wrdreg s5  }
0xaa: {  	[dreg:$0x4] =	wrdreg $0xC0  }
0xab: {  	_ =	task [dreg:s7], $0x5FFFF  }
0xac: {  	[dreg:$0x1] =	wrdreg $0xFFFFFFFF  }
0xad: {  	[dreg:$0x0] =	wrdreg $0x60  }
0xae: {  	[dreg:$0x2] =	wrdreg s2  }
0xaf: {  	[dreg:$0x3] =	wrdreg s24  }
0xb0: {  	[dreg:$0x4] =	wrdreg $0x40800  }
0xb1: {  	[dreg:$0x5] =	wrdreg $0x9  }
0xb2: {  	_ =	task.clear_ibuf [dreg:s7], $0x6FFFF;
	_ =	strace $0x90000046  }
0xb3: {  	s29 =	simm.s32 $0x9;
	_ =	strace $0x80000048  }
0xb4: {  	_ =	swait.ge [sflag:s29], $0x1  }
0xb5: {  	[sflag:s29] =	ssyncadd.s32 $0xFFFFFFFF  }
0xb6: {  	_ =	strace $0x90000048  }
0xb7: {  	_ =	sfence  }
0xb8: {  	s30 =	sld [smem:$0x0];
	_ =	sdelay $0x2  }
0xb9: {  	s31 =	sshll.u32 s1, $0xD;
	s1 =	sshrl.u32 s1, $0x2  }
0xba: {  	s3 =	sand.u32 $0x4000, s31;
	s1 =	sadd.s32 s1, s30  }
0xbb: {  	s0 =	sor.u32 s3, s0;
	s1 =	sshll.u32 s1, $0x11  }
0xbc: {  	s0 =	sor.u32 s1, s0  }
0xbd: {  	s0 =	sadd.s32 $0x8F2B, s0  }
0xbe: {  	[sflag:s0] =	ssyncadd.remote.s32 $0x1  }
0xbf: {  	_ =	sfence.sel $0xFFFF  }
0xc0: {  	[dreg:$0x0] =	wrdreg $0xFFFFFFFF;
	(pc) =	sbr.abs _section_cstart, $3  }
0xc1: {  	[dreg:$0x1] =	wrdreg $0xFFFFFFFF  }
0xc2: {  	_ =	task.clear_ibuf [dreg:s7], $0x2FFFF;
	_ =	strace $0x9FFFFFFF  }
0xc3: {  	(tm) =	ssettm $0x7FFFFFFF  }
tec
execute0_lowered:
.L_overlay_start_1:
0x0: {  	(tag) =	ssettag $0x1  }
0x1: {  	s4 =	rddreg [dreg:$0x0]  }
0x2: {  	s5 =	rddreg [dreg:$0x1]  }
0x3: {  	s1 =	rddreg [dreg:$0x2]  }
0x4: {  	s0 =	rddreg [dreg:$0x3]  }
0x5: {  	s2 =	simm.s32 $0x0;
	s6 =	srdreg.scid;
	s8 =	stileid.u32  }
0x6: {  	s11 =	simm.s32 $0x80;
	s12 =	simm.s32 $0x1;
	s13 =	simm.s32 $0x2  }
0x7: {  	s14 =	simm.s32 $0x0;
	[smem:$0x7FF] =	sst s2;
	s3 =	sadd.s32 $0x3400, s5  }
0x8: {  	s6 =	sand.u32 $0x1, s6;
	s10 =	sshll.u32 s8, $0xB;
	p0 =	sne.s32 s8, $0x0  }
0x9: {  	_ =	strace $0x80000047;
	s7 =	sshll.u32 s6, $0x4;
	s9 =	ssub.s32 $0x2, s6  }
0xa: {  	s6 =	sshll.u32 s6, $0xF;
	s4 =	sadd.s32 s4, s10;
	s8 =	sshrl.u32 @!p0 s1, $0x3  }
0xb: {  	s10 =	simm.s32 $0x4000;
	s5 =	sadd.s32 s7, s5;
	s31 =	sshrl.u32 s9, $0x1  }
0xc: {  	s4 =	sadd.s32 s6, s4;
	s7 =	ssub.s32 s9, s31;
	s5 =	sadd.s32 $0x3A00, s5  }
0xd: {  	v0 =	vimm.f32 $1.000000000e+00;
	s9 =	simm.s32 $0x50;
	s6 =	smax.u32 s7, $0x1;
	s7 =	simm.s32 $0x3  }
.LBB2_1:
0xe: {  	[tilespmem:s2], [sflag:$0x3] =	stream.linear.gather [hbm4b:s4+s2], $0x3E80, $0x38;
	[tilespmem:$0x42F8] =	vst v63  }
0xf: {  	_ =	swait.ge [sflag:s7], $0x3E80  }
0x10: {  	[sflag:s7] =	ssyncset.done $0x0  }
0x11: {  	[sflag:s7] =	ssyncadd.s32 $0xFFFFC180  }
0x12: {  	[tilespmem:$0x4000] =	vst v0  }
0x13: {  	[tilespmem:$0x4010] =	vst v0  }
0x14: {  	[tilespmem:$0x4020] =	vst v0  }
0x15: {  	[tilespmem:$0x4030] =	vst v0  }
0x16: {  	s15 =	simm.s32 @!p0 $0x1C03;
	[tilespmem:$0x4040] =	vst v0  }
0x17: {  	[spmem:s8], [sflag:s15] =	dma.local @!p0 [hbm:s3], $0x4F0  }
0x18: {  	s15 =	simm.s32 @!p0 $0x3  }
0x19: {  	_ =	swait.ge @!p0 [sflag:s15], $0x4F0  }
0x1a: {  	[sflag:s15] =	ssyncset.done @!p0 $0x0  }
0x1b: {  	s30 =	sand.u32 $0x1, s13;
	[sflag:s15] =	ssyncadd.s32 @!p0 $0xFFFFFB10  }
0x1c: {  	p1 =	seq.s32 s30, $0x1;
	[bflag:$0x0] =	sbarrier.arrive $0xFFFF  }
0x1d: {  	[spmem:s1] =	stream.indirect.scatter.add.f32 [tilespmem:s10], [sflag:$0x1], $0x1, s2, s9, $0xb8;
	[tilespmem:$0x42F8] =	vst v63  }
0x1e: {  	s16 =	simm.s32 @!p1 $0x1  }
0x1f: {  	[spmem:s1] =	stream.indirect.scatter.add.f32 [tilespmem:s10], [sflag:$0x2], $0x1, s11, s9, $0xb8;
	[tilespmem:$0x42F8] =	vst v63  }
0x20: {  	s18 =	simm.s32 $0x100;
	s31 =	simm.s32 $0x3;
	_ =	swait.ge @!p1 [sflag:s16], $0x50  }
0x21: {  	s17 =	simm.s32 $0x4;
	p3 =	seq.s32 s30, $0x0;
	[sflag:s16] =	ssyncset.done @!p1 $0x0  }
0x22: {  	p4 =	sne.s32 s30, $0x0;
	s19 =	simm.s32 @!p3 $0x2;
	[sflag:s16] =	ssyncadd.s32 @!p1 $0xFFFFFFB0  }
0x23: {  	p2 =	por p1, p1;
	s20 =	simm.s32 @!p4 $0x4000;
	_ =	swait.ge @!p3 [sflag:s19], $0x50  }
0x24: {  	s15 =	simm.s32 $0x180;
	s16 =	sand.u32 $0x1, s31;
	[sflag:s19] =	ssyncset.done @!p3 $0x0  }
0x25: {  	p1 =	seq.s32 s16, $0x1;
	[sflag:s19] =	ssyncadd.s32 @!p3 $0xFFFFFFB0;
	s19 =	simm.s32 @!p4 $0x50  }
.LBB2_2:
0x26: {  	[spmem:s1] =	stream.indirect.scatter.add.f32 @!p4 [tilespmem:s20], [sflag:$0x1], $0x1, s18, s19, $0xb8;
	[tilespmem:$0x42F8] =	vst v63  }
0x27: {  	s19 =	simm.s32 @!p1 $0x1;
	s20 =	simm.s32 @p2 $0x50;
	s21 =	simm.s32 @p2 $0x4000  }
0x28: {  	[spmem:s1] =	stream.indirect.scatter.add.f32 @p2 [tilespmem:s21], [sflag:$0x2], $0x1, s18, s20, $0xb8;
	[tilespmem:$0x42F8] =	vst v63  }
0x29: {  	s20 =	smov.u32 s17;
	s17 =	sadd.s32 $0x1, s17;
	_ =	swait.ge @!p1 [sflag:s19], $0x50  }
0x2a: {  	p5 =	seq.s32 s16, $0x0;
	p3 =	sne.s32 s17, $0x7D;
	[sflag:s19] =	ssyncset.done @!p1 $0x0  }
.Ltmp0:
0x2b: {  	[sflag:s19] =	ssyncadd.s32 @!p1 $0xFFFFFFB0;
	s19 =	simm.s32 @!p5 $0x2;
	(pc) =	sbr.rel @p3 .LBB2_2-.Ltmp0, $4  }
0x2c: {  	s18 =	smov.u32 s15;
	p2 =	por p1, p1;
	_ =	swait.ge @!p5 [sflag:s19], $0x50  }
0x2d: {  	p4 =	sne.s32 s16, $0x0;
	[sflag:s19] =	ssyncset.done @!p5 $0x0  }
0x2e: {  	s16 =	sand.u32 $0x1, s20;
	[sflag:s19] =	ssyncadd.s32 @!p5 $0xFFFFFFB0;
	s19 =	simm.s32 @!p4 $0x50  }
0x2f: {  	s15 =	sadd.s32 $0x80, s15;
	s20 =	simm.s32 @!p4 $0x4000;
	p1 =	seq.s32 s16, $0x1  }
0x30: {  	[spmem:s1] =	stream.indirect.scatter.add.f32 @!p4 [tilespmem:s20], [sflag:$0x1], $0x1, s18, s19, $0xb8;
	[tilespmem:$0x42F8] =	vst v63  }
0x31: {  	s17 =	simm.s32 @!p1 $0x1;
	s19 =	simm.s32 @p2 $0x50;
	s20 =	simm.s32 @p2 $0x4000  }
0x32: {  	[spmem:s1] =	stream.indirect.scatter.add.f32 @p2 [tilespmem:s20], [sflag:$0x2], $0x1, s18, s19, $0xb8;
	[tilespmem:$0x42F8] =	vst v63  }
0x33: {  	_ =	swait.ge @!p1 [sflag:s17], $0x50  }
0x34: {  	p2 =	seq.s32 s16, $0x0;
	[sflag:s17] =	ssyncset.done @!p1 $0x0  }
0x35: {  	[sflag:s17] =	ssyncadd.s32 @!p1 $0xFFFFFFB0;
	s17 =	simm.s32 @!p2 $0x2  }
0x36: {  	p3 =	sne.s32 s16, $0x0;
	_ =	swait.ge @!p2 [sflag:s17], $0x50  }
0x37: {  	s16 =	simm.s32 @!p3 $0x50;
	[sflag:s17] =	ssyncset.done @!p2 $0x0  }
0x38: {  	p1 =	por p1, p1;
	[sflag:s17] =	ssyncadd.s32 @!p2 $0xFFFFFFB0;
	s17 =	simm.s32 @!p3 $0x4000  }
0x39: {  	[spmem:s1] =	stream.indirect.scatter.add.f32 @!p3 [tilespmem:s17], [sflag:$0x1], $0x1, s15, s16, $0xb8;
	[tilespmem:$0x42F8] =	vst v63  }
0x3a: {  	s16 =	simm.s32 @p1 $0x50;
	s17 =	simm.s32 @p1 $0x4000  }
0x3b: {  	[spmem:s1] =	stream.indirect.scatter.add.f32 @p1 [tilespmem:s17], [sflag:$0x2], $0x1, s15, s16, $0xb8;
	[tilespmem:$0x42F8] =	vst v63  }
0x3c: {  	_ =	swait.ge [sflag:s12], $0x50  }
0x3d: {  	[sflag:s12] =	ssyncset.done $0x0  }
0x3e: {  	[sflag:s12] =	ssyncadd.s32 $0xFFFFFFB0  }
0x3f: {  	_ =	swait.ge [sflag:s13], $0x50  }
0x40: {  	s14 =	sadd.s32 $0x1, s14;
	s18 =	simm.s32 @!p0 $0x1C03;
	[sflag:s13] =	ssyncset.done $0x0  }
0x41: {  	s15 =	simm.s32 @!p0 $0x1;
	s16 =	simm.s32 @!p0 $0x20;
	[sflag:s13] =	ssyncadd.s32 $0xFFFFFFB0  }
0x42: {  	s17 =	simm.s32 @!p0 $0x10;
	p1 =	sne.s32 s14, s6;
	[bflag:$0x0] =	sbarrier.arrive $0xFFFF  }
0x43: {  	[hbm:s5@s16], [sflag:s18] =	dma.strided @!p0 [spmem:s8@s17], $0x4F0, s15, $0x10   }
.Ltmp1:
0x44: {  	_ = 	snop;
	(pc) =	sbr.rel @p1 .LBB2_1-.Ltmp1, $4  }
0x45: {  	s15 =	simm.s32 @!p0 $0x3  }
0x46: {  	_ =	swait.ge @!p0 [sflag:s15], $0x4F0  }
0x47: {  	[sflag:s15] =	ssyncset.done @!p0 $0x0  }
0x48: {  	[sflag:s15] =	ssyncadd.s32 @!p0 $0xFFFFFB10  }
0x49: {  	_ =	sfence.sel $0x180000  }
0x4a: {  	[bflag:$0x0] =	sbarrier.arrive $0xFFFF  }
0x4b: {  	_ =	strace $0x90000047  }
0x4c: {  	s0 =	sadd.s32 @!p0 $0x100000, s0;
	[bflag:$0x2] =	sbarrier.arrive $0xFFFF  }
0x4d: {  	[sflag:s0] =	ssyncadd.tile.s32 @!p0 $0x1;
	_ =	shalt  }
.Lfunc_end2:
_tile_overlayer_lowered:
.L_overlay_start_2:
0x4e: {  	(tag) =	ssettag $0x2  }
0x4f: {  	s0 =	rddreg [dreg:$0x0];
	s2 =	stileid.u32  }
0x50: {  	s1 =	rddreg [dreg:$0x1];
	p0 =	sne.s32 s2, $0x0  }
0x51: {  	s3 =	rddreg [dreg:$0x2];
	[bflag:$0x3] =	sbarrier.arrive $0xFFFF;
	s2 =	simm.s32 @!p0 $0x1C03  }
0x52: {  	[timem:s3], [sflag:s2] =	dma.local @!p0 [hbm:s0], s1  }
0x53: {  	s0 =	simm.s32 @!p0 $0x3  }
0x54: {  	_ =	swait.ge @!p0 [sflag:s0], s1  }
0x55: {  	s1 =	ssub.s32 @!p0 $0x0, s1;
	[sflag:s0] =	ssyncset.done @!p0 $0x0  }
0x56: {  	[sflag:s0] =	ssyncadd.s32 @!p0 s1  }
0x57: {  	[bflag:$0x3] =	sbarrier.arrive $0xFFFF  }
0x58: {  	_ =	shalt  }

// kernel: kernel.13.cloned.1.call-start
scs
__scs_entry_jumppad:
0x0: {  	(pc) =	sbr.rel $0x88, $3  }
0x1: {  	(tag) =	ssettag $0x0;
	lr =	simm.s32 $0x1  }
0x2: {  	[smem:$0x3F98] =	sst lr;
	_ =	strace $0xD0000000  }
0x3: {  	_ = 	snop  }
0x4: {  	_ = 	snop  }
0x5: {  	_ = 	snop  }
0x6: {  	_ = 	snop  }
0x7: {  	_ = 	snop  }
__scs_overlays_trampoline_lowered:
0x8: {  	[smem:$0x3FA7] =	sst s0  }
0x9: {  	[smem:$0x3FA8] =	sst s1  }
0xa: {  	[smem:$0x3FA9] =	sst s2  }
0xb: {  	[smem:$0x3FAA] =	sst s3  }
0xc: {  	[smem:$0x3FAB] =	sst s4  }
0xd: {  	[smem:$0x3FAC] =	sst s5  }
0xe: {  	[smem:$0x3FAD] =	sst s6  }
0xf: {  	[smem:$0x3FAE] =	sst s7  }
0x10: {  	[smem:$0x3FAF] =	sst s8  }
0x11: {  	[smem:$0x3FB0] =	sst s9;
	s0 =	simm.s32 @!p0 $0x0  }
0x12: {  	s1 =	sld [smem:$0x3F96];
	s0 =	simm.s32 @p0 $0x1  }
0x13: {  	[smem:$0x3FB1] =	sst s0;
	s0 =	simm.s32 @!p1 $0x0  }
0x14: {  	s2 =	sld [smem:$0x3F95];
	s0 =	simm.s32 @p1 $0x1  }
0x15: {  	[smem:$0x3FB2] =	sst s0;
	s0 =	simm.s32 @!p2 $0x0  }
0x16: {  	s3 =	sld [smem:$0x3FDB];
	s0 =	simm.s32 @p2 $0x1  }
0x17: {  	s4 =	simm.s32 $0x1BF5;
	[smem:$0x3FB4] =	sst s0  }
0x18: {  	s0 =	sld [smem:$0x3F97];
	_ =	swait.ge [sflag:s4], $0x0  }
0x19: {  	s7 =	sld [smem:$0x3F98]  }
0x1a: {  	s8 =	sadd.s32 $0xFFFFE003, lr  }
0x1b: {  	s9 =	sadd.s32 $0xFFFFFEF7, lr;
	s5 =	simm.s32 $0xFFFFFFFF;
	p2 =	slt.u32 s8, $0xFFFFF086  }
0x1c: {  	p1 =	slt.u32 s9, $0xF7A;
	s5 =	simm.s32 @!p2 $0x0  }
0x1d: {  	s5 =	simm.s32 @p1 $0x1;
	p0 =	seq.s32 s7, s2  }
0x1e: {  	s7 =	smul.u32 @!p0 $0xF7A, s2;
	p2 =	seq.s32 @!p0 s5, $0x0  }
0x1f: {  	s9 =	smul.u32 $0xF7A, s1;
	s8 =	simm.s32 @!p0 $0x1BF5;
	p2 =	por !p2, p0  }
0x20: {  	[sflag:s8] =	ssyncset.s32 @!p0 $0xFFFFF086;
	s6 =	sadd.s32 @!p0 s3, s7;
	s7 =	simm.s32 @!p0 $0x108  }
0x21: {  	s3 =	sadd.s32 s3, s9;
	s6 =	sadd.s32 @!p0 $0x88, s6;
	s7 =	simm.s32 @p2 $0x1082  }
0x22: {  	[simem:s7], [sflag:s8] =	dma.local @!p0 [hbm:s6], $0xF7A  }
0x23: {  	s9 =	sor.u32 $0xD0000000, s2;
	s6 =	simm.s32 $0x108;
	_ =	swait.ge @!p0 [sflag:s8], $0x0  }
0x24: {  	s3 =	sadd.s32 $0x88, s3;
	s6 =	simm.s32 @!p1 $0x1082;
	[sflag:s4] =	ssyncset.s32 $0xFFFFF086  }
0x25: {  	[simem:s6], [sflag:s4] =	dma.local [hbm:s3], $0xF7A  }
0x26: {  	[smem:$0x3F98] =	sst s1;
	(tag) =	ssettag s2;
	_ =	strace s9  }
0x27: {  	s1 =	sld [smem:$0x3FA8]  }
0x28: {  	s2 =	sld [smem:$0x3FA9]  }
0x29: {  	s4 =	sld [smem:$0x3FAB]  }
0x2a: {  	p0 =	seq.s32 s5, $0x0;
	s5 =	sld [smem:$0x3FAC]  }
0x2b: {  	s6 =	sld [smem:$0x3FAD]  }
0x2c: {  	s7 =	sld [smem:$0x3FAE]  }
0x2d: {  	s3 =	simm.s32 $0x108;
	s8 =	sld [smem:$0x3FAF]  }
0x2e: {  	s3 =	simm.s32 @!p0 $0x1082;
	s9 =	sld [smem:$0x3FB0]  }
0x2f: {  	lr =	sadd.s32 s0, s3;
	s0 =	sld [smem:$0x3FA7]  }
0x30: {  	s3 =	sld [smem:$0x3FAA]  }
0x31: {  	[smem:$0x3FB3] =	sst s10  }
0x32: {  	s10 =	sld [smem:$0x3FB1];
	_ =	sdelay $0x3  }
0x33: {  	p0 =	seq.s32 s10, $0x1;
	s10 =	sld [smem:$0x3FB3];
	_ =	sdelay $0x3  }
0x34: {  	[smem:$0x3FB3] =	sst s10  }
0x35: {  	s10 =	sld [smem:$0x3FB2];
	_ =	sdelay $0x3  }
0x36: {  	p1 =	seq.s32 s10, $0x1;
	s10 =	sld [smem:$0x3FB3];
	_ =	sdelay $0x3  }
0x37: {  	[smem:$0x3FB3] =	sst s10  }
0x38: {  	s10 =	sld [smem:$0x3FB4]  }
0x39: {  	_ = 	snop;
	(pc) =	sbr.ind lr, $3  }
0x3a: {  	_ = 	snop  }
0x3b: {  	_ = 	snop  }
0x3c: {  	p2 =	seq.s32 s10, $0x1;
	s10 =	sld [smem:$0x3FB3]  }
0x3d: {  	_ =	shalt  }
0x3e: {  	_ =	shalt  }
0x3f: {  	_ =	shalt  }
0x40: {  	_ =	shalt  }
0x41: {  	_ =	shalt  }
0x42: {  	_ =	shalt  }
0x43: {  	_ =	shalt  }
0x44: {  	_ =	shalt  }
0x45: {  	_ =	shalt  }
0x46: {  	_ =	shalt  }
0x47: {  	_ =	shalt  }
0x48: {  	_ =	shalt  }
0x49: {  	_ =	shalt  }
0x4a: {  	_ =	shalt  }
0x4b: {  	_ =	shalt  }
0x4c: {  	_ =	shalt  }
0x4d: {  	_ =	shalt  }
0x4e: {  	_ =	shalt  }
0x4f: {  	_ =	shalt  }
0x50: {  	_ =	shalt  }
0x51: {  	_ =	shalt  }
0x52: {  	_ =	shalt  }
0x53: {  	_ =	shalt  }
0x54: {  	_ =	shalt  }
0x55: {  	_ =	shalt  }
0x56: {  	_ =	shalt  }
0x57: {  	_ =	shalt  }
0x58: {  	_ =	shalt  }
0x59: {  	_ =	shalt  }
0x5a: {  	_ =	shalt  }
0x5b: {  	_ =	shalt  }
0x5c: {  	_ =	shalt  }
0x5d: {  	_ =	shalt  }
0x5e: {  	_ =	shalt  }
0x5f: {  	_ =	shalt  }
0x60: {  	_ =	shalt  }
0x61: {  	_ =	shalt  }
0x62: {  	_ =	shalt  }
0x63: {  	_ =	shalt  }
0x64: {  	_ =	shalt  }
0x65: {  	_ =	shalt  }
0x66: {  	_ =	shalt  }
0x67: {  	_ =	shalt  }
0x68: {  	_ =	shalt  }
0x69: {  	_ =	shalt  }
0x6a: {  	_ =	shalt  }
0x6b: {  	_ =	shalt  }
0x6c: {  	_ =	shalt  }
0x6d: {  	_ =	shalt  }
0x6e: {  	_ =	shalt  }
0x6f: {  	_ =	shalt  }
0x70: {  	_ =	shalt  }
0x71: {  	_ =	shalt  }
0x72: {  	_ =	shalt  }
0x73: {  	_ =	shalt  }
0x74: {  	_ =	shalt  }
0x75: {  	_ =	shalt  }
0x76: {  	_ =	shalt  }
0x77: {  	_ =	shalt  }
0x78: {  	_ =	shalt  }
0x79: {  	_ =	shalt  }
0x7a: {  	_ =	shalt  }
0x7b: {  	_ =	shalt  }
0x7c: {  	_ =	shalt  }
0x7d: {  	_ =	shalt  }
0x7e: {  	_ =	shalt  }
0x7f: {  	_ =	shalt  }
0x80: {  	_ =	shalt  }
0x81: {  	_ =	shalt  }
0x82: {  	_ =	shalt  }
0x83: {  	_ =	shalt  }
0x84: {  	_ =	shalt  }
0x85: {  	_ =	shalt  }
0x86: {  	_ =	shalt  }
0x87: {  	_ =	shalt  }
.Lfunc_end0:
.L_simem_size_0:
called_computation.1_lowered:
.L_overlay_start_0:
0x88: {  	s2 =	sld [smem:$0x3FD9]  }
0x89: {  	s3 =	sld [smem:$0x3FFE];
	_ =	sdelay $0x1  }
0x8a: {  	s1 =	srdreg.scid  }
0x8b: {  	s0 =	sand.u32 $0x1, s1  }
0x8c: {  	s17 =	sshll.u32 s0, $0xA;
	s2 =	sadd.s32 s3, s2  }
0x8d: {  	s2 =	sadd.s32 s2, s17  }
0x8e: {  	[smem:$0x3FBF] =	sst s2  }
0x8f: {  	_ = 	snop  }
0x90: {  	s2 =	sld [smem:$0x3FD0];
	(tm) =	ssettm $0x1  }
0x91: {  	s18 =	sld [smem:$0x3FFB];
	_ =	sdelay $0x3  }
0x92: {  	_ =	strace s18  }
0x93: {  	s3 =	sld [smem:$0x3FFC];
	_ =	sdelay $0x3  }
0x94: {  	_ =	strace s3  }
0x95: {  	s3 =	sld [smem:$0x3FFD];
	_ =	sdelay $0x3  }
0x96: {  	_ =	strace s3  }
0x97: {  	_ =	strace $0x8FFFFFFF  }
0x98: {  	s19 =	sld [smem:$0x3FDB];
	_ =	sdelay $0x1  }
0x99: {  	s4 =	simm.s32 $_scs_section_size  }
0x9a: {  	s5 =	simm.s32 $_size__tile_overlayer_lowered;
	s6 =	simm.s32 $_tile_overlayer_lowered  }
0x9b: {  	s22 =	simm.s32 $0x1BFF;
	s21 =	sshll.u32 s6, $0x1;
	s3 =	sadd.s32 s4, s19  }
0x9c: {  	s7 =	simm.s32 $0x0;
	s20 =	sshll.u32 s5, $0x1;
	s5 =	sadd.s32 s21, s3  }
0x9d: {  	[timem:s7], [sflag:s22] =	dma.local [hbm:s5], s20  }
0x9e: {  	_ =	swait.ge [sflag:s22], s20  }
0x9f: {  	s4 =	ssub.s32 $0x0, s20;
	[sflag:s22] =	ssyncset.done $0x0  }
0xa0: {  	[sflag:s22] =	ssyncadd.s32 s4;
	_ =	sdelay $0x1  }
0xa1: {  	s23 =	simm.s32 $0x1B8B  }
0xa2: {  	_ =	swait.ge [sflag:s23], $0x1  }
0xa3: {  	[sflag:s23] =	ssyncset.done $0x0  }
0xa4: {  	s25 =	simm.s32 $0x1B8E;
	s24 =	sld [smem:$0x3FFE];
	[sflag:s23] =	ssyncadd.s32 $0xFFFFFFFF  }
0xa5: {  	s26 =	simm.s32 $execute0_lowered;
	[smem:$0x3FD2] =	sst s25  }
0xa6: {  	s5 =	sshll.u32 s26, $0x1;
	_ =	strace $0x80000049;
	[dreg:$0x1] =	wrdreg $0xFFFFFFFF  }
0xa7: {  	s28 =	simm.s32 $_size_execute0_lowered;
	s3 =	sadd.s32 s3, s5;
	[dreg:$0x0] =	wrdreg $0x0  }
0xa8: {  	s5 =	sshll.u32 s28, $0x1;
	[dreg:$0x2] =	wrdreg s3  }
0xa9: {  	[dreg:$0x3] =	wrdreg s5  }
0xaa: {  	[dreg:$0x4] =	wrdreg $0xC0  }
0xab: {  	_ =	task [dreg:s7], $0x5FFFF  }
0xac: {  	[dreg:$0x1] =	wrdreg $0xFFFFFFFF  }
0xad: {  	[dreg:$0x0] =	wrdreg $0x60  }
0xae: {  	[dreg:$0x2] =	wrdreg s2  }
0xaf: {  	[dreg:$0x3] =	wrdreg s24  }
0xb0: {  	[dreg:$0x4] =	wrdreg $0xAA000  }
0xb1: {  	[dreg:$0x5] =	wrdreg $0x9  }
0xb2: {  	_ =	task.clear_ibuf [dreg:s7], $0x6FFFF;
	_ =	strace $0x90000049  }
0xb3: {  	s29 =	simm.s32 $0x9;
	_ =	strace $0x8000004B  }
0xb4: {  	_ =	swait.ge [sflag:s29], $0x1  }
0xb5: {  	[sflag:s29] =	ssyncadd.s32 $0xFFFFFFFF  }
0xb6: {  	_ =	strace $0x9000004B  }
0xb7: {  	_ =	sfence  }
0xb8: {  	s30 =	sld [smem:$0x0];
	_ =	sdelay $0x2  }
0xb9: {  	s31 =	sshll.u32 s1, $0xD;
	s1 =	sshrl.u32 s1, $0x2  }
0xba: {  	s3 =	sand.u32 $0x4000, s31;
	s1 =	sadd.s32 s1, s30  }
0xbb: {  	s0 =	sor.u32 s3, s0;
	s1 =	sshll.u32 s1, $0x11  }
0xbc: {  	s0 =	sor.u32 s1, s0  }
0xbd: {  	s0 =	sadd.s32 $0x8F2B, s0  }
0xbe: {  	[sflag:s0] =	ssyncadd.remote.s32 $0x1  }
0xbf: {  	_ =	sfence.sel $0xFFFF  }
0xc0: {  	[dreg:$0x0] =	wrdreg $0xFFFFFFFF;
	(pc) =	sbr.abs _section_cstart, $3  }
0xc1: {  	[dreg:$0x1] =	wrdreg $0xFFFFFFFF  }
0xc2: {  	_ =	task.clear_ibuf [dreg:s7], $0x2FFFF;
	_ =	strace $0x9FFFFFFF  }
0xc3: {  	(tm) =	ssettm $0x7FFFFFFF  }
tec
execute0_lowered:
.L_overlay_start_1:
0x0: {  	(tag) =	ssettag $0x1  }
0x1: {  	s0 =	srdreg.scid;
	s1 =	rddreg [dreg:$0x0]  }
0x2: {  	s2 =	rddreg [dreg:$0x1];
	s11 =	stileid.u32  }
0x3: {  	s3 =	rddreg [dreg:$0x2];
	s5 =	simm.s32 $0x0;
	s15 =	simm.s32 $0x6  }
0x4: {  	s16 =	simm.s32 $0x50;
	s31 =	simm.s32 $0xFFFFFFE9;
	s22 =	simm.s32 $0x0  }
0x5: {  	s0 =	sand.u32 $0x1, s0;
	[smem:$0x7FF] =	sst s5;
	s7 =	smul.u32 $0x2700, s11  }
0x6: {  	s6 =	smul.u32 $0x4E000, s11;
	s29 =	sshll.u32 s11, $0x6;
	p1 =	sne.s32 s11, $0xF  }
0x7: {  	s4 =	sshll.u32 s0, $0x4;
	_ =	strace $0x8000004A;
	[dreg:$0x8] =	wrdreg s29  }
0x8: {  	s26 =	smul.u32 $0x27100, s0;
	s0 =	ssub.s32 $0x2, s0;
	[dreg:$0x6] =	wrdreg s31  }
0x9: {  	s4 =	sor.u32 s11, s4;
	[dreg:$0x7] =	wrdreg s7;
	s7 =	sadd.s32 s7, s2  }
0xa: {  	s8 =	sshrl.u32 s0, $0x1;
	s28 =	sshrl.u32 s6, $0x2;
	s6 =	sor.u32 $0x1C05, s29  }
0xb: {  	s4 =	smul.u32 $0xFA0, s4;
	s5 =	sadd.s32 s26, s2;
	s0 =	ssub.s32 s0, s8  }
0xc: {  	s9 =	sadd.s32 s28, s3;
	s7 =	sadd.s32 $0x23800, s7;
	[dreg:$0xa] =	wrdreg s6  }
0xd: {  	[dreg:$0x9] =	wrdreg s7;
	s7 =	sadd.s32 $0x138000, s3;
	s30 =	sadd.s32 $0x4AA00, s5  }
0xe: {  	s0 =	smax.u32 s0, $0x1;
	s4 =	sadd.s32 s4, s2;
	[dreg:$0xc] =	wrdreg s30  }
0xf: {  	s2 =	sadd.s32 $0x4A800, s2;
	[dreg:$0xd] =	wrdreg s0;
	s0 =	simm.s32 @!p1 $0x0  }
0x10: {  	s13 =	sshrl.u32 s9, $0x3;
	[dreg:$0xb] =	wrdreg s2;
	s0 =	simm.s32 @p1 $0x1  }
0x11: {  	s14 =	sshrl.u32 @!p1 s7, $0x3;
	s10 =	sadd.s32 $0x4400, s4;
	[smem:$0x7FD] =	sst s0  }
.LBB2_1:
0x12: {  	s0 =	rddreg [dreg:$0x9]  }
0x13: {  	s2 =	rddreg [dreg:$0xa]  }
0x14: {  	[spmem:s13], [sflag:s2] =	dma.local [hbm:s0], $0x2700  }
0x15: {  	s25 =	simm.s32 $0x0;
	s0 =	rddreg [dreg:$0xb]  }
0x16: {  	[spmem:s14], [sflag:s2] =	dma.local @!p1 [hbm:s0], $0x100  }
0x17: {  	[tilespmem:s25], [sflag:$0x6] =	stream.linear.gather [hbm4b:s10+s25], $0x1900, $0x38;
	[tilespmem:$0x1E280] =	vst v63  }
0x18: {  	_ =	swait.ge [sflag:s15], $0x1900  }
0x19: {  	[sflag:s15] =	ssyncset.done $0x0  }
0x1a: {  	s26 =	simm.s32 $0x3200;
	[sflag:s15] =	ssyncadd.s32 $0xFFFFE700  }
0x1b: {  	[tilespmem:s26], [sflag:$0x2] =	stream.indirect.gather [hbm4b:s1+s16], $0x80, s25, s16, $0xb8;
	[tilespmem:$0x1E280] =	vst v63  }
0x1c: {  	s29 =	simm.s32 $0x100;
	s30 =	simm.s32 $0x5A00;
	s31 =	simm.s32 $0x5  }
0x1d: {  	[tilespmem:s30], [sflag:$0x3] =	stream.indirect.gather [hbm4b:s1+s16], $0x80, s29, s16, $0xb8;
	[tilespmem:$0x1E280] =	vst v63  }
0x1e: {  	_ =	swait.ge [sflag:s31], $0x2700  }
0x1f: {  	[sflag:s31] =	ssyncset.done $0x0  }
0x20: {  	s0 =	simm.s32 @!p1 $0x5;
	[sflag:s31] =	ssyncadd.s32 $0xFFFFD900  }
0x21: {  	_ =	swait.ge @!p1 [sflag:s0], $0x100  }
0x22: {  	p3 =	por $0x0, $0x0;
	s23 =	simm.s32 $0x8200;
	[sflag:s0] =	ssyncset.done @!p1 $0x0  }
0x23: {  	s24 =	simm.s32 $0x2;
	s4 =	simm.s32 $0x3200;
	[sflag:s0] =	ssyncadd.s32 @!p1 $0xFFFFFF00  }
0x24: {  	s28 =	simm.s32 $0x0;
	s26 =	simm.s32 $0x0;
	[bflag:$0x0] =	sbarrier.arrive $0xFFFF  }
.LBB2_2:
0x25: {  	s29 =	sand.u32 $0x1, s28;
	s2 =	smul.u32 $0x1900, s28  }
0x26: {  	s5 =	sadd.s32 $0x0, s26;
	s8 =	smulhi.u32 $0xAAAAAAAB, s24;
	s0 =	sxor.u32 $0x1, s29  }
0x27: {  	p4 =	seq.s32 s28, $0x4;
	s6 =	simm.s32 @!p3 $0x0;
	s0 =	smul.u32 $0x6400, s0  }
0x28: {  	s30 =	simm.s32 $0x1;
	s31 =	sadd.s32 $0x1, s24;
	s2 =	sshrl.u32 s2, $0x3  }
0x29: {  	p0 =	seq.s32 s5, $0x0;
	s2 =	sadd.s32 s10, s2;
	s0 =	sshrl.u32 s0, $0x2  }
0x2a: {  	p1 =	por @!p4 $0x0, $0x0;
	s7 =	sadd.s32 $0x320, s2;
	[dreg:$0x4] =	wrdreg s0  }
0x2b: {  	p1 =	por p1, p4;
	[dreg:$0x5] =	wrdreg s7;
	s0 =	simm.s32 @!p0 $0x4  }
0x2c: {  	s12 =	simm.s32 @!p1 $0x0;
	s7 =	sand.u32 $0x1, s5;
	_ =	swait.ge @!p0 [sflag:s0], $0x2800  }
0x2d: {  	p2 =	sne.s32 s7, $0x0;
	s2 =	rddreg [dreg:$0x4];
	[sflag:s0] =	ssyncset.done @!p0 $0x0  }
0x2e: {  	s9 =	rddreg [dreg:$0x5];
	[sflag:s0] =	ssyncadd.s32 @!p0 $0xFFFFD800;
	s0 =	simm.s32 @!p2 $0x2  }
0x2f: {  	[tilespmem:s2], [sflag:$0x1] =	stream.linear.gather @!p1 [hbm4b:s9+s12], $0x1900, $0x38;
	[tilespmem:$0x1E280] =	vst v63  }
0x30: {  	s6 =	simm.s32 @p3 $0x1;
	p6 =	seq.s32 s7, $0x1;
	_ =	swait.ge @!p2 [sflag:s0], $0x2800  }
0x31: {  	p0 =	seq.s32 s7, $0x0;
	p1 =	por @!p4 $0x1, $0x1;
	[sflag:s0] =	ssyncset.done @!p2 $0x0  }
0x32: {  	s2 =	simm.s32 @!p4 $0x0;
	[sflag:s0] =	ssyncadd.s32 @!p2 $0xFFFFD800;
	s0 =	simm.s32 @!p0 $0x3  }
0x33: {  	s9 =	simm.s32 $0x1;
	s12 =	simm.s32 $0x1;
	_ =	swait.ge @!p0 [sflag:s0], $0x2800  }
0x34: {  	s2 =	simm.s32 @p4 $0x1;
	p1 =	por p1, p4;
	[sflag:s0] =	ssyncset.done @!p0 $0x0  }
0x35: {  	[smem:$0x7FB] =	sst s2;
	s2 =	simm.s32 @!p1 $0x1;
	[sflag:s0] =	ssyncadd.s32 @!p0 $0xFFFFD800  }
0x36: {  	s12 =	simm.s32 @!p3 $0x0;
	p2 =	por $0x0, $0x0;
	_ =	swait.ge @!p1 [sflag:s2], $0x1900  }
0x37: {  	s9 =	simm.s32 @!p2 $0x0;
	p0 =	sgt.u32 s5, $0x7A;
	s0 =	rddreg [dreg:$0x6]  }
0x38: {  	s5 =	sshrl.u32 s8, $0x1;
	s0 =	simm.s32 @!p2 $0x2;
	p2 =	sne.s32 @!p0 s7, $0x0  }
0x39: {  	s9 =	sxor.u32 s9, s29;
	s5 =	smul.u32 $0xFFFE2000, s5;
	p2 =	por p2, p0  }
0x3a: {  	[sflag:s2] =	ssyncset.done @!p1 $0x0;
	s25 =	sadd.s32 $0x0, s0;
	s17 =	smul.u32 @!p2 $0x6400, s9  }
0x3b: {  	s11 =	smul.u32 $0x6400, s12;
	[sflag:s2] =	ssyncadd.s32 @!p1 $0xFFFFE700;
	s2 =	sshll.u32 @!p2 s25, $0xA  }
0x3c: {  	s5 =	sshra.s32 s5, $0x2;
	s2 =	sshra.s32 @!p2 s2, $0x2;
	s17 =	sshrl.u32 @!p2 s17, $0x2  }
0x3d: {  	s12 =	sadd.s32 s5, s23;
	s18 =	simm.s32 @!p2 $0x50;
	s2 =	sadd.s32 @!p2 s2, s17  }
0x3e: {  	[tilespmem:s12], [sflag:$0x2] =	stream.indirect.gather @!p2 [hbm4b:s1+s18], $0x80, s2, s18, $0xb8;
	[tilespmem:$0x1E280] =	vst v63  }
0x3f: {  	p1 =	por !p6, !p6;
	s0 =	sshrl.u32 s11, $0x2;
	s18 =	smulhi.u32 $0xAAAAAAAB, s26  }
0x40: {  	[smem:$0x7FC] =	sst s6;
	p4 =	por p0, p1;
	s19 =	sor.u32 $0x80, s0  }
0x41: {  	s7 =	smul.u32 @!p4 $0x6400, s9;
	s25 =	sshll.u32 @!p4 s25, $0xA;
	s20 =	sshrl.u32 s18, $0x1  }
0x42: {  	s0 =	sadd.s32 $0x2800, s4;
	s5 =	sshra.s32 @!p4 s25, $0x2;
	s21 =	smul.u32 $0xFFFE2000, s20  }
0x43: {  	s25 =	smov.u32 s4;
	s7 =	sshrl.u32 @!p4 s7, $0x2;
	s17 =	sadd.s32 $0x1, s26  }
0x44: {  	s2 =	sadd.s32 $0x2800, s23;
	s18 =	sadd.s32 $0x100, s19;
	s9 =	sshra.s32 s21, $0x2  }
.LBB2_3:
0x45: {  	s6 =	sadd.s32 @!p4 s5, s7  }
0x46: {  	s20 =	simm.s32 @!p4 $0x50;
	s7 =	smov.u32 s30;
	s30 =	sadd.s32 $0x1, s30  }
0x47: {  	[tilespmem:s12], [sflag:$0x3] =	stream.indirect.gather @!p4 [hbm4b:s1+s20], $0x80, s6, s20, $0xb8;
	[tilespmem:$0x1E280] =	vst v63  }
0x48: {  	p0 =	sne.s32 s30, $0x19  }
0x49: {  	s11 =	sadd.s32 s7, s26;
	s8 =	simm.s32 @!p0 $0x0  }
0x4a: {  	s9 =	sadd.s32 s9, s25;
	s8 =	simm.s32 @p0 $0x1;
	p0 =	seq.s32 s11, $0x0  }
0x4b: {  	[spmem:s3] =	stream.indirect.scatter.add.f32 [tilespmem:s9], [sflag:$0x4], $0x80, s19, s16, $0xb8;
	[tilespmem:$0x1E280] =	vst v63  }
0x4c: {  	[smem:$0x7FA] =	sst s8;
	s20 =	simm.s32 @!p0 $0x4  }
0x4d: {  	_ =	swait.ge @!p0 [sflag:s20], $0x2800  }
0x4e: {  	s21 =	smov.u32 s31;
	s19 =	sld [smem:$0x7FB]  }
0x4f: {  	s12 =	smov.u32 s17;
	p4 =	sgt.u32 s11, $0x7A;
	s6 =	sand.u32 $0x1, s11  }
0x50: {  	s21 =	smulhi.u32 $0xAAAAAAAB, s21;
	p6 =	sne.s32 @!p4 s6, $0x0;
	p5 =	seq.s32 s6, $0x1  }
0x51: {  	p5 =	por !p5, !p5;
	p6 =	por p6, p4;
	p1 =	seq.s32 s19, $0x1  }
0x52: {  	[sflag:s20] =	ssyncset.done @!p0 $0x0;
	s9 =	rddreg [dreg:$0x4];
	p2 =	sne.s32 @!p1 s7, $0x0  }
0x53: {  	s11 =	rddreg [dreg:$0x5];
	p3 =	por p2, p1;
	p2 =	sne.s32 s6, $0x0  }
0x54: {  	[sflag:s20] =	ssyncadd.s32 @!p0 $0xFFFFD800;
	s8 =	simm.s32 @!p3 $0x0;
	s20 =	simm.s32 @!p2 $0x2  }
0x55: {  	[tilespmem:s9], [sflag:$0x1] =	stream.linear.gather @!p3 [hbm4b:s11+s8], $0x1900, $0x38;
	[tilespmem:$0x1E280] =	vst v63  }
0x56: {  	p4 =	por p4, p5;
	p0 =	sne.s32 @!p1 s7, $0x17;
	_ =	swait.ge @!p2 [sflag:s20], $0x2800  }
0x57: {  	p0 =	por p0, p1;
	p3 =	seq.s32 s6, $0x0;
	[sflag:s20] =	ssyncset.done @!p2 $0x0  }
0x58: {  	p1 =	sgt.u32 s7, $0x16;
	s6 =	simm.s32 @!p3 $0x3;
	[sflag:s20] =	ssyncadd.s32 @!p2 $0xFFFFD800  }
0x59: {  	s8 =	simm.s32 @!p0 $0x1;
	s11 =	simm.s32 $0x1;
	_ =	swait.ge @!p3 [sflag:s6], $0x2800  }
0x5a: {  	s11 =	simm.s32 @!p1 $0x0;
	s20 =	smulhi.u32 $0xAAAAAAAB, s12;
	[sflag:s6] =	ssyncset.done @!p3 $0x0  }
0x5b: {  	s9 =	sxor.u32 s11, s29;
	s12 =	sshrl.u32 s21, $0x1;
	[sflag:s6] =	ssyncadd.s32 @!p3 $0xFFFFD800  }
0x5c: {  	s21 =	smul.u32 @!p4 $0x6400, s9;
	s6 =	sshrl.u32 s20, $0x1;
	_ =	swait.ge @!p0 [sflag:s8], $0x1900  }
0x5d: {  	s6 =	smul.u32 $0xFFFE2000, s6;
	s11 =	rddreg [dreg:$0x6]  }
0x5e: {  	s20 =	smul.u32 @!p6 $0x6400, s9;
	s11 =	simm.s32 @!p1 $0x2  }
0x5f: {  	s9 =	sshra.s32 s6, $0x2;
	s6 =	smul.u32 $0xFFFE2000, s12;
	s11 =	sadd.s32 s7, s11  }
0x60: {  	s5 =	smov.u32 s2;
	s20 =	sshrl.u32 @!p6 s20, $0x2;
	s12 =	sshll.u32 @!p6 s11, $0xA  }
0x61: {  	s7 =	sshrl.u32 @!p4 s21, $0x2;
	s6 =	sshra.s32 s6, $0x2;
	s21 =	sshra.s32 @!p6 s12, $0x2  }
0x62: {  	s12 =	sadd.s32 s6, s5;
	s6 =	sadd.s32 @!p6 s21, s20;
	s21 =	sld [smem:$0x7FA]  }
0x63: {  	_ = 	snop  }
0x64: {  	[sflag:s8] =	ssyncset.done @!p0 $0x0  }
0x65: {  	[sflag:s8] =	ssyncadd.s32 @!p0 $0xFFFFE700;
	p0 =	seq.s32 s21, $0x1  }
.Ltmp0:
0x66: {  	s25 =	smov.u32 s0;
	(pc) =	sbr.rel @p0 .LBB2_3-.Ltmp0, $4  }
0x67: {  	s31 =	sadd.s32 $0x1, s31;
	s2 =	sadd.s32 $0x2800, s2;
	s0 =	sadd.s32 $0x2800, s0  }
0x68: {  	s17 =	sadd.s32 $0x1, s17;
	s19 =	smov.u32 s18;
	s11 =	sshll.u32 @!p4 s11, $0xA  }
0x69: {  	s18 =	sadd.s32 $0x100, s18;
	s8 =	simm.s32 @!p6 $0x50;
	s5 =	sshra.s32 @!p4 s11, $0x2  }
0x6a: {  	[tilespmem:s12], [sflag:$0x2] =	stream.indirect.gather @!p6 [hbm4b:s1+s8], $0x80, s6, s8, $0xb8;
	[tilespmem:$0x1E280] =	vst v63  }
0x6b: {  	s0 =	sadd.s32 @!p4 s5, s7;
	s2 =	simm.s32 @!p4 $0x50;
	s28 =	sadd.s32 $0x1, s28  }
0x6c: {  	[tilespmem:s12], [sflag:$0x3] =	stream.indirect.gather @!p4 [hbm4b:s1+s2], $0x80, s0, s2, $0xb8;
	[tilespmem:$0x1E280] =	vst v63  }
0x6d: {  	p0 =	sne.s32 s28, $0x5  }
.Ltmp1:
0x6e: {  	s31 =	sld [smem:$0x7FC];
	(pc) =	sbr.rel @p0 .LBB2_2-.Ltmp1, $4  }
0x6f: {  	s30 =	sadd.s32 s9, s25  }
0x70: {  	[spmem:s3] =	stream.indirect.scatter.add.f32 [tilespmem:s30], [sflag:$0x4], $0x80, s19, s16, $0xb8;
	[tilespmem:$0x1E280] =	vst v63  }
0x71: {  	s26 =	sadd.s32 $0x19, s26;
	s4 =	sadd.s32 $0x3E800, s4;
	p3 =	seq.s32 s31, $0x1  }
0x72: {  	s23 =	sadd.s32 $0x3E800, s23;
	s24 =	sadd.s32 $0x19, s24;
	p3 =	por !p3, !p3  }
0x73: {  	s0 =	simm.s32 $0x4  }
0x74: {  	_ =	swait.ge [sflag:s0], $0x2800  }
0x75: {  	[sflag:s0] =	ssyncset.done $0x0  }
0x76: {  	[sflag:s0] =	ssyncadd.s32 $0xFFFFD800  }
0x77: {  	[bflag:$0x0] =	sbarrier.arrive $0xFFFF  }
0x78: {  	s29 =	rddreg [dreg:$0x7]  }
0x79: {  	s4 =	rddreg [dreg:$0xc]  }
0x7a: {  	s2 =	rddreg [dreg:$0x8]  }
0x7b: {  	s0 =	sadd.s32 s29, s4;
	s2 =	sor.u32 $0x1C06, s2  }
0x7c: {  	[hbm:s0], [sflag:s2] =	dma.local [spmem:s13], $0x2700  }
0x7d: {  	_ =	swait.ge [sflag:s15], $0x2700  }
0x7e: {  	s30 =	sld [smem:$0x7FD];
	_ =	sdelay $0x2  }
0x7f: {  	[sflag:s15] =	ssyncset.done $0x0;
	p1 =	seq.s32 s30, $0x1  }
0x80: {  	[sflag:s15] =	ssyncadd.s32 $0xFFFFD900;
	s0 =	sadd.s32 @!p1 $0x27000, s4  }
0x81: {  	[hbm:s0], [sflag:s2] =	dma.local @!p1 [spmem:s14], $0x100  }
0x82: {  	s0 =	simm.s32 @!p1 $0x6  }
0x83: {  	_ =	swait.ge @!p1 [sflag:s0], $0x100  }
0x84: {  	s22 =	sadd.s32 $0x1, s22;
	s31 =	rddreg [dreg:$0xd]  }
0x85: {  	p0 =	sne.s32 s22, s31  }
.Ltmp2:
0x86: {  	_ = 	snop;
	(pc) =	sbr.rel @p0 .LBB2_1-.Ltmp2, $3  }
0x87: {  	_ =	sdelay $0x1  }
0x88: {  	[sflag:s0] =	ssyncset.done @!p1 $0x0  }
0x89: {  	[sflag:s0] =	ssyncadd.s32 @!p1 $0xFFFFFF00  }
0x8a: {  	_ =	sfence.sel $0x180000  }
0x8b: {  	[bflag:$0x0] =	sbarrier.arrive $0xFFFF  }
0x8c: {  	_ =	strace $0x9000004A  }
0x8d: {  	s0 =	stileid.u32;
	[bflag:$0x2] =	sbarrier.arrive $0xFFFF  }
0x8e: {  	p0 =	sne.s32 s0, $0x0;
	s0 =	rddreg [dreg:$0x3]  }
0x8f: {  	s0 =	sadd.s32 @!p0 $0x100000, s0  }
0x90: {  	[sflag:s0] =	ssyncadd.tile.s32 @!p0 $0x1;
	_ =	shalt  }
.Lfunc_end2:
_tile_overlayer_lowered:
.L_overlay_start_2:
0x91: {  	(tag) =	ssettag $0x2  }
0x92: {  	s0 =	rddreg [dreg:$0x0];
	s2 =	stileid.u32  }
0x93: {  	s1 =	rddreg [dreg:$0x1];
	p0 =	sne.s32 s2, $0x0  }
0x94: {  	s3 =	rddreg [dreg:$0x2];
	[bflag:$0x3] =	sbarrier.arrive $0xFFFF;
	s2 =	simm.s32 @!p0 $0x1C06  }
0x95: {  	[timem:s3], [sflag:s2] =	dma.local @!p0 [hbm:s0], s1  }
0x96: {  	s0 =	simm.s32 @!p0 $0x6  }
0x97: {  	_ =	swait.ge @!p0 [sflag:s0], s1  }
0x98: {  	s1 =	ssub.s32 @!p0 $0x0, s1;
	[sflag:s0] =	ssyncset.done @!p0 $0x0  }
0x99: {  	[sflag:s0] =	ssyncadd.s32 @!p0 s1  }
0x9a: {  	[bflag:$0x3] =	sbarrier.arrive $0xFFFF  }
0x9b: {  	_ =	shalt  }

// kernel: kernel.16.cloned.1.call-start
scs
__scs_entry_jumppad:
0x0: {  	(pc) =	sbr.rel $0x88, $3  }
0x1: {  	(tag) =	ssettag $0x0;
	lr =	simm.s32 $0x1  }
0x2: {  	[smem:$0x3F98] =	sst lr;
	_ =	strace $0xD0000000  }
0x3: {  	_ = 	snop  }
0x4: {  	_ = 	snop  }
0x5: {  	_ = 	snop  }
0x6: {  	_ = 	snop  }
0x7: {  	_ = 	snop  }
__scs_overlays_trampoline_lowered:
0x8: {  	[smem:$0x3FA7] =	sst s0  }
0x9: {  	[smem:$0x3FA8] =	sst s1  }
0xa: {  	[smem:$0x3FA9] =	sst s2  }
0xb: {  	[smem:$0x3FAA] =	sst s3  }
0xc: {  	[smem:$0x3FAB] =	sst s4  }
0xd: {  	[smem:$0x3FAC] =	sst s5  }
0xe: {  	[smem:$0x3FAD] =	sst s6  }
0xf: {  	[smem:$0x3FAE] =	sst s7  }
0x10: {  	[smem:$0x3FAF] =	sst s8  }
0x11: {  	[smem:$0x3FB0] =	sst s9;
	s0 =	simm.s32 @!p0 $0x0  }
0x12: {  	s1 =	sld [smem:$0x3F96];
	s0 =	simm.s32 @p0 $0x1  }
0x13: {  	[smem:$0x3FB1] =	sst s0;
	s0 =	simm.s32 @!p1 $0x0  }
0x14: {  	s2 =	sld [smem:$0x3F95];
	s0 =	simm.s32 @p1 $0x1  }
0x15: {  	[smem:$0x3FB2] =	sst s0;
	s0 =	simm.s32 @!p2 $0x0  }
0x16: {  	s3 =	sld [smem:$0x3FDB];
	s0 =	simm.s32 @p2 $0x1  }
0x17: {  	s4 =	simm.s32 $0x1BF5;
	[smem:$0x3FB4] =	sst s0  }
0x18: {  	s0 =	sld [smem:$0x3F97];
	_ =	swait.ge [sflag:s4], $0x0  }
0x19: {  	s7 =	sld [smem:$0x3F98]  }
0x1a: {  	s8 =	sadd.s32 $0xFFFFE003, lr  }
0x1b: {  	s9 =	sadd.s32 $0xFFFFFEF7, lr;
	s5 =	simm.s32 $0xFFFFFFFF;
	p2 =	slt.u32 s8, $0xFFFFF086  }
0x1c: {  	p1 =	slt.u32 s9, $0xF7A;
	s5 =	simm.s32 @!p2 $0x0  }
0x1d: {  	s5 =	simm.s32 @p1 $0x1;
	p0 =	seq.s32 s7, s2  }
0x1e: {  	s7 =	smul.u32 @!p0 $0xF7A, s2;
	p2 =	seq.s32 @!p0 s5, $0x0  }
0x1f: {  	s9 =	smul.u32 $0xF7A, s1;
	s8 =	simm.s32 @!p0 $0x1BF5;
	p2 =	por !p2, p0  }
0x20: {  	[sflag:s8] =	ssyncset.s32 @!p0 $0xFFFFF086;
	s6 =	sadd.s32 @!p0 s3, s7;
	s7 =	simm.s32 @!p0 $0x108  }
0x21: {  	s3 =	sadd.s32 s3, s9;
	s6 =	sadd.s32 @!p0 $0x88, s6;
	s7 =	simm.s32 @p2 $0x1082  }
0x22: {  	[simem:s7], [sflag:s8] =	dma.local @!p0 [hbm:s6], $0xF7A  }
0x23: {  	s9 =	sor.u32 $0xD0000000, s2;
	s6 =	simm.s32 $0x108;
	_ =	swait.ge @!p0 [sflag:s8], $0x0  }
0x24: {  	s3 =	sadd.s32 $0x88, s3;
	s6 =	simm.s32 @!p1 $0x1082;
	[sflag:s4] =	ssyncset.s32 $0xFFFFF086  }
0x25: {  	[simem:s6], [sflag:s4] =	dma.local [hbm:s3], $0xF7A  }
0x26: {  	[smem:$0x3F98] =	sst s1;
	(tag) =	ssettag s2;
	_ =	strace s9  }
0x27: {  	s1 =	sld [smem:$0x3FA8]  }
0x28: {  	s2 =	sld [smem:$0x3FA9]  }
0x29: {  	s4 =	sld [smem:$0x3FAB]  }
0x2a: {  	p0 =	seq.s32 s5, $0x0;
	s5 =	sld [smem:$0x3FAC]  }
0x2b: {  	s6 =	sld [smem:$0x3FAD]  }
0x2c: {  	s7 =	sld [smem:$0x3FAE]  }
0x2d: {  	s3 =	simm.s32 $0x108;
	s8 =	sld [smem:$0x3FAF]  }
0x2e: {  	s3 =	simm.s32 @!p0 $0x1082;
	s9 =	sld [smem:$0x3FB0]  }
0x2f: {  	lr =	sadd.s32 s0, s3;
	s0 =	sld [smem:$0x3FA7]  }
0x30: {  	s3 =	sld [smem:$0x3FAA]  }
0x31: {  	[smem:$0x3FB3] =	sst s10  }
0x32: {  	s10 =	sld [smem:$0x3FB1];
	_ =	sdelay $0x3  }
0x33: {  	p0 =	seq.s32 s10, $0x1;
	s10 =	sld [smem:$0x3FB3];
	_ =	sdelay $0x3  }
0x34: {  	[smem:$0x3FB3] =	sst s10  }
0x35: {  	s10 =	sld [smem:$0x3FB2];
	_ =	sdelay $0x3  }
0x36: {  	p1 =	seq.s32 s10, $0x1;
	s10 =	sld [smem:$0x3FB3];
	_ =	sdelay $0x3  }
0x37: {  	[smem:$0x3FB3] =	sst s10  }
0x38: {  	s10 =	sld [smem:$0x3FB4]  }
0x39: {  	_ = 	snop;
	(pc) =	sbr.ind lr, $3  }
0x3a: {  	_ = 	snop  }
0x3b: {  	_ = 	snop  }
0x3c: {  	p2 =	seq.s32 s10, $0x1;
	s10 =	sld [smem:$0x3FB3]  }
0x3d: {  	_ =	shalt  }
0x3e: {  	_ =	shalt  }
0x3f: {  	_ =	shalt  }
0x40: {  	_ =	shalt  }
0x41: {  	_ =	shalt  }
0x42: {  	_ =	shalt  }
0x43: {  	_ =	shalt  }
0x44: {  	_ =	shalt  }
0x45: {  	_ =	shalt  }
0x46: {  	_ =	shalt  }
0x47: {  	_ =	shalt  }
0x48: {  	_ =	shalt  }
0x49: {  	_ =	shalt  }
0x4a: {  	_ =	shalt  }
0x4b: {  	_ =	shalt  }
0x4c: {  	_ =	shalt  }
0x4d: {  	_ =	shalt  }
0x4e: {  	_ =	shalt  }
0x4f: {  	_ =	shalt  }
0x50: {  	_ =	shalt  }
0x51: {  	_ =	shalt  }
0x52: {  	_ =	shalt  }
0x53: {  	_ =	shalt  }
0x54: {  	_ =	shalt  }
0x55: {  	_ =	shalt  }
0x56: {  	_ =	shalt  }
0x57: {  	_ =	shalt  }
0x58: {  	_ =	shalt  }
0x59: {  	_ =	shalt  }
0x5a: {  	_ =	shalt  }
0x5b: {  	_ =	shalt  }
0x5c: {  	_ =	shalt  }
0x5d: {  	_ =	shalt  }
0x5e: {  	_ =	shalt  }
0x5f: {  	_ =	shalt  }
0x60: {  	_ =	shalt  }
0x61: {  	_ =	shalt  }
0x62: {  	_ =	shalt  }
0x63: {  	_ =	shalt  }
0x64: {  	_ =	shalt  }
0x65: {  	_ =	shalt  }
0x66: {  	_ =	shalt  }
0x67: {  	_ =	shalt  }
0x68: {  	_ =	shalt  }
0x69: {  	_ =	shalt  }
0x6a: {  	_ =	shalt  }
0x6b: {  	_ =	shalt  }
0x6c: {  	_ =	shalt  }
0x6d: {  	_ =	shalt  }
0x6e: {  	_ =	shalt  }
0x6f: {  	_ =	shalt  }
0x70: {  	_ =	shalt  }
0x71: {  	_ =	shalt  }
0x72: {  	_ =	shalt  }
0x73: {  	_ =	shalt  }
0x74: {  	_ =	shalt  }
0x75: {  	_ =	shalt  }
0x76: {  	_ =	shalt  }
0x77: {  	_ =	shalt  }
0x78: {  	_ =	shalt  }
0x79: {  	_ =	shalt  }
0x7a: {  	_ =	shalt  }
0x7b: {  	_ =	shalt  }
0x7c: {  	_ =	shalt  }
0x7d: {  	_ =	shalt  }
0x7e: {  	_ =	shalt  }
0x7f: {  	_ =	shalt  }
0x80: {  	_ =	shalt  }
0x81: {  	_ =	shalt  }
0x82: {  	_ =	shalt  }
0x83: {  	_ =	shalt  }
0x84: {  	_ =	shalt  }
0x85: {  	_ =	shalt  }
0x86: {  	_ =	shalt  }
0x87: {  	_ =	shalt  }
.Lfunc_end0:
.L_simem_size_0:
called_computation.2_lowered:
.L_overlay_start_0:
0x88: {  	s2 =	sld [smem:$0x3FD9]  }
0x89: {  	s3 =	sld [smem:$0x3FFE];
	_ =	sdelay $0x1  }
0x8a: {  	s1 =	srdreg.scid  }
0x8b: {  	s0 =	sand.u32 $0x1, s1  }
0x8c: {  	s17 =	sshll.u32 s0, $0xA;
	s2 =	sadd.s32 s3, s2  }
0x8d: {  	s2 =	sadd.s32 s2, s17  }
0x8e: {  	[smem:$0x3FBF] =	sst s2  }
0x8f: {  	_ = 	snop  }
0x90: {  	s2 =	sld [smem:$0x3FD0];
	(tm) =	ssettm $0x1  }
0x91: {  	s18 =	sld [smem:$0x3FFB];
	_ =	sdelay $0x3  }
0x92: {  	_ =	strace s18  }
0x93: {  	s3 =	sld [smem:$0x3FFC];
	_ =	sdelay $0x3  }
0x94: {  	_ =	strace s3  }
0x95: {  	s3 =	sld [smem:$0x3FFD];
	_ =	sdelay $0x3  }
0x96: {  	_ =	strace s3  }
0x97: {  	_ =	strace $0x8FFFFFFF  }
0x98: {  	s19 =	sld [smem:$0x3FDB];
	_ =	sdelay $0x1  }
0x99: {  	s4 =	simm.s32 $_scs_section_size  }
0x9a: {  	s5 =	simm.s32 $_size__tile_overlayer_lowered;
	s6 =	simm.s32 $_tile_overlayer_lowered  }
0x9b: {  	s22 =	simm.s32 $0x1BFF;
	s21 =	sshll.u32 s6, $0x1;
	s3 =	sadd.s32 s4, s19  }
0x9c: {  	s7 =	simm.s32 $0x0;
	s20 =	sshll.u32 s5, $0x1;
	s5 =	sadd.s32 s21, s3  }
0x9d: {  	[timem:s7], [sflag:s22] =	dma.local [hbm:s5], s20  }
0x9e: {  	_ =	swait.ge [sflag:s22], s20  }
0x9f: {  	s4 =	ssub.s32 $0x0, s20;
	[sflag:s22] =	ssyncset.done $0x0  }
0xa0: {  	[sflag:s22] =	ssyncadd.s32 s4;
	_ =	sdelay $0x1  }
0xa1: {  	s23 =	simm.s32 $0x1B8B  }
0xa2: {  	_ =	swait.ge [sflag:s23], $0x1  }
0xa3: {  	[sflag:s23] =	ssyncset.done $0x0  }
0xa4: {  	s25 =	simm.s32 $0x1B8E;
	s24 =	sld [smem:$0x3FFE];
	[sflag:s23] =	ssyncadd.s32 $0xFFFFFFFF  }
0xa5: {  	s26 =	simm.s32 $execute0_lowered;
	[smem:$0x3FD2] =	sst s25  }
0xa6: {  	s5 =	sshll.u32 s26, $0x1;
	_ =	strace $0x8000004C;
	[dreg:$0x1] =	wrdreg $0xFFFFFFFF  }
0xa7: {  	s28 =	simm.s32 $_size_execute0_lowered;
	s3 =	sadd.s32 s3, s5;
	[dreg:$0x0] =	wrdreg $0x0  }
0xa8: {  	s5 =	sshll.u32 s28, $0x1;
	[dreg:$0x2] =	wrdreg s3  }
0xa9: {  	[dreg:$0x3] =	wrdreg s5  }
0xaa: {  	[dreg:$0x4] =	wrdreg $0xC0  }
0xab: {  	_ =	task [dreg:s7], $0x5FFFF  }
0xac: {  	[dreg:$0x1] =	wrdreg $0xFFFFFFFF  }
0xad: {  	[dreg:$0x0] =	wrdreg $0x60  }
0xae: {  	[dreg:$0x2] =	wrdreg s2  }
0xaf: {  	[dreg:$0x3] =	wrdreg s24  }
0xb0: {  	[dreg:$0x4] =	wrdreg $0xAA000  }
0xb1: {  	[dreg:$0x5] =	wrdreg $0x9  }
0xb2: {  	_ =	task.clear_ibuf [dreg:s7], $0x6FFFF;
	_ =	strace $0x9000004C  }
0xb3: {  	s29 =	simm.s32 $0x9;
	_ =	strace $0x8000004E  }
0xb4: {  	_ =	swait.ge [sflag:s29], $0x1  }
0xb5: {  	[sflag:s29] =	ssyncadd.s32 $0xFFFFFFFF  }
0xb6: {  	_ =	strace $0x9000004E  }
0xb7: {  	_ =	sfence  }
0xb8: {  	s30 =	sld [smem:$0x0];
	_ =	sdelay $0x2  }
0xb9: {  	s31 =	sshll.u32 s1, $0xD;
	s1 =	sshrl.u32 s1, $0x2  }
0xba: {  	s3 =	sand.u32 $0x4000, s31;
	s1 =	sadd.s32 s1, s30  }
0xbb: {  	s0 =	sor.u32 s3, s0;
	s1 =	sshll.u32 s1, $0x11  }
0xbc: {  	s0 =	sor.u32 s1, s0  }
0xbd: {  	s0 =	sadd.s32 $0x8F2B, s0  }
0xbe: {  	[sflag:s0] =	ssyncadd.remote.s32 $0x1  }
0xbf: {  	_ =	sfence.sel $0xFFFF  }
0xc0: {  	[dreg:$0x0] =	wrdreg $0xFFFFFFFF;
	(pc) =	sbr.abs _section_cstart, $3  }
0xc1: {  	[dreg:$0x1] =	wrdreg $0xFFFFFFFF  }
0xc2: {  	_ =	task.clear_ibuf [dreg:s7], $0x2FFFF;
	_ =	strace $0x9FFFFFFF  }
0xc3: {  	(tm) =	ssettm $0x7FFFFFFF  }
tec
execute0_lowered:
.L_overlay_start_1:
0x0: {  	(tag) =	ssettag $0x1  }
0x1: {  	s0 =	srdreg.scid;
	s1 =	rddreg [dreg:$0x0]  }
0x2: {  	s2 =	rddreg [dreg:$0x1];
	s11 =	stileid.u32  }
0x3: {  	s3 =	rddreg [dreg:$0x2];
	s5 =	simm.s32 $0x0;
	s15 =	simm.s32 $0x6  }
0x4: {  	s16 =	simm.s32 $0x50;
	s31 =	simm.s32 $0xFFFFFFE9;
	s22 =	simm.s32 $0x0  }
0x5: {  	s0 =	sand.u32 $0x1, s0;
	[smem:$0x7FF] =	sst s5;
	s7 =	smul.u32 $0x2700, s11  }
0x6: {  	s6 =	smul.u32 $0x4E000, s11;
	s29 =	sshll.u32 s11, $0x6;
	p1 =	sne.s32 s11, $0xF  }
0x7: {  	s4 =	sshll.u32 s0, $0x4;
	_ =	strace $0x8000004D;
	[dreg:$0x8] =	wrdreg s29  }
0x8: {  	s26 =	smul.u32 $0x27100, s0;
	s0 =	ssub.s32 $0x2, s0;
	[dreg:$0x6] =	wrdreg s31  }
0x9: {  	s4 =	sor.u32 s11, s4;
	[dreg:$0x7] =	wrdreg s7;
	s7 =	sadd.s32 s7, s2  }
0xa: {  	s8 =	sshrl.u32 s0, $0x1;
	s28 =	sshrl.u32 s6, $0x2;
	s6 =	sor.u32 $0x1C05, s29  }
0xb: {  	s4 =	smul.u32 $0xFA0, s4;
	s5 =	sadd.s32 s26, s2;
	s0 =	ssub.s32 s0, s8  }
0xc: {  	s9 =	sadd.s32 s28, s3;
	s7 =	sadd.s32 $0x23800, s7;
	[dreg:$0xa] =	wrdreg s6  }
0xd: {  	[dreg:$0x9] =	wrdreg s7;
	s7 =	sadd.s32 $0x138000, s3;
	s30 =	sadd.s32 $0x4AA00, s5  }
0xe: {  	s0 =	smax.u32 s0, $0x1;
	s4 =	sadd.s32 s4, s2;
	[dreg:$0xc] =	wrdreg s30  }
0xf: {  	s2 =	sadd.s32 $0x4A800, s2;
	[dreg:$0xd] =	wrdreg s0;
	s0 =	simm.s32 @!p1 $0x0  }
0x10: {  	s13 =	sshrl.u32 s9, $0x3;
	[dreg:$0xb] =	wrdreg s2;
	s0 =	simm.s32 @p1 $0x1  }
0x11: {  	s14 =	sshrl.u32 @!p1 s7, $0x3;
	s10 =	sadd.s32 $0x4400, s4;
	[smem:$0x7FD] =	sst s0  }
.LBB2_1:
0x12: {  	s0 =	rddreg [dreg:$0x9]  }
0x13: {  	s2 =	rddreg [dreg:$0xa]  }
0x14: {  	[spmem:s13], [sflag:s2] =	dma.local [hbm:s0], $0x2700  }
0x15: {  	s25 =	simm.s32 $0x0;
	s0 =	rddreg [dreg:$0xb]  }
0x16: {  	[spmem:s14], [sflag:s2] =	dma.local @!p1 [hbm:s0], $0x100  }
0x17: {  	[tilespmem:s25], [sflag:$0x6] =	stream.linear.gather [hbm4b:s10+s25], $0x1900, $0x38;
	[tilespmem:$0x1E280] =	vst v63  }
0x18: {  	_ =	swait.ge [sflag:s15], $0x1900  }
0x19: {  	[sflag:s15] =	ssyncset.done $0x0  }
0x1a: {  	s26 =	simm.s32 $0x3200;
	[sflag:s15] =	ssyncadd.s32 $0xFFFFE700  }
0x1b: {  	[tilespmem:s26], [sflag:$0x2] =	stream.indirect.gather [hbm4b:s1+s16], $0x80, s25, s16, $0xb8;
	[tilespmem:$0x1E280] =	vst v63  }
0x1c: {  	s29 =	simm.s32 $0x100;
	s30 =	simm.s32 $0x5A00;
	s31 =	simm.s32 $0x5  }
0x1d: {  	[tilespmem:s30], [sflag:$0x3] =	stream.indirect.gather [hbm4b:s1+s16], $0x80, s29, s16, $0xb8;
	[tilespmem:$0x1E280] =	vst v63  }
0x1e: {  	_ =	swait.ge [sflag:s31], $0x2700  }
0x1f: {  	[sflag:s31] =	ssyncset.done $0x0  }
0x20: {  	s0 =	simm.s32 @!p1 $0x5;
	[sflag:s31] =	ssyncadd.s32 $0xFFFFD900  }
0x21: {  	_ =	swait.ge @!p1 [sflag:s0], $0x100  }
0x22: {  	p3 =	por $0x0, $0x0;
	s23 =	simm.s32 $0x8200;
	[sflag:s0] =	ssyncset.done @!p1 $0x0  }
0x23: {  	s24 =	simm.s32 $0x2;
	s4 =	simm.s32 $0x3200;
	[sflag:s0] =	ssyncadd.s32 @!p1 $0xFFFFFF00  }
0x24: {  	s28 =	simm.s32 $0x0;
	s26 =	simm.s32 $0x0;
	[bflag:$0x0] =	sbarrier.arrive $0xFFFF  }
.LBB2_2:
0x25: {  	s29 =	sand.u32 $0x1, s28;
	s2 =	smul.u32 $0x1900, s28  }
0x26: {  	s5 =	sadd.s32 $0x0, s26;
	s8 =	smulhi.u32 $0xAAAAAAAB, s24;
	s0 =	sxor.u32 $0x1, s29  }
0x27: {  	p4 =	seq.s32 s28, $0x4;
	s6 =	simm.s32 @!p3 $0x0;
	s0 =	smul.u32 $0x6400, s0  }
0x28: {  	s30 =	simm.s32 $0x1;
	s31 =	sadd.s32 $0x1, s24;
	s2 =	sshrl.u32 s2, $0x3  }
0x29: {  	p0 =	seq.s32 s5, $0x0;
	s2 =	sadd.s32 s10, s2;
	s0 =	sshrl.u32 s0, $0x2  }
0x2a: {  	p1 =	por @!p4 $0x0, $0x0;
	s7 =	sadd.s32 $0x320, s2;
	[dreg:$0x4] =	wrdreg s0  }
0x2b: {  	p1 =	por p1, p4;
	[dreg:$0x5] =	wrdreg s7;
	s0 =	simm.s32 @!p0 $0x4  }
0x2c: {  	s12 =	simm.s32 @!p1 $0x0;
	s7 =	sand.u32 $0x1, s5;
	_ =	swait.ge @!p0 [sflag:s0], $0x2800  }
0x2d: {  	p2 =	sne.s32 s7, $0x0;
	s2 =	rddreg [dreg:$0x4];
	[sflag:s0] =	ssyncset.done @!p0 $0x0  }
0x2e: {  	s9 =	rddreg [dreg:$0x5];
	[sflag:s0] =	ssyncadd.s32 @!p0 $0xFFFFD800;
	s0 =	simm.s32 @!p2 $0x2  }
0x2f: {  	[tilespmem:s2], [sflag:$0x1] =	stream.linear.gather @!p1 [hbm4b:s9+s12], $0x1900, $0x38;
	[tilespmem:$0x1E280] =	vst v63  }
0x30: {  	s6 =	simm.s32 @p3 $0x1;
	p6 =	seq.s32 s7, $0x1;
	_ =	swait.ge @!p2 [sflag:s0], $0x2800  }
0x31: {  	p0 =	seq.s32 s7, $0x0;
	p1 =	por @!p4 $0x1, $0x1;
	[sflag:s0] =	ssyncset.done @!p2 $0x0  }
0x32: {  	s2 =	simm.s32 @!p4 $0x0;
	[sflag:s0] =	ssyncadd.s32 @!p2 $0xFFFFD800;
	s0 =	simm.s32 @!p0 $0x3  }
0x33: {  	s9 =	simm.s32 $0x1;
	s12 =	simm.s32 $0x1;
	_ =	swait.ge @!p0 [sflag:s0], $0x2800  }
0x34: {  	s2 =	simm.s32 @p4 $0x1;
	p1 =	por p1, p4;
	[sflag:s0] =	ssyncset.done @!p0 $0x0  }
0x35: {  	[smem:$0x7FB] =	sst s2;
	s2 =	simm.s32 @!p1 $0x1;
	[sflag:s0] =	ssyncadd.s32 @!p0 $0xFFFFD800  }
0x36: {  	s12 =	simm.s32 @!p3 $0x0;
	p2 =	por $0x0, $0x0;
	_ =	swait.ge @!p1 [sflag:s2], $0x1900  }
0x37: {  	s9 =	simm.s32 @!p2 $0x0;
	p0 =	sgt.u32 s5, $0x7A;
	s0 =	rddreg [dreg:$0x6]  }
0x38: {  	s5 =	sshrl.u32 s8, $0x1;
	s0 =	simm.s32 @!p2 $0x2;
	p2 =	sne.s32 @!p0 s7, $0x0  }
0x39: {  	s9 =	sxor.u32 s9, s29;
	s5 =	smul.u32 $0xFFFE2000, s5;
	p2 =	por p2, p0  }
0x3a: {  	[sflag:s2] =	ssyncset.done @!p1 $0x0;
	s25 =	sadd.s32 $0x0, s0;
	s17 =	smul.u32 @!p2 $0x6400, s9  }
0x3b: {  	s11 =	smul.u32 $0x6400, s12;
	[sflag:s2] =	ssyncadd.s32 @!p1 $0xFFFFE700;
	s2 =	sshll.u32 @!p2 s25, $0xA  }
0x3c: {  	s5 =	sshra.s32 s5, $0x2;
	s2 =	sshra.s32 @!p2 s2, $0x2;
	s17 =	sshrl.u32 @!p2 s17, $0x2  }
0x3d: {  	s12 =	sadd.s32 s5, s23;
	s18 =	simm.s32 @!p2 $0x50;
	s2 =	sadd.s32 @!p2 s2, s17  }
0x3e: {  	[tilespmem:s12], [sflag:$0x2] =	stream.indirect.gather @!p2 [hbm4b:s1+s18], $0x80, s2, s18, $0xb8;
	[tilespmem:$0x1E280] =	vst v63  }
0x3f: {  	p1 =	por !p6, !p6;
	s0 =	sshrl.u32 s11, $0x2;
	s18 =	smulhi.u32 $0xAAAAAAAB, s26  }
0x40: {  	[smem:$0x7FC] =	sst s6;
	p4 =	por p0, p1;
	s19 =	sor.u32 $0x80, s0  }
0x41: {  	s7 =	smul.u32 @!p4 $0x6400, s9;
	s25 =	sshll.u32 @!p4 s25, $0xA;
	s20 =	sshrl.u32 s18, $0x1  }
0x42: {  	s0 =	sadd.s32 $0x2800, s4;
	s5 =	sshra.s32 @!p4 s25, $0x2;
	s21 =	smul.u32 $0xFFFE2000, s20  }
0x43: {  	s25 =	smov.u32 s4;
	s7 =	sshrl.u32 @!p4 s7, $0x2;
	s17 =	sadd.s32 $0x1, s26  }
0x44: {  	s2 =	sadd.s32 $0x2800, s23;
	s18 =	sadd.s32 $0x100, s19;
	s9 =	sshra.s32 s21, $0x2  }
.LBB2_3:
0x45: {  	s6 =	sadd.s32 @!p4 s5, s7  }
0x46: {  	s20 =	simm.s32 @!p4 $0x50;
	s7 =	smov.u32 s30;
	s30 =	sadd.s32 $0x1, s30  }
0x47: {  	[tilespmem:s12], [sflag:$0x3] =	stream.indirect.gather @!p4 [hbm4b:s1+s20], $0x80, s6, s20, $0xb8;
	[tilespmem:$0x1E280] =	vst v63  }
0x48: {  	p0 =	sne.s32 s30, $0x19  }
0x49: {  	s11 =	sadd.s32 s7, s26;
	s8 =	simm.s32 @!p0 $0x0  }
0x4a: {  	s9 =	sadd.s32 s9, s25;
	s8 =	simm.s32 @p0 $0x1;
	p0 =	seq.s32 s11, $0x0  }
0x4b: {  	[spmem:s3] =	stream.indirect.scatter.add.f32 [tilespmem:s9], [sflag:$0x4], $0x80, s19, s16, $0xb8;
	[tilespmem:$0x1E280] =	vst v63  }
0x4c: {  	[smem:$0x7FA] =	sst s8;
	s20 =	simm.s32 @!p0 $0x4  }
0x4d: {  	_ =	swait.ge @!p0 [sflag:s20], $0x2800  }
0x4e: {  	s21 =	smov.u32 s31;
	s19 =	sld [smem:$0x7FB]  }
0x4f: {  	s12 =	smov.u32 s17;
	p4 =	sgt.u32 s11, $0x7A;
	s6 =	sand.u32 $0x1, s11  }
0x50: {  	s21 =	smulhi.u32 $0xAAAAAAAB, s21;
	p6 =	sne.s32 @!p4 s6, $0x0;
	p5 =	seq.s32 s6, $0x1  }
0x51: {  	p5 =	por !p5, !p5;
	p6 =	por p6, p4;
	p1 =	seq.s32 s19, $0x1  }
0x52: {  	[sflag:s20] =	ssyncset.done @!p0 $0x0;
	s9 =	rddreg [dreg:$0x4];
	p2 =	sne.s32 @!p1 s7, $0x0  }
0x53: {  	s11 =	rddreg [dreg:$0x5];
	p3 =	por p2, p1;
	p2 =	sne.s32 s6, $0x0  }
0x54: {  	[sflag:s20] =	ssyncadd.s32 @!p0 $0xFFFFD800;
	s8 =	simm.s32 @!p3 $0x0;
	s20 =	simm.s32 @!p2 $0x2  }
0x55: {  	[tilespmem:s9], [sflag:$0x1] =	stream.linear.gather @!p3 [hbm4b:s11+s8], $0x1900, $0x38;
	[tilespmem:$0x1E280] =	vst v63  }
0x56: {  	p4 =	por p4, p5;
	p0 =	sne.s32 @!p1 s7, $0x17;
	_ =	swait.ge @!p2 [sflag:s20], $0x2800  }
0x57: {  	p0 =	por p0, p1;
	p3 =	seq.s32 s6, $0x0;
	[sflag:s20] =	ssyncset.done @!p2 $0x0  }
0x58: {  	p1 =	sgt.u32 s7, $0x16;
	s6 =	simm.s32 @!p3 $0x3;
	[sflag:s20] =	ssyncadd.s32 @!p2 $0xFFFFD800  }
0x59: {  	s8 =	simm.s32 @!p0 $0x1;
	s11 =	simm.s32 $0x1;
	_ =	swait.ge @!p3 [sflag:s6], $0x2800  }
0x5a: {  	s11 =	simm.s32 @!p1 $0x0;
	s20 =	smulhi.u32 $0xAAAAAAAB, s12;
	[sflag:s6] =	ssyncset.done @!p3 $0x0  }
0x5b: {  	s9 =	sxor.u32 s11, s29;
	s12 =	sshrl.u32 s21, $0x1;
	[sflag:s6] =	ssyncadd.s32 @!p3 $0xFFFFD800  }
0x5c: {  	s21 =	smul.u32 @!p4 $0x6400, s9;
	s6 =	sshrl.u32 s20, $0x1;
	_ =	swait.ge @!p0 [sflag:s8], $0x1900  }
0x5d: {  	s6 =	smul.u32 $0xFFFE2000, s6;
	s11 =	rddreg [dreg:$0x6]  }
0x5e: {  	s20 =	smul.u32 @!p6 $0x6400, s9;
	s11 =	simm.s32 @!p1 $0x2  }
0x5f: {  	s9 =	sshra.s32 s6, $0x2;
	s6 =	smul.u32 $0xFFFE2000, s12;
	s11 =	sadd.s32 s7, s11  }
0x60: {  	s5 =	smov.u32 s2;
	s20 =	sshrl.u32 @!p6 s20, $0x2;
	s12 =	sshll.u32 @!p6 s11, $0xA  }
0x61: {  	s7 =	sshrl.u32 @!p4 s21, $0x2;
	s6 =	sshra.s32 s6, $0x2;
	s21 =	sshra.s32 @!p6 s12, $0x2  }
0x62: {  	s12 =	sadd.s32 s6, s5;
	s6 =	sadd.s32 @!p6 s21, s20;
	s21 =	sld [smem:$0x7FA]  }
0x63: {  	_ = 	snop  }
0x64: {  	[sflag:s8] =	ssyncset.done @!p0 $0x0  }
0x65: {  	[sflag:s8] =	ssyncadd.s32 @!p0 $0xFFFFE700;
	p0 =	seq.s32 s21, $0x1  }
.Ltmp0:
0x66: {  	s25 =	smov.u32 s0;
	(pc) =	sbr.rel @p0 .LBB2_3-.Ltmp0, $4  }
0x67: {  	s31 =	sadd.s32 $0x1, s31;
	s2 =	sadd.s32 $0x2800, s2;
	s0 =	sadd.s32 $0x2800, s0  }
0x68: {  	s17 =	sadd.s32 $0x1, s17;
	s19 =	smov.u32 s18;
	s11 =	sshll.u32 @!p4 s11, $0xA  }
0x69: {  	s18 =	sadd.s32 $0x100, s18;
	s8 =	simm.s32 @!p6 $0x50;
	s5 =	sshra.s32 @!p4 s11, $0x2  }
0x6a: {  	[tilespmem:s12], [sflag:$0x2] =	stream.indirect.gather @!p6 [hbm4b:s1+s8], $0x80, s6, s8, $0xb8;
	[tilespmem:$0x1E280] =	vst v63  }
0x6b: {  	s0 =	sadd.s32 @!p4 s5, s7;
	s2 =	simm.s32 @!p4 $0x50;
	s28 =	sadd.s32 $0x1, s28  }
0x6c: {  	[tilespmem:s12], [sflag:$0x3] =	stream.indirect.gather @!p4 [hbm4b:s1+s2], $0x80, s0, s2, $0xb8;
	[tilespmem:$0x1E280] =	vst v63  }
0x6d: {  	p0 =	sne.s32 s28, $0x5  }
.Ltmp1:
0x6e: {  	s31 =	sld [smem:$0x7FC];
	(pc) =	sbr.rel @p0 .LBB2_2-.Ltmp1, $4  }
0x6f: {  	s30 =	sadd.s32 s9, s25  }
0x70: {  	[spmem:s3] =	stream.indirect.scatter.add.f32 [tilespmem:s30], [sflag:$0x4], $0x80, s19, s16, $0xb8;
	[tilespmem:$0x1E280] =	vst v63  }
0x71: {  	s26 =	sadd.s32 $0x19, s26;
	s4 =	sadd.s32 $0x3E800, s4;
	p3 =	seq.s32 s31, $0x1  }
0x72: {  	s23 =	sadd.s32 $0x3E800, s23;
	s24 =	sadd.s32 $0x19, s24;
	p3 =	por !p3, !p3  }
0x73: {  	s0 =	simm.s32 $0x4  }
0x74: {  	_ =	swait.ge [sflag:s0], $0x2800  }
0x75: {  	[sflag:s0] =	ssyncset.done $0x0  }
0x76: {  	[sflag:s0] =	ssyncadd.s32 $0xFFFFD800  }
0x77: {  	[bflag:$0x0] =	sbarrier.arrive $0xFFFF  }
0x78: {  	s29 =	rddreg [dreg:$0x7]  }
0x79: {  	s4 =	rddreg [dreg:$0xc]  }
0x7a: {  	s2 =	rddreg [dreg:$0x8]  }
0x7b: {  	s0 =	sadd.s32 s29, s4;
	s2 =	sor.u32 $0x1C06, s2  }
0x7c: {  	[hbm:s0], [sflag:s2] =	dma.local [spmem:s13], $0x2700  }
0x7d: {  	_ =	swait.ge [sflag:s15], $0x2700  }
0x7e: {  	s30 =	sld [smem:$0x7FD];
	_ =	sdelay $0x2  }
0x7f: {  	[sflag:s15] =	ssyncset.done $0x0;
	p1 =	seq.s32 s30, $0x1  }
0x80: {  	[sflag:s15] =	ssyncadd.s32 $0xFFFFD900;
	s0 =	sadd.s32 @!p1 $0x27000, s4  }
0x81: {  	[hbm:s0], [sflag:s2] =	dma.local @!p1 [spmem:s14], $0x100  }
0x82: {  	s0 =	simm.s32 @!p1 $0x6  }
0x83: {  	_ =	swait.ge @!p1 [sflag:s0], $0x100  }
0x84: {  	s22 =	sadd.s32 $0x1, s22;
	s31 =	rddreg [dreg:$0xd]  }
0x85: {  	p0 =	sne.s32 s22, s31  }
.Ltmp2:
0x86: {  	_ = 	snop;
	(pc) =	sbr.rel @p0 .LBB2_1-.Ltmp2, $3  }
0x87: {  	_ =	sdelay $0x1  }
0x88: {  	[sflag:s0] =	ssyncset.done @!p1 $0x0  }
0x89: {  	[sflag:s0] =	ssyncadd.s32 @!p1 $0xFFFFFF00  }
0x8a: {  	_ =	sfence.sel $0x180000  }
0x8b: {  	[bflag:$0x0] =	sbarrier.arrive $0xFFFF  }
0x8c: {  	_ =	strace $0x9000004D  }
0x8d: {  	s0 =	stileid.u32;
	[bflag:$0x2] =	sbarrier.arrive $0xFFFF  }
0x8e: {  	p0 =	sne.s32 s0, $0x0;
	s0 =	rddreg [dreg:$0x3]  }
0x8f: {  	s0 =	sadd.s32 @!p0 $0x100000, s0  }
0x90: {  	[sflag:s0] =	ssyncadd.tile.s32 @!p0 $0x1;
	_ =	shalt  }
.Lfunc_end2:
_tile_overlayer_lowered:
.L_overlay_start_2:
0x91: {  	(tag) =	ssettag $0x2  }
0x92: {  	s0 =	rddreg [dreg:$0x0];
	s2 =	stileid.u32  }
0x93: {  	s1 =	rddreg [dreg:$0x1];
	p0 =	sne.s32 s2, $0x0  }
0x94: {  	s3 =	rddreg [dreg:$0x2];
	[bflag:$0x3] =	sbarrier.arrive $0xFFFF;
	s2 =	simm.s32 @!p0 $0x1C06  }
0x95: {  	[timem:s3], [sflag:s2] =	dma.local @!p0 [hbm:s0], s1  }
0x96: {  	s0 =	simm.s32 @!p0 $0x6  }
0x97: {  	_ =	swait.ge @!p0 [sflag:s0], s1  }
0x98: {  	s1 =	ssub.s32 @!p0 $0x0, s1;
	[sflag:s0] =	ssyncset.done @!p0 $0x0  }
0x99: {  	[sflag:s0] =	ssyncadd.s32 @!p0 s1  }
0x9a: {  	[bflag:$0x3] =	sbarrier.arrive $0xFFFF  }
0x9b: {  	_ =	shalt  }

// kernel: kernel.19.cloned.1.call-start
scs
__scs_entry_jumppad:
0x0: {  	(pc) =	sbr.rel $0x88, $3  }
0x1: {  	(tag) =	ssettag $0x0;
	lr =	simm.s32 $0x1  }
0x2: {  	[smem:$0x3F98] =	sst lr;
	_ =	strace $0xD0000000  }
0x3: {  	_ = 	snop  }
0x4: {  	_ = 	snop  }
0x5: {  	_ = 	snop  }
0x6: {  	_ = 	snop  }
0x7: {  	_ = 	snop  }
__scs_overlays_trampoline_lowered:
0x8: {  	[smem:$0x3FA7] =	sst s0  }
0x9: {  	[smem:$0x3FA8] =	sst s1  }
0xa: {  	[smem:$0x3FA9] =	sst s2  }
0xb: {  	[smem:$0x3FAA] =	sst s3  }
0xc: {  	[smem:$0x3FAB] =	sst s4  }
0xd: {  	[smem:$0x3FAC] =	sst s5  }
0xe: {  	[smem:$0x3FAD] =	sst s6  }
0xf: {  	[smem:$0x3FAE] =	sst s7  }
0x10: {  	[smem:$0x3FAF] =	sst s8  }
0x11: {  	[smem:$0x3FB0] =	sst s9;
	s0 =	simm.s32 @!p0 $0x0  }
0x12: {  	s1 =	sld [smem:$0x3F96];
	s0 =	simm.s32 @p0 $0x1  }
0x13: {  	[smem:$0x3FB1] =	sst s0;
	s0 =	simm.s32 @!p1 $0x0  }
0x14: {  	s2 =	sld [smem:$0x3F95];
	s0 =	simm.s32 @p1 $0x1  }
0x15: {  	[smem:$0x3FB2] =	sst s0;
	s0 =	simm.s32 @!p2 $0x0  }
0x16: {  	s3 =	sld [smem:$0x3FDB];
	s0 =	simm.s32 @p2 $0x1  }
0x17: {  	s4 =	simm.s32 $0x1BF5;
	[smem:$0x3FB4] =	sst s0  }
0x18: {  	s0 =	sld [smem:$0x3F97];
	_ =	swait.ge [sflag:s4], $0x0  }
0x19: {  	s7 =	sld [smem:$0x3F98]  }
0x1a: {  	s8 =	sadd.s32 $0xFFFFE003, lr  }
0x1b: {  	s9 =	sadd.s32 $0xFFFFFEF7, lr;
	s5 =	simm.s32 $0xFFFFFFFF;
	p2 =	slt.u32 s8, $0xFFFFF086  }
0x1c: {  	p1 =	slt.u32 s9, $0xF7A;
	s5 =	simm.s32 @!p2 $0x0  }
0x1d: {  	s5 =	simm.s32 @p1 $0x1;
	p0 =	seq.s32 s7, s2  }
0x1e: {  	s7 =	smul.u32 @!p0 $0xF7A, s2;
	p2 =	seq.s32 @!p0 s5, $0x0  }
0x1f: {  	s9 =	smul.u32 $0xF7A, s1;
	s8 =	simm.s32 @!p0 $0x1BF5;
	p2 =	por !p2, p0  }
0x20: {  	[sflag:s8] =	ssyncset.s32 @!p0 $0xFFFFF086;
	s6 =	sadd.s32 @!p0 s3, s7;
	s7 =	simm.s32 @!p0 $0x108  }
0x21: {  	s3 =	sadd.s32 s3, s9;
	s6 =	sadd.s32 @!p0 $0x88, s6;
	s7 =	simm.s32 @p2 $0x1082  }
0x22: {  	[simem:s7], [sflag:s8] =	dma.local @!p0 [hbm:s6], $0xF7A  }
0x23: {  	s9 =	sor.u32 $0xD0000000, s2;
	s6 =	simm.s32 $0x108;
	_ =	swait.ge @!p0 [sflag:s8], $0x0  }
0x24: {  	s3 =	sadd.s32 $0x88, s3;
	s6 =	simm.s32 @!p1 $0x1082;
	[sflag:s4] =	ssyncset.s32 $0xFFFFF086  }
0x25: {  	[simem:s6], [sflag:s4] =	dma.local [hbm:s3], $0xF7A  }
0x26: {  	[smem:$0x3F98] =	sst s1;
	(tag) =	ssettag s2;
	_ =	strace s9  }
0x27: {  	s1 =	sld [smem:$0x3FA8]  }
0x28: {  	s2 =	sld [smem:$0x3FA9]  }
0x29: {  	s4 =	sld [smem:$0x3FAB]  }
0x2a: {  	p0 =	seq.s32 s5, $0x0;
	s5 =	sld [smem:$0x3FAC]  }
0x2b: {  	s6 =	sld [smem:$0x3FAD]  }
0x2c: {  	s7 =	sld [smem:$0x3FAE]  }
0x2d: {  	s3 =	simm.s32 $0x108;
	s8 =	sld [smem:$0x3FAF]  }
0x2e: {  	s3 =	simm.s32 @!p0 $0x1082;
	s9 =	sld [smem:$0x3FB0]  }
0x2f: {  	lr =	sadd.s32 s0, s3;
	s0 =	sld [smem:$0x3FA7]  }
0x30: {  	s3 =	sld [smem:$0x3FAA]  }
0x31: {  	[smem:$0x3FB3] =	sst s10  }
0x32: {  	s10 =	sld [smem:$0x3FB1];
	_ =	sdelay $0x3  }
0x33: {  	p0 =	seq.s32 s10, $0x1;
	s10 =	sld [smem:$0x3FB3];
	_ =	sdelay $0x3  }
0x34: {  	[smem:$0x3FB3] =	sst s10  }
0x35: {  	s10 =	sld [smem:$0x3FB2];
	_ =	sdelay $0x3  }
0x36: {  	p1 =	seq.s32 s10, $0x1;
	s10 =	sld [smem:$0x3FB3];
	_ =	sdelay $0x3  }
0x37: {  	[smem:$0x3FB3] =	sst s10  }
0x38: {  	s10 =	sld [smem:$0x3FB4]  }
0x39: {  	_ = 	snop;
	(pc) =	sbr.ind lr, $3  }
0x3a: {  	_ = 	snop  }
0x3b: {  	_ = 	snop  }
0x3c: {  	p2 =	seq.s32 s10, $0x1;
	s10 =	sld [smem:$0x3FB3]  }
0x3d: {  	_ =	shalt  }
0x3e: {  	_ =	shalt  }
0x3f: {  	_ =	shalt  }
0x40: {  	_ =	shalt  }
0x41: {  	_ =	shalt  }
0x42: {  	_ =	shalt  }
0x43: {  	_ =	shalt  }
0x44: {  	_ =	shalt  }
0x45: {  	_ =	shalt  }
0x46: {  	_ =	shalt  }
0x47: {  	_ =	shalt  }
0x48: {  	_ =	shalt  }
0x49: {  	_ =	shalt  }
0x4a: {  	_ =	shalt  }
0x4b: {  	_ =	shalt  }
0x4c: {  	_ =	shalt  }
0x4d: {  	_ =	shalt  }
0x4e: {  	_ =	shalt  }
0x4f: {  	_ =	shalt  }
0x50: {  	_ =	shalt  }
0x51: {  	_ =	shalt  }
0x52: {  	_ =	shalt  }
0x53: {  	_ =	shalt  }
0x54: {  	_ =	shalt  }
0x55: {  	_ =	shalt  }
0x56: {  	_ =	shalt  }
0x57: {  	_ =	shalt  }
0x58: {  	_ =	shalt  }
0x59: {  	_ =	shalt  }
0x5a: {  	_ =	shalt  }
0x5b: {  	_ =	shalt  }
0x5c: {  	_ =	shalt  }
0x5d: {  	_ =	shalt  }
0x5e: {  	_ =	shalt  }
0x5f: {  	_ =	shalt  }
0x60: {  	_ =	shalt  }
0x61: {  	_ =	shalt  }
0x62: {  	_ =	shalt  }
0x63: {  	_ =	shalt  }
0x64: {  	_ =	shalt  }
0x65: {  	_ =	shalt  }
0x66: {  	_ =	shalt  }
0x67: {  	_ =	shalt  }
0x68: {  	_ =	shalt  }
0x69: {  	_ =	shalt  }
0x6a: {  	_ =	shalt  }
0x6b: {  	_ =	shalt  }
0x6c: {  	_ =	shalt  }
0x6d: {  	_ =	shalt  }
0x6e: {  	_ =	shalt  }
0x6f: {  	_ =	shalt  }
0x70: {  	_ =	shalt  }
0x71: {  	_ =	shalt  }
0x72: {  	_ =	shalt  }
0x73: {  	_ =	shalt  }
0x74: {  	_ =	shalt  }
0x75: {  	_ =	shalt  }
0x76: {  	_ =	shalt  }
0x77: {  	_ =	shalt  }
0x78: {  	_ =	shalt  }
0x79: {  	_ =	shalt  }
0x7a: {  	_ =	shalt  }
0x7b: {  	_ =	shalt  }
0x7c: {  	_ =	shalt  }
0x7d: {  	_ =	shalt  }
0x7e: {  	_ =	shalt  }
0x7f: {  	_ =	shalt  }
0x80: {  	_ =	shalt  }
0x81: {  	_ =	shalt  }
0x82: {  	_ =	shalt  }
0x83: {  	_ =	shalt  }
0x84: {  	_ =	shalt  }
0x85: {  	_ =	shalt  }
0x86: {  	_ =	shalt  }
0x87: {  	_ =	shalt  }
.Lfunc_end0:
.L_simem_size_0:
called_computation.3_lowered:
.L_overlay_start_0:
0x88: {  	s2 =	sld [smem:$0x3FD9]  }
0x89: {  	s3 =	sld [smem:$0x3FFE];
	_ =	sdelay $0x1  }
0x8a: {  	s1 =	srdreg.scid  }
0x8b: {  	s0 =	sand.u32 $0x1, s1  }
0x8c: {  	s17 =	sshll.u32 s0, $0xA;
	s2 =	sadd.s32 s3, s2  }
0x8d: {  	s2 =	sadd.s32 s2, s17  }
0x8e: {  	[smem:$0x3FBF] =	sst s2  }
0x8f: {  	_ = 	snop  }
0x90: {  	s2 =	sld [smem:$0x3FD0];
	(tm) =	ssettm $0x1  }
0x91: {  	s18 =	sld [smem:$0x3FFB];
	_ =	sdelay $0x3  }
0x92: {  	_ =	strace s18  }
0x93: {  	s3 =	sld [smem:$0x3FFC];
	_ =	sdelay $0x3  }
0x94: {  	_ =	strace s3  }
0x95: {  	s3 =	sld [smem:$0x3FFD];
	_ =	sdelay $0x3  }
0x96: {  	_ =	strace s3  }
0x97: {  	_ =	strace $0x8FFFFFFF  }
0x98: {  	s19 =	sld [smem:$0x3FDB];
	_ =	sdelay $0x1  }
0x99: {  	s4 =	simm.s32 $_scs_section_size  }
0x9a: {  	s5 =	simm.s32 $_size__tile_overlayer_lowered;
	s6 =	simm.s32 $_tile_overlayer_lowered  }
0x9b: {  	s22 =	simm.s32 $0x1BFF;
	s21 =	sshll.u32 s6, $0x1;
	s3 =	sadd.s32 s4, s19  }
0x9c: {  	s7 =	simm.s32 $0x0;
	s20 =	sshll.u32 s5, $0x1;
	s5 =	sadd.s32 s21, s3  }
0x9d: {  	[timem:s7], [sflag:s22] =	dma.local [hbm:s5], s20  }
0x9e: {  	_ =	swait.ge [sflag:s22], s20  }
0x9f: {  	s4 =	ssub.s32 $0x0, s20;
	[sflag:s22] =	ssyncset.done $0x0  }
0xa0: {  	[sflag:s22] =	ssyncadd.s32 s4;
	_ =	sdelay $0x1  }
0xa1: {  	s23 =	simm.s32 $0x1B8B  }
0xa2: {  	_ =	swait.ge [sflag:s23], $0x1  }
0xa3: {  	[sflag:s23] =	ssyncset.done $0x0  }
0xa4: {  	s25 =	simm.s32 $0x1B8E;
	s24 =	sld [smem:$0x3FFE];
	[sflag:s23] =	ssyncadd.s32 $0xFFFFFFFF  }
0xa5: {  	s26 =	simm.s32 $execute0_lowered;
	[smem:$0x3FD2] =	sst s25  }
0xa6: {  	s5 =	sshll.u32 s26, $0x1;
	_ =	strace $0x8000004F;
	[dreg:$0x1] =	wrdreg $0xFFFFFFFF  }
0xa7: {  	s28 =	simm.s32 $_size_execute0_lowered;
	s3 =	sadd.s32 s3, s5;
	[dreg:$0x0] =	wrdreg $0x0  }
0xa8: {  	s5 =	sshll.u32 s28, $0x1;
	[dreg:$0x2] =	wrdreg s3  }
0xa9: {  	[dreg:$0x3] =	wrdreg s5  }
0xaa: {  	[dreg:$0x4] =	wrdreg $0xC0  }
0xab: {  	_ =	task [dreg:s7], $0x5FFFF  }
0xac: {  	[dreg:$0x1] =	wrdreg $0xFFFFFFFF  }
0xad: {  	[dreg:$0x0] =	wrdreg $0x60  }
0xae: {  	[dreg:$0x2] =	wrdreg s2  }
0xaf: {  	[dreg:$0x3] =	wrdreg s24  }
0xb0: {  	[dreg:$0x4] =	wrdreg $0xAA000  }
0xb1: {  	[dreg:$0x5] =	wrdreg $0x9  }
0xb2: {  	_ =	task.clear_ibuf [dreg:s7], $0x6FFFF;
	_ =	strace $0x9000004F  }
0xb3: {  	s29 =	simm.s32 $0x9;
	_ =	strace $0x80000051  }
0xb4: {  	_ =	swait.ge [sflag:s29], $0x1  }
0xb5: {  	[sflag:s29] =	ssyncadd.s32 $0xFFFFFFFF  }
0xb6: {  	_ =	strace $0x90000051  }
0xb7: {  	_ =	sfence  }
0xb8: {  	s30 =	sld [smem:$0x0];
	_ =	sdelay $0x2  }
0xb9: {  	s31 =	sshll.u32 s1, $0xD;
	s1 =	sshrl.u32 s1, $0x2  }
0xba: {  	s3 =	sand.u32 $0x4000, s31;
	s1 =	sadd.s32 s1, s30  }
0xbb: {  	s0 =	sor.u32 s3, s0;
	s1 =	sshll.u32 s1, $0x11  }
0xbc: {  	s0 =	sor.u32 s1, s0  }
0xbd: {  	s0 =	sadd.s32 $0x8F2B, s0  }
0xbe: {  	[sflag:s0] =	ssyncadd.remote.s32 $0x1  }
0xbf: {  	_ =	sfence.sel $0xFFFF  }
0xc0: {  	[dreg:$0x0] =	wrdreg $0xFFFFFFFF;
	(pc) =	sbr.abs _section_cstart, $3  }
0xc1: {  	[dreg:$0x1] =	wrdreg $0xFFFFFFFF  }
0xc2: {  	_ =	task.clear_ibuf [dreg:s7], $0x2FFFF;
	_ =	strace $0x9FFFFFFF  }
0xc3: {  	(tm) =	ssettm $0x7FFFFFFF  }
tec
execute0_lowered:
.L_overlay_start_1:
0x0: {  	(tag) =	ssettag $0x1  }
0x1: {  	s0 =	srdreg.scid;
	s1 =	rddreg [dreg:$0x0]  }
0x2: {  	s2 =	rddreg [dreg:$0x1];
	s11 =	stileid.u32  }
0x3: {  	s3 =	rddreg [dreg:$0x2];
	s5 =	simm.s32 $0x0;
	s15 =	simm.s32 $0x6  }
0x4: {  	s16 =	simm.s32 $0x50;
	s31 =	simm.s32 $0xFFFFFFE9;
	s22 =	simm.s32 $0x0  }
0x5: {  	s0 =	sand.u32 $0x1, s0;
	[smem:$0x7FF] =	sst s5;
	s7 =	smul.u32 $0x2700, s11  }
0x6: {  	s6 =	smul.u32 $0x4E000, s11;
	s29 =	sshll.u32 s11, $0x6;
	p1 =	sne.s32 s11, $0xF  }
0x7: {  	s4 =	sshll.u32 s0, $0x4;
	_ =	strace $0x80000050;
	[dreg:$0x8] =	wrdreg s29  }
0x8: {  	s26 =	smul.u32 $0x27100, s0;
	s0 =	ssub.s32 $0x2, s0;
	[dreg:$0x6] =	wrdreg s31  }
0x9: {  	s4 =	sor.u32 s11, s4;
	[dreg:$0x7] =	wrdreg s7;
	s7 =	sadd.s32 s7, s2  }
0xa: {  	s8 =	sshrl.u32 s0, $0x1;
	s28 =	sshrl.u32 s6, $0x2;
	s6 =	sor.u32 $0x1C05, s29  }
0xb: {  	s4 =	smul.u32 $0xFA0, s4;
	s5 =	sadd.s32 s26, s2;
	s0 =	ssub.s32 s0, s8  }
0xc: {  	s9 =	sadd.s32 s28, s3;
	s7 =	sadd.s32 $0x23800, s7;
	[dreg:$0xa] =	wrdreg s6  }
0xd: {  	[dreg:$0x9] =	wrdreg s7;
	s7 =	sadd.s32 $0x138000, s3;
	s30 =	sadd.s32 $0x4AA00, s5  }
0xe: {  	s0 =	smax.u32 s0, $0x1;
	s4 =	sadd.s32 s4, s2;
	[dreg:$0xc] =	wrdreg s30  }
0xf: {  	s2 =	sadd.s32 $0x4A800, s2;
	[dreg:$0xd] =	wrdreg s0;
	s0 =	simm.s32 @!p1 $0x0  }
0x10: {  	s13 =	sshrl.u32 s9, $0x3;
	[dreg:$0xb] =	wrdreg s2;
	s0 =	simm.s32 @p1 $0x1  }
0x11: {  	s14 =	sshrl.u32 @!p1 s7, $0x3;
	s10 =	sadd.s32 $0x4400, s4;
	[smem:$0x7FD] =	sst s0  }
.LBB2_1:
0x12: {  	s0 =	rddreg [dreg:$0x9]  }
0x13: {  	s2 =	rddreg [dreg:$0xa]  }
0x14: {  	[spmem:s13], [sflag:s2] =	dma.local [hbm:s0], $0x2700  }
0x15: {  	s25 =	simm.s32 $0x0;
	s0 =	rddreg [dreg:$0xb]  }
0x16: {  	[spmem:s14], [sflag:s2] =	dma.local @!p1 [hbm:s0], $0x100  }
0x17: {  	[tilespmem:s25], [sflag:$0x6] =	stream.linear.gather [hbm4b:s10+s25], $0x1900, $0x38;
	[tilespmem:$0x1E280] =	vst v63  }
0x18: {  	_ =	swait.ge [sflag:s15], $0x1900  }
0x19: {  	[sflag:s15] =	ssyncset.done $0x0  }
0x1a: {  	s26 =	simm.s32 $0x3200;
	[sflag:s15] =	ssyncadd.s32 $0xFFFFE700  }
0x1b: {  	[tilespmem:s26], [sflag:$0x2] =	stream.indirect.gather [hbm4b:s1+s16], $0x80, s25, s16, $0xb8;
	[tilespmem:$0x1E280] =	vst v63  }
0x1c: {  	s29 =	simm.s32 $0x100;
	s30 =	simm.s32 $0x5A00;
	s31 =	simm.s32 $0x5  }
0x1d: {  	[tilespmem:s30], [sflag:$0x3] =	stream.indirect.gather [hbm4b:s1+s16], $0x80, s29, s16, $0xb8;
	[tilespmem:$0x1E280] =	vst v63  }
0x1e: {  	_ =	swait.ge [sflag:s31], $0x2700  }
0x1f: {  	[sflag:s31] =	ssyncset.done $0x0  }
0x20: {  	s0 =	simm.s32 @!p1 $0x5;
	[sflag:s31] =	ssyncadd.s32 $0xFFFFD900  }
0x21: {  	_ =	swait.ge @!p1 [sflag:s0], $0x100  }
0x22: {  	p3 =	por $0x0, $0x0;
	s23 =	simm.s32 $0x8200;
	[sflag:s0] =	ssyncset.done @!p1 $0x0  }
0x23: {  	s24 =	simm.s32 $0x2;
	s4 =	simm.s32 $0x3200;
	[sflag:s0] =	ssyncadd.s32 @!p1 $0xFFFFFF00  }
0x24: {  	s28 =	simm.s32 $0x0;
	s26 =	simm.s32 $0x0;
	[bflag:$0x0] =	sbarrier.arrive $0xFFFF  }
.LBB2_2:
0x25: {  	s29 =	sand.u32 $0x1, s28;
	s2 =	smul.u32 $0x1900, s28  }
0x26: {  	s5 =	sadd.s32 $0x0, s26;
	s8 =	smulhi.u32 $0xAAAAAAAB, s24;
	s0 =	sxor.u32 $0x1, s29  }
0x27: {  	p4 =	seq.s32 s28, $0x4;
	s6 =	simm.s32 @!p3 $0x0;
	s0 =	smul.u32 $0x6400, s0  }
0x28: {  	s30 =	simm.s32 $0x1;
	s31 =	sadd.s32 $0x1, s24;
	s2 =	sshrl.u32 s2, $0x3  }
0x29: {  	p0 =	seq.s32 s5, $0x0;
	s2 =	sadd.s32 s10, s2;
	s0 =	sshrl.u32 s0, $0x2  }
0x2a: {  	p1 =	por @!p4 $0x0, $0x0;
	s7 =	sadd.s32 $0x320, s2;
	[dreg:$0x4] =	wrdreg s0  }
0x2b: {  	p1 =	por p1, p4;
	[dreg:$0x5] =	wrdreg s7;
	s0 =	simm.s32 @!p0 $0x4  }
0x2c: {  	s12 =	simm.s32 @!p1 $0x0;
	s7 =	sand.u32 $0x1, s5;
	_ =	swait.ge @!p0 [sflag:s0], $0x2800  }
0x2d: {  	p2 =	sne.s32 s7, $0x0;
	s2 =	rddreg [dreg:$0x4];
	[sflag:s0] =	ssyncset.done @!p0 $0x0  }
0x2e: {  	s9 =	rddreg [dreg:$0x5];
	[sflag:s0] =	ssyncadd.s32 @!p0 $0xFFFFD800;
	s0 =	simm.s32 @!p2 $0x2  }
0x2f: {  	[tilespmem:s2], [sflag:$0x1] =	stream.linear.gather @!p1 [hbm4b:s9+s12], $0x1900, $0x38;
	[tilespmem:$0x1E280] =	vst v63  }
0x30: {  	s6 =	simm.s32 @p3 $0x1;
	p6 =	seq.s32 s7, $0x1;
	_ =	swait.ge @!p2 [sflag:s0], $0x2800  }
0x31: {  	p0 =	seq.s32 s7, $0x0;
	p1 =	por @!p4 $0x1, $0x1;
	[sflag:s0] =	ssyncset.done @!p2 $0x0  }
0x32: {  	s2 =	simm.s32 @!p4 $0x0;
	[sflag:s0] =	ssyncadd.s32 @!p2 $0xFFFFD800;
	s0 =	simm.s32 @!p0 $0x3  }
0x33: {  	s9 =	simm.s32 $0x1;
	s12 =	simm.s32 $0x1;
	_ =	swait.ge @!p0 [sflag:s0], $0x2800  }
0x34: {  	s2 =	simm.s32 @p4 $0x1;
	p1 =	por p1, p4;
	[sflag:s0] =	ssyncset.done @!p0 $0x0  }
0x35: {  	[smem:$0x7FB] =	sst s2;
	s2 =	simm.s32 @!p1 $0x1;
	[sflag:s0] =	ssyncadd.s32 @!p0 $0xFFFFD800  }
0x36: {  	s12 =	simm.s32 @!p3 $0x0;
	p2 =	por $0x0, $0x0;
	_ =	swait.ge @!p1 [sflag:s2], $0x1900  }
0x37: {  	s9 =	simm.s32 @!p2 $0x0;
	p0 =	sgt.u32 s5, $0x7A;
	s0 =	rddreg [dreg:$0x6]  }
0x38: {  	s5 =	sshrl.u32 s8, $0x1;
	s0 =	simm.s32 @!p2 $0x2;
	p2 =	sne.s32 @!p0 s7, $0x0  }
0x39: {  	s9 =	sxor.u32 s9, s29;
	s5 =	smul.u32 $0xFFFE2000, s5;
	p2 =	por p2, p0  }
0x3a: {  	[sflag:s2] =	ssyncset.done @!p1 $0x0;
	s25 =	sadd.s32 $0x0, s0;
	s17 =	smul.u32 @!p2 $0x6400, s9  }
0x3b: {  	s11 =	smul.u32 $0x6400, s12;
	[sflag:s2] =	ssyncadd.s32 @!p1 $0xFFFFE700;
	s2 =	sshll.u32 @!p2 s25, $0xA  }
0x3c: {  	s5 =	sshra.s32 s5, $0x2;
	s2 =	sshra.s32 @!p2 s2, $0x2;
	s17 =	sshrl.u32 @!p2 s17, $0x2  }
0x3d: {  	s12 =	sadd.s32 s5, s23;
	s18 =	simm.s32 @!p2 $0x50;
	s2 =	sadd.s32 @!p2 s2, s17  }
0x3e: {  	[tilespmem:s12], [sflag:$0x2] =	stream.indirect.gather @!p2 [hbm4b:s1+s18], $0x80, s2, s18, $0xb8;
	[tilespmem:$0x1E280] =	vst v63  }
0x3f: {  	p1 =	por !p6, !p6;
	s0 =	sshrl.u32 s11, $0x2;
	s18 =	smulhi.u32 $0xAAAAAAAB, s26  }
0x40: {  	[smem:$0x7FC] =	sst s6;
	p4 =	por p0, p1;
	s19 =	sor.u32 $0x80, s0  }
0x41: {  	s7 =	smul.u32 @!p4 $0x6400, s9;
	s25 =	sshll.u32 @!p4 s25, $0xA;
	s20 =	sshrl.u32 s18, $0x1  }
0x42: {  	s0 =	sadd.s32 $0x2800, s4;
	s5 =	sshra.s32 @!p4 s25, $0x2;
	s21 =	smul.u32 $0xFFFE2000, s20  }
0x43: {  	s25 =	smov.u32 s4;
	s7 =	sshrl.u32 @!p4 s7, $0x2;
	s17 =	sadd.s32 $0x1, s26  }
0x44: {  	s2 =	sadd.s32 $0x2800, s23;
	s18 =	sadd.s32 $0x100, s19;
	s9 =	sshra.s32 s21, $0x2  }
.LBB2_3:
0x45: {  	s6 =	sadd.s32 @!p4 s5, s7  }
0x46: {  	s20 =	simm.s32 @!p4 $0x50;
	s7 =	smov.u32 s30;
	s30 =	sadd.s32 $0x1, s30  }
0x47: {  	[tilespmem:s12], [sflag:$0x3] =	stream.indirect.gather @!p4 [hbm4b:s1+s20], $0x80, s6, s20, $0xb8;
	[tilespmem:$0x1E280] =	vst v63  }
0x48: {  	p0 =	sne.s32 s30, $0x19  }
0x49: {  	s11 =	sadd.s32 s7, s26;
	s8 =	simm.s32 @!p0 $0x0  }
0x4a: {  	s9 =	sadd.s32 s9, s25;
	s8 =	simm.s32 @p0 $0x1;
	p0 =	seq.s32 s11, $0x0  }
0x4b: {  	[spmem:s3] =	stream.indirect.scatter.add.f32 [tilespmem:s9], [sflag:$0x4], $0x80, s19, s16, $0xb8;
	[tilespmem:$0x1E280] =	vst v63  }
0x4c: {  	[smem:$0x7FA] =	sst s8;
	s20 =	simm.s32 @!p0 $0x4  }
0x4d: {  	_ =	swait.ge @!p0 [sflag:s20], $0x2800  }
0x4e: {  	s21 =	smov.u32 s31;
	s19 =	sld [smem:$0x7FB]  }
0x4f: {  	s12 =	smov.u32 s17;
	p4 =	sgt.u32 s11, $0x7A;
	s6 =	sand.u32 $0x1, s11  }
0x50: {  	s21 =	smulhi.u32 $0xAAAAAAAB, s21;
	p6 =	sne.s32 @!p4 s6, $0x0;
	p5 =	seq.s32 s6, $0x1  }
0x51: {  	p5 =	por !p5, !p5;
	p6 =	por p6, p4;
	p1 =	seq.s32 s19, $0x1  }
0x52: {  	[sflag:s20] =	ssyncset.done @!p0 $0x0;
	s9 =	rddreg [dreg:$0x4];
	p2 =	sne.s32 @!p1 s7, $0x0  }
0x53: {  	s11 =	rddreg [dreg:$0x5];
	p3 =	por p2, p1;
	p2 =	sne.s32 s6, $0x0  }
0x54: {  	[sflag:s20] =	ssyncadd.s32 @!p0 $0xFFFFD800;
	s8 =	simm.s32 @!p3 $0x0;
	s20 =	simm.s32 @!p2 $0x2  }
0x55: {  	[tilespmem:s9], [sflag:$0x1] =	stream.linear.gather @!p3 [hbm4b:s11+s8], $0x1900, $0x38;
	[tilespmem:$0x1E280] =	vst v63  }
0x56: {  	p4 =	por p4, p5;
	p0 =	sne.s32 @!p1 s7, $0x17;
	_ =	swait.ge @!p2 [sflag:s20], $0x2800  }
0x57: {  	p0 =	por p0, p1;
	p3 =	seq.s32 s6, $0x0;
	[sflag:s20] =	ssyncset.done @!p2 $0x0  }
0x58: {  	p1 =	sgt.u32 s7, $0x16;
	s6 =	simm.s32 @!p3 $0x3;
	[sflag:s20] =	ssyncadd.s32 @!p2 $0xFFFFD800  }
0x59: {  	s8 =	simm.s32 @!p0 $0x1;
	s11 =	simm.s32 $0x1;
	_ =	swait.ge @!p3 [sflag:s6], $0x2800  }
0x5a: {  	s11 =	simm.s32 @!p1 $0x0;
	s20 =	smulhi.u32 $0xAAAAAAAB, s12;
	[sflag:s6] =	ssyncset.done @!p3 $0x0  }
0x5b: {  	s9 =	sxor.u32 s11, s29;
	s12 =	sshrl.u32 s21, $0x1;
	[sflag:s6] =	ssyncadd.s32 @!p3 $0xFFFFD800  }
0x5c: {  	s21 =	smul.u32 @!p4 $0x6400, s9;
	s6 =	sshrl.u32 s20, $0x1;
	_ =	swait.ge @!p0 [sflag:s8], $0x1900  }
0x5d: {  	s6 =	smul.u32 $0xFFFE2000, s6;
	s11 =	rddreg [dreg:$0x6]  }
0x5e: {  	s20 =	smul.u32 @!p6 $0x6400, s9;
	s11 =	simm.s32 @!p1 $0x2  }
0x5f: {  	s9 =	sshra.s32 s6, $0x2;
	s6 =	smul.u32 $0xFFFE2000, s12;
	s11 =	sadd.s32 s7, s11  }
0x60: {  	s5 =	smov.u32 s2;
	s20 =	sshrl.u32 @!p6 s20, $0x2;
	s12 =	sshll.u32 @!p6 s11, $0xA  }
0x61: {  	s7 =	sshrl.u32 @!p4 s21, $0x2;
	s6 =	sshra.s32 s6, $0x2;
	s21 =	sshra.s32 @!p6 s12, $0x2  }
0x62: {  	s12 =	sadd.s32 s6, s5;
	s6 =	sadd.s32 @!p6 s21, s20;
	s21 =	sld [smem:$0x7FA]  }
0x63: {  	_ = 	snop  }
0x64: {  	[sflag:s8] =	ssyncset.done @!p0 $0x0  }
0x65: {  	[sflag:s8] =	ssyncadd.s32 @!p0 $0xFFFFE700;
	p0 =	seq.s32 s21, $0x1  }
.Ltmp0:
0x66: {  	s25 =	smov.u32 s0;
	(pc) =	sbr.rel @p0 .LBB2_3-.Ltmp0, $4  }
0x67: {  	s31 =	sadd.s32 $0x1, s31;
	s2 =	sadd.s32 $0x2800, s2;
	s0 =	sadd.s32 $0x2800, s0  }
0x68: {  	s17 =	sadd.s32 $0x1, s17;
	s19 =	smov.u32 s18;
	s11 =	sshll.u32 @!p4 s11, $0xA  }
0x69: {  	s18 =	sadd.s32 $0x100, s18;
	s8 =	simm.s32 @!p6 $0x50;
	s5 =	sshra.s32 @!p4 s11, $0x2  }
0x6a: {  	[tilespmem:s12], [sflag:$0x2] =	stream.indirect.gather @!p6 [hbm4b:s1+s8], $0x80, s6, s8, $0xb8;
	[tilespmem:$0x1E280] =	vst v63  }
0x6b: {  	s0 =	sadd.s32 @!p4 s5, s7;
	s2 =	simm.s32 @!p4 $0x50;
	s28 =	sadd.s32 $0x1, s28  }
0x6c: {  	[tilespmem:s12], [sflag:$0x3] =	stream.indirect.gather @!p4 [hbm4b:s1+s2], $0x80, s0, s2, $0xb8;
	[tilespmem:$0x1E280] =	vst v63  }
0x6d: {  	p0 =	sne.s32 s28, $0x5  }
.Ltmp1:
0x6e: {  	s31 =	sld [smem:$0x7FC];
	(pc) =	sbr.rel @p0 .LBB2_2-.Ltmp1, $4  }
0x6f: {  	s30 =	sadd.s32 s9, s25  }
0x70: {  	[spmem:s3] =	stream.indirect.scatter.add.f32 [tilespmem:s30], [sflag:$0x4], $0x80, s19, s16, $0xb8;
	[tilespmem:$0x1E280] =	vst v63  }
0x71: {  	s26 =	sadd.s32 $0x19, s26;
	s4 =	sadd.s32 $0x3E800, s4;
	p3 =	seq.s32 s31, $0x1  }
0x72: {  	s23 =	sadd.s32 $0x3E800, s23;
	s24 =	sadd.s32 $0x19, s24;
	p3 =	por !p3, !p3  }
0x73: {  	s0 =	simm.s32 $0x4  }
0x74: {  	_ =	swait.ge [sflag:s0], $0x2800  }
0x75: {  	[sflag:s0] =	ssyncset.done $0x0  }
0x76: {  	[sflag:s0] =	ssyncadd.s32 $0xFFFFD800  }
0x77: {  	[bflag:$0x0] =	sbarrier.arrive $0xFFFF  }
0x78: {  	s29 =	rddreg [dreg:$0x7]  }
0x79: {  	s4 =	rddreg [dreg:$0xc]  }
0x7a: {  	s2 =	rddreg [dreg:$0x8]  }
0x7b: {  	s0 =	sadd.s32 s29, s4;
	s2 =	sor.u32 $0x1C06, s2  }
0x7c: {  	[hbm:s0], [sflag:s2] =	dma.local [spmem:s13], $0x2700  }
0x7d: {  	_ =	swait.ge [sflag:s15], $0x2700  }
0x7e: {  	s30 =	sld [smem:$0x7FD];
	_ =	sdelay $0x2  }
0x7f: {  	[sflag:s15] =	ssyncset.done $0x0;
	p1 =	seq.s32 s30, $0x1  }
0x80: {  	[sflag:s15] =	ssyncadd.s32 $0xFFFFD900;
	s0 =	sadd.s32 @!p1 $0x27000, s4  }
0x81: {  	[hbm:s0], [sflag:s2] =	dma.local @!p1 [spmem:s14], $0x100  }
0x82: {  	s0 =	simm.s32 @!p1 $0x6  }
0x83: {  	_ =	swait.ge @!p1 [sflag:s0], $0x100  }
0x84: {  	s22 =	sadd.s32 $0x1, s22;
	s31 =	rddreg [dreg:$0xd]  }
0x85: {  	p0 =	sne.s32 s22, s31  }
.Ltmp2:
0x86: {  	_ = 	snop;
	(pc) =	sbr.rel @p0 .LBB2_1-.Ltmp2, $3  }
0x87: {  	_ =	sdelay $0x1  }
0x88: {  	[sflag:s0] =	ssyncset.done @!p1 $0x0  }
0x89: {  	[sflag:s0] =	ssyncadd.s32 @!p1 $0xFFFFFF00  }
0x8a: {  	_ =	sfence.sel $0x180000  }
0x8b: {  	[bflag:$0x0] =	sbarrier.arrive $0xFFFF  }
0x8c: {  	_ =	strace $0x90000050  }
0x8d: {  	s0 =	stileid.u32;
	[bflag:$0x2] =	sbarrier.arrive $0xFFFF  }
0x8e: {  	p0 =	sne.s32 s0, $0x0;
	s0 =	rddreg [dreg:$0x3]  }
0x8f: {  	s0 =	sadd.s32 @!p0 $0x100000, s0  }
0x90: {  	[sflag:s0] =	ssyncadd.tile.s32 @!p0 $0x1;
	_ =	shalt  }
.Lfunc_end2:
_tile_overlayer_lowered:
.L_overlay_start_2:
0x91: {  	(tag) =	ssettag $0x2  }
0x92: {  	s0 =	rddreg [dreg:$0x0];
	s2 =	stileid.u32  }
0x93: {  	s1 =	rddreg [dreg:$0x1];
	p0 =	sne.s32 s2, $0x0  }
0x94: {  	s3 =	rddreg [dreg:$0x2];
	[bflag:$0x3] =	sbarrier.arrive $0xFFFF;
	s2 =	simm.s32 @!p0 $0x1C06  }
0x95: {  	[timem:s3], [sflag:s2] =	dma.local @!p0 [hbm:s0], s1  }
0x96: {  	s0 =	simm.s32 @!p0 $0x6  }
0x97: {  	_ =	swait.ge @!p0 [sflag:s0], s1  }
0x98: {  	s1 =	ssub.s32 @!p0 $0x0, s1;
	[sflag:s0] =	ssyncset.done @!p0 $0x0  }
0x99: {  	[sflag:s0] =	ssyncadd.s32 @!p0 s1  }
0x9a: {  	[bflag:$0x3] =	sbarrier.arrive $0xFFFF  }
0x9b: {  	_ =	shalt  }

</sc_bundles>
